<compile_context>
chip_gen: v7x
topology: tpu7x:2x2x1
jax: 0.10.2.dev20260603
libtpu: 0.0.44.dev20260713+nightly
codegen_flags: <defaults>
</compile_context>

<pallas_src>
import jax
import jax.numpy as jnp
from jax import lax
from jax.experimental import pallas as pl
from jax.experimental.pallas import tpu as pltpu
from jax.experimental.pallas import tpu_sc as plsc

N = 10000
E = 160000
D_IN = 386
H = 128
NG = 64

RB = 1000
NRB = N // RB

NSC = 2
NTILE = 16
NW = NSC * NTILE
CH = 128
CPW = 40
EP = NW * CPW * CH
NACC = 10112
ZCH = (128, 128, 128, 128, 120)
ORT = NACC // NTILE
RING = 2
DSEM = 4

_f32 = jnp.float32


def _sc_mesh():
    return plsc.VectorSubcoreMesh(core_axis_name="c", subcore_axis_name="s")


def _deg_body(dstr, ones_in, zrow, out, acc, dstv, obuf, zbuf, *sems):
    cid = lax.axis_index("c")
    sid = lax.axis_index("s")
    wid = cid * NTILE + sid
    pltpu.sync_copy(dstr.at[pl.ds(wid * CPW, CPW)], dstv)
    pltpu.sync_copy(ones_in, obuf)
    pltpu.sync_copy(zrow, zbuf)
    zb = sid * ORT
    off = 0
    for sz in ZCH:
        pltpu.sync_copy(zbuf.at[pl.ds(0, sz)], acc.at[pl.ds(zb + off, sz)])
        off += sz
    plsc.subcore_barrier()

    for j in range(CPW):
        if j >= DSEM:
            pltpu.make_async_copy(
                obuf, acc.at[dstv.at[j - DSEM]], sems[j % DSEM]
            ).wait()
        pltpu.async_copy(obuf, acc.at[dstv.at[j]], sems[j % DSEM], add=True)
    for j in range(CPW - DSEM, CPW):
        pltpu.make_async_copy(obuf, acc.at[dstv.at[j]], sems[j % DSEM]).wait()

    plsc.subcore_barrier()
    ob = sid * ORT
    pltpu.sync_copy(acc.at[pl.ds(ob, ORT)], out.at[cid, pl.ds(ob, ORT)])


def _scat_body(g, srcr, dstr, zrow, out,
               acc, srcv, dstv, b0, b1,
               g0, g1, s0, s1):
    bufs = (b0, b1)
    gsem = (g0, g1)
    ssem = (s0, s1)
    cid = lax.axis_index("c")
    sid = lax.axis_index("s")
    wid = cid * NTILE + sid
    pltpu.sync_copy(srcr.at[pl.ds(wid * CPW, CPW)], srcv)
    pltpu.sync_copy(dstr.at[pl.ds(wid * CPW, CPW)], dstv)
    pltpu.sync_copy(zrow, b0)
    zb = sid * ORT
    off = 0
    for sz in ZCH:
        pltpu.sync_copy(b0.at[pl.ds(0, sz)], acc.at[pl.ds(zb + off, sz)])
        off += sz
    plsc.subcore_barrier()

    for b in range(RING):
        pltpu.async_copy(g.at[srcv.at[b]], bufs[b], gsem[b])

    def body(it, carry):
        j0 = it * RING
        for b in range(RING):
            pltpu.make_async_copy(g.at[srcv.at[j0 + b]], bufs[b], gsem[b]).wait()
            pltpu.async_copy(bufs[b], acc.at[dstv.at[j0 + b]], ssem[b], add=True)
        for b in range(RING):
            jn = j0 + RING + b
            pltpu.make_async_copy(bufs[b], acc.at[dstv.at[j0 + b]], ssem[b]).wait()

            @pl.when(jn < CPW)
            def _():
                pltpu.async_copy(g.at[srcv.at[jn]], bufs[b], gsem[b])

        return carry

    lax.fori_loop(0, CPW // RING, body, 0)
    plsc.subcore_barrier()
    ob = sid * ORT
    pltpu.sync_copy(acc.at[pl.ds(ob, ORT)], out.at[cid, pl.ds(ob, ORT)])


def _deg_of(d_ref):
    return 1.0 + d_ref[0, :, 0:1] + d_ref[1, :, 0:1]


def _mm1_body(x_ref, w_ref, d_ref, h_ref, g_ref):
    h = jnp.dot(x_ref[...], w_ref[...], preferred_element_type=_f32)
    dinv = lax.rsqrt(_deg_of(d_ref))
    h_ref[...] = h
    g_ref[...] = h * dinv


def _mm2_body(a_ref, h1_ref, d_ref, w2_ref, b1_ref, h2_ref, g2_ref):
    deg = _deg_of(d_ref)
    dinv = lax.rsqrt(deg)
    z = dinv * (a_ref[0] + a_ref[1]) + h1_ref[...] / deg + b1_ref[...]
    z = jnp.maximum(z, 0.0)
    h2 = jnp.dot(z, w2_ref[...], preferred_element_type=_f32)
    h2_ref[...] = h2
    g2_ref[...] = h2 * dinv


def _final_body(a_ref, h2_ref, d_ref, b2_ref, bt_ref,
                wl1_ref, bl1_ref, wl2_ref, bl2_ref, out_ref, sums, cnts):
    i = pl.program_id(0)

    @pl.when(i == 0)
    def _():
        sums[...] = jnp.zeros_like(sums)
        cnts[...] = jnp.zeros_like(cnts)

    deg = _deg_of(d_ref)
    dinv = lax.rsqrt(deg)
    z = dinv * (a_ref[0] + a_ref[1]) + h2_ref[...] / deg + b2_ref[...]
    z = jnp.maximum(z, 0.0)
    bt = bt_ref[0, 0, :]
    gid = lax.broadcasted_iota(jnp.int32, (NG, RB), 0)
    oh = (gid == bt[None, :]).astype(_f32)
    sums[...] += jnp.dot(oh, z, preferred_element_type=_f32)
    cnts[...] += jnp.broadcast_to(jnp.sum(oh, axis=1, keepdims=True), (NG, H))

    @pl.when(i == NRB - 1)
    def _():
        pooled = sums[...] / jnp.maximum(cnts[...], 1.0)
        t = jnp.dot(pooled, wl1_ref[...], preferred_element_type=_f32)
        t = jnp.maximum(t + bl1_ref[...], 0.0)
        u = jnp.dot(t, wl2_ref[...], preferred_element_type=_f32) + bl2_ref[...]
        out_ref[...] = 1.0 / (1.0 + jnp.exp(-u))


def kernel(x, edge_index, batch, W1, b1, W2, b2, Wl1, bl1, Wl2, bl2):
    src = edge_index[0]
    dst = edge_index[1]
    pad = EP - E
    srcr = jnp.concatenate([src, jnp.zeros((pad,), jnp.int32)]).reshape(EP // CH, CH)
    dstr = jnp.concatenate([dst, jnp.full((pad,), N, jnp.int32)]).reshape(EP // CH, CH)
    zrow = jnp.zeros((CH, H), _f32)

    ones_in = jnp.ones((CH, H), _f32)

    deg_call = pl.kernel(
        _deg_body,
        out_type=jax.ShapeDtypeStruct((NSC, NACC, H), _f32),
        mesh=_sc_mesh(),
        scratch_types=[
            pltpu.VMEM_SHARED((NACC, H), _f32),
            pltpu.VMEM((CPW, CH), jnp.int32),
            pltpu.VMEM((CH, H), _f32),
            pltpu.VMEM((CH, H), _f32),
        ] + [pltpu.SemaphoreType.DMA] * DSEM,
    )
    deg8 = deg_call(dstr, ones_in, zrow)

    row_spec = pl.BlockSpec((RB, H), lambda i: (i, 0))
    d8_spec = pl.BlockSpec((NSC, RB, H), lambda i: (0, i, 0))
    acc_spec = pl.BlockSpec((NSC, RB, H), lambda i: (0, i, 0))
    full = lambda shape: pl.BlockSpec(shape, lambda i: tuple(0 for _ in shape))

    mm1 = pl.pallas_call(
        _mm1_body,
        grid=(NRB,),
        in_specs=[
            pl.BlockSpec((RB, D_IN), lambda i: (i, 0)),
            full((D_IN, H)),
            d8_spec,
        ],
        out_specs=[row_spec, row_spec],
        out_shape=[
            jax.ShapeDtypeStruct((N, H), _f32),
            jax.ShapeDtypeStruct((N, H), _f32),
        ],
    )
    h1, g1 = mm1(x, W1, deg8)

    scat_call = pl.kernel(
        _scat_body,
        out_type=jax.ShapeDtypeStruct((NSC, NACC, H), _f32),
        mesh=_sc_mesh(),
        scratch_types=[
            pltpu.VMEM_SHARED((NACC, H), _f32),
            pltpu.VMEM((CPW, CH), jnp.int32),
            pltpu.VMEM((CPW, CH), jnp.int32),
        ] + [pltpu.VMEM((CH, H), _f32)] * RING
          + [pltpu.SemaphoreType.DMA] * (2 * RING),
    )
    acc1 = scat_call(g1, srcr, dstr, zrow)

    mm2 = pl.pallas_call(
        _mm2_body,
        grid=(NRB,),
        in_specs=[
            acc_spec, row_spec, d8_spec,
            full((H, H)), full((1, H)),
        ],
        out_specs=[row_spec, row_spec],
        out_shape=[
            jax.ShapeDtypeStruct((N, H), _f32),
            jax.ShapeDtypeStruct((N, H), _f32),
        ],
    )
    h2, g2 = mm2(acc1, h1, deg8, W2, b1.reshape(1, H))

    acc2 = scat_call(g2, srcr, dstr, zrow)

    wl1p = jnp.pad(Wl1, ((0, 0), (0, H - Wl1.shape[1])))
    bl1p = jnp.pad(bl1, (0, H - bl1.shape[0])).reshape(1, H)
    wl2p = jnp.pad(Wl2, ((0, H - Wl2.shape[0]), (0, H - Wl2.shape[1])))
    bl2p = jnp.pad(bl2, (0, H - bl2.shape[0])).reshape(1, H)
    batch3 = batch.reshape(NRB, 1, RB)

    final = pl.pallas_call(
        _final_body,
        grid=(NRB,),
        in_specs=[
            acc_spec, row_spec, d8_spec,
            full((1, H)),
            pl.BlockSpec((1, 1, RB), lambda i: (i, 0, 0)),
            full((H, H)), full((1, H)), full((H, H)), full((1, H)),
        ],
        out_specs=pl.BlockSpec((NG, H), lambda i: (0, 0)),
        out_shape=jax.ShapeDtypeStruct((NG, H), _f32),
        scratch_shapes=[pltpu.VMEM((NG, H), _f32), pltpu.VMEM((NG, H), _f32)],
    )
    outp = final(acc2, h2, deg8, b2.reshape(1, H), batch3,
                 wl1p, bl1p, wl2p, bl2p)
    return outp[:, :5]

# --- scband reference (transcript-rebuilt; emitter-appended) ---
"""Pipeline reference for scband-gnnregressor-87660282511865 (READ-ONLY COPY).

The authoritative reference and input builder live on the scoring server;
editing this copy changes nothing except your own understanding.
"""

import jax, jax.numpy as jnp
import numpy as np

N = 10000
E = 160000
D_IN = 386
H = 128
NUM_GRAPHS = 64


def _gcn_conv(x, src, dst, norm, W, b):
    n = x.shape[0]
    h = x @ W
    msg = h[src] * norm[:, None]
    out = jnp.zeros((n, W.shape[1]), dtype=x.dtype).at[dst].add(msg)
    return out + b


def setup_inputs(seed: int = 0):
    key = jax.random.key(seed)
    ks = jax.random.split(key, 12)
    x = jax.random.normal(ks[0], (N, D_IN), dtype=jnp.float32)
    edge_index = jax.random.randint(ks[1], (2, E), 0, N, dtype=jnp.int32)
    batch = jnp.sort(jax.random.randint(ks[2], (N,), 0, NUM_GRAPHS, dtype=jnp.int32))
    W1 = jax.random.normal(ks[3], (D_IN, H), dtype=jnp.float32) * (1.0 / np.sqrt(D_IN))
    b1 = jnp.zeros((H,), dtype=jnp.float32)
    W2 = jax.random.normal(ks[4], (H, H), dtype=jnp.float32) * (1.0 / np.sqrt(H))
    b2 = jnp.zeros((H,), dtype=jnp.float32)
    Wl1 = jax.random.normal(ks[5], (H, H // 2), dtype=jnp.float32) * (1.0 / np.sqrt(H))
    bl1 = jnp.zeros((H // 2,), dtype=jnp.float32)
    Wl2 = jax.random.normal(ks[6], (H // 2, 5), dtype=jnp.float32) * (1.0 / np.sqrt(H // 2))
    bl2 = jnp.zeros((5,), dtype=jnp.float32)
    return {"x": x, "edge_index": edge_index, "batch": batch,
            "W1": W1, "b1": b1, "W2": W2, "b2": b2,
            "Wl1": Wl1, "bl1": bl1, "Wl2": Wl2, "bl2": bl2}


def reference(x, edge_index, batch, W1, b1, W2, b2, Wl1, bl1, Wl2, bl2):
    n = x.shape[0]
    loop = jnp.arange(n, dtype=edge_index.dtype)
    src = jnp.concatenate([edge_index[0], loop])
    dst = jnp.concatenate([edge_index[1], loop])
    deg = jnp.zeros((n,), dtype=x.dtype).at[dst].add(1.0)
    dinv = jnp.where(deg > 0, 1.0 / jnp.sqrt(deg), 0.0)
    norm = dinv[src] * dinv[dst]
    h = _gcn_conv(x, src, dst, norm, W1, b1)
    h = jax.nn.relu(h)
    h = _gcn_conv(h, src, dst, norm, W2, b2)
    h = jax.nn.relu(h)
    sums = jax.ops.segment_sum(h, batch, num_segments=NUM_GRAPHS)
    cnts = jax.ops.segment_sum(jnp.ones((n, 1), dtype=x.dtype), batch, num_segments=NUM_GRAPHS)
    pooled = sums / jnp.maximum(cnts, 1.0)
    z = jax.nn.relu(pooled @ Wl1 + bl1)
    z = z @ Wl2 + bl2
    return jax.nn.sigmoid(z)

if __name__ == "__main__":
    import jax
    _d = setup_inputs()
    print(jax.jit(kernel)(*tuple(_d.values())))

</pallas_src>

<mosaic_0001>
#map = affine_map<(d0, d1) -> (0, 0)>
#map1 = affine_map<(d0, d1) -> (0, 0, 0)>
module attributes {stable_mosaic.version = 14 : i64} {
  func.func @_scat_body(%arg0: i32, %arg1: i32, %arg2: memref<10000x128xf32, #tpu.memory_space<hbm>>, %arg3: memref<1280x128xi32, #tpu.memory_space<hbm>>, %arg4: memref<1280x128xi32, #tpu.memory_space<hbm>>, %arg5: memref<128x128xf32, #tpu.memory_space<hbm>>, %arg6: memref<2x10112x128xf32, #tpu.memory_space<hbm>>, %arg7: memref<10112x128xf32, #tpu.memory_space<vmem_shared>>, %arg8: memref<40x128xi32, #tpu.memory_space<vmem>>, %arg9: memref<40x128xi32, #tpu.memory_space<vmem>>, %arg10: memref<128x128xf32, #tpu.memory_space<vmem>>, %arg11: memref<128x128xf32, #tpu.memory_space<vmem>>, %arg12: memref<!tpu.dma_semaphore, #tpu.memory_space<semaphore_mem>>, %arg13: memref<!tpu.dma_semaphore, #tpu.memory_space<semaphore_mem>>, %arg14: memref<!tpu.dma_semaphore, #tpu.memory_space<semaphore_mem>>, %arg15: memref<!tpu.dma_semaphore, #tpu.memory_space<semaphore_mem>>) attributes {dimension_semantics = [#tpu.dimension_semantics<core_parallel>, #tpu.dimension_semantics<subcore_parallel>], iteration_bounds = array<i64: 2, 16>, scalar_prefetch = 0 : i64, scratch_operands = 9 : i64, tpu.core_type = #tpu.core_type<sc_vector_subcore>, window_params = [{transform_indices = #map}, {transform_indices = #map}, {transform_indices = #map}, {transform_indices = #map}, {transform_indices = #map1}]} {
    %mul3A = arith.constant 16 : i32
    %mul3A_0 = arith.muli %arg0, %mul3A : i32
    %add3A = arith.addi %mul3A_0, %arg1 : i32
    %mul3A_1 = arith.constant 40 : i32
    %mul3A_2 = arith.muli %add3A, %mul3A_1 : i32
    "tpu.region"() ({
      %run_scoped3A = tpu.sem_alloc : memref<!tpu.dma_semaphore, #tpu.memory_space<semaphore_mem>>
      %dma_start3A_38 = arith.constant 0 : i32
      %dma_start3A_39 = tpu.memref_slice %arg3[%mul3A_2, %dma_start3A_38] : memref<1280x128xi32, #tpu.memory_space<hbm>> -> memref<40x128xi32, #tpu.memory_space<hbm>>
      %dma_start3A_40 = arith.constant 0 : i32
      %dma_start3A_41 = tpu.memref_slice %arg3[%mul3A_2, %dma_start3A_40] : memref<1280x128xi32, #tpu.memory_space<hbm>> -> memref<40x128xi32, #tpu.memory_space<hbm>>
      tpu.enqueue_dma source(%dma_start3A_41 : memref<40x128xi32, #tpu.memory_space<hbm>>) target(%arg8 : memref<40x128xi32, #tpu.memory_space<vmem>>) target_semaphore(%run_scoped3A : memref<!tpu.dma_semaphore, #tpu.memory_space<semaphore_mem>>)
      %dma_wait3A = arith.constant 0 : i32
      %dma_wait3A_42 = tpu.memref_slice %arg3[%mul3A_2, %dma_wait3A] : memref<1280x128xi32, #tpu.memory_space<hbm>> -> memref<40x128xi32, #tpu.memory_space<hbm>>
      %dma_wait3A_43 = arith.constant 0 : i32
      %dma_wait3A_44 = tpu.memref_slice %arg3[%mul3A_2, %dma_wait3A_43] : memref<1280x128xi32, #tpu.memory_space<hbm>> -> memref<40x128xi32, #tpu.memory_space<hbm>>
      tpu.wait_dma2 semaphore(%run_scoped3A : memref<!tpu.dma_semaphore, #tpu.memory_space<semaphore_mem>>) src(%dma_wait3A_44 : memref<40x128xi32, #tpu.memory_space<hbm>>) dst(%arg8 : memref<40x128xi32, #tpu.memory_space<vmem>>)
      tpu.yield
    }) : () -> ()
    %mul3A_3 = arith.constant 40 : i32
    %mul3A_4 = arith.muli %add3A, %mul3A_3 : i32
    "tpu.region"() ({
      %run_scoped3A = tpu.sem_alloc : memref<!tpu.dma_semaphore, #tpu.memory_space<semaphore_mem>>
      %dma_start3A_38 = arith.constant 0 : i32
      %dma_start3A_39 = tpu.memref_slice %arg4[%mul3A_4, %dma_start3A_38] : memref<1280x128xi32, #tpu.memory_space<hbm>> -> memref<40x128xi32, #tpu.memory_space<hbm>>
      %dma_start3A_40 = arith.constant 0 : i32
      %dma_start3A_41 = tpu.memref_slice %arg4[%mul3A_4, %dma_start3A_40] : memref<1280x128xi32, #tpu.memory_space<hbm>> -> memref<40x128xi32, #tpu.memory_space<hbm>>
      tpu.enqueue_dma source(%dma_start3A_41 : memref<40x128xi32, #tpu.memory_space<hbm>>) target(%arg9 : memref<40x128xi32, #tpu.memory_space<vmem>>) target_semaphore(%run_scoped3A : memref<!tpu.dma_semaphore, #tpu.memory_space<semaphore_mem>>)
      %dma_wait3A = arith.constant 0 : i32
      %dma_wait3A_42 = tpu.memref_slice %arg4[%mul3A_4, %dma_wait3A] : memref<1280x128xi32, #tpu.memory_space<hbm>> -> memref<40x128xi32, #tpu.memory_space<hbm>>
      %dma_wait3A_43 = arith.constant 0 : i32
      %dma_wait3A_44 = tpu.memref_slice %arg4[%mul3A_4, %dma_wait3A_43] : memref<1280x128xi32, #tpu.memory_space<hbm>> -> memref<40x128xi32, #tpu.memory_space<hbm>>
      tpu.wait_dma2 semaphore(%run_scoped3A : memref<!tpu.dma_semaphore, #tpu.memory_space<semaphore_mem>>) src(%dma_wait3A_44 : memref<40x128xi32, #tpu.memory_space<hbm>>) dst(%arg9 : memref<40x128xi32, #tpu.memory_space<vmem>>)
      tpu.yield
    }) : () -> ()
    "tpu.region"() ({
      %run_scoped3A = tpu.sem_alloc : memref<!tpu.dma_semaphore, #tpu.memory_space<semaphore_mem>>
      tpu.enqueue_dma source(%arg5 : memref<128x128xf32, #tpu.memory_space<hbm>>) target(%arg10 : memref<128x128xf32, #tpu.memory_space<vmem>>) target_semaphore(%run_scoped3A : memref<!tpu.dma_semaphore, #tpu.memory_space<semaphore_mem>>)
      tpu.wait_dma2 semaphore(%run_scoped3A : memref<!tpu.dma_semaphore, #tpu.memory_space<semaphore_mem>>) src(%arg5 : memref<128x128xf32, #tpu.memory_space<hbm>>) dst(%arg10 : memref<128x128xf32, #tpu.memory_space<vmem>>)
      tpu.yield
    }) : () -> ()
    %mul3A_5 = arith.constant 632 : i32
    %mul3A_6 = arith.muli %arg1, %mul3A_5 : i32
    %add3A_7 = arith.constant 0 : i32
    %add3A_8 = arith.addi %mul3A_6, %add3A_7 : i32
    "tpu.region"() ({
      %run_scoped3A = tpu.sem_alloc : memref<!tpu.dma_semaphore, #tpu.memory_space<semaphore_mem>>
      %dma_start3A_38 = arith.constant 0 : i32
      %dma_start3A_39 = arith.constant 0 : i32
      %dma_start3A_40 = tpu.memref_slice %arg10[%dma_start3A_38, %dma_start3A_39] : memref<128x128xf32, #tpu.memory_space<vmem>> -> memref<128x128xf32, #tpu.memory_space<vmem>>
      %dma_start3A_41 = arith.constant 0 : i32
      %dma_start3A_42 = tpu.memref_slice %arg7[%add3A_8, %dma_start3A_41] : memref<10112x128xf32, #tpu.memory_space<vmem_shared>> -> memref<128x128xf32, #tpu.memory_space<vmem_shared>>
      %dma_start3A_43 = arith.constant 0 : i32
      %dma_start3A_44 = tpu.memref_slice %arg7[%add3A_8, %dma_start3A_43] : memref<10112x128xf32, #tpu.memory_space<vmem_shared>> -> memref<128x128xf32, #tpu.memory_space<vmem_shared>>
      %dma_start3A_45 = arith.constant 0 : i32
      %dma_start3A_46 = arith.constant 0 : i32
      %dma_start3A_47 = tpu.memref_slice %arg10[%dma_start3A_45, %dma_start3A_46] : memref<128x128xf32, #tpu.memory_space<vmem>> -> memref<128x128xf32, #tpu.memory_space<vmem>>
      tpu.enqueue_dma source(%dma_start3A_47 : memref<128x128xf32, #tpu.memory_space<vmem>>) target(%dma_start3A_44 : memref<128x128xf32, #tpu.memory_space<vmem_shared>>) target_semaphore(%run_scoped3A : memref<!tpu.dma_semaphore, #tpu.memory_space<semaphore_mem>>)
      %dma_wait3A = arith.constant 0 : i32
      %dma_wait3A_48 = arith.constant 0 : i32
      %dma_wait3A_49 = tpu.memref_slice %arg10[%dma_wait3A, %dma_wait3A_48] : memref<128x128xf32, #tpu.memory_space<vmem>> -> memref<128x128xf32, #tpu.memory_space<vmem>>
      %dma_wait3A_50 = arith.constant 0 : i32
      %dma_wait3A_51 = tpu.memref_slice %arg7[%add3A_8, %dma_wait3A_50] : memref<10112x128xf32, #tpu.memory_space<vmem_shared>> -> memref<128x128xf32, #tpu.memory_space<vmem_shared>>
      %dma_wait3A_52 = arith.constant 0 : i32
      %dma_wait3A_53 = tpu.memref_slice %arg7[%add3A_8, %dma_wait3A_52] : memref<10112x128xf32, #tpu.memory_space<vmem_shared>> -> memref<128x128xf32, #tpu.memory_space<vmem_shared>>
      %dma_wait3A_54 = arith.constant 0 : i32
      %dma_wait3A_55 = arith.constant 0 : i32
      %dma_wait3A_56 = tpu.memref_slice %arg10[%dma_wait3A_54, %dma_wait3A_55] : memref<128x128xf32, #tpu.memory_space<vmem>> -> memref<128x128xf32, #tpu.memory_space<vmem>>
      tpu.wait_dma2 semaphore(%run_scoped3A : memref<!tpu.dma_semaphore, #tpu.memory_space<semaphore_mem>>) src(%dma_wait3A_56 : memref<128x128xf32, #tpu.memory_space<vmem>>) dst(%dma_wait3A_53 : memref<128x128xf32, #tpu.memory_space<vmem_shared>>)
      tpu.yield
    }) : () -> ()
    %add3A_9 = arith.constant 128 : i32
    %add3A_10 = arith.addi %mul3A_6, %add3A_9 : i32
    "tpu.region"() ({
      %run_scoped3A = tpu.sem_alloc : memref<!tpu.dma_semaphore, #tpu.memory_space<semaphore_mem>>
      %dma_start3A_38 = arith.constant 0 : i32
      %dma_start3A_39 = arith.constant 0 : i32
      %dma_start3A_40 = tpu.memref_slice %arg10[%dma_start3A_38, %dma_start3A_39] : memref<128x128xf32, #tpu.memory_space<vmem>> -> memref<128x128xf32, #tpu.memory_space<vmem>>
      %dma_start3A_41 = arith.constant 0 : i32
      %dma_start3A_42 = tpu.memref_slice %arg7[%add3A_10, %dma_start3A_41] : memref<10112x128xf32, #tpu.memory_space<vmem_shared>> -> memref<128x128xf32, #tpu.memory_space<vmem_shared>>
      %dma_start3A_43 = arith.constant 0 : i32
      %dma_start3A_44 = tpu.memref_slice %arg7[%add3A_10, %dma_start3A_43] : memref<10112x128xf32, #tpu.memory_space<vmem_shared>> -> memref<128x128xf32, #tpu.memory_space<vmem_shared>>
      %dma_start3A_45 = arith.constant 0 : i32
      %dma_start3A_46 = arith.constant 0 : i32
      %dma_start3A_47 = tpu.memref_slice %arg10[%dma_start3A_45, %dma_start3A_46] : memref<128x128xf32, #tpu.memory_space<vmem>> -> memref<128x128xf32, #tpu.memory_space<vmem>>
      tpu.enqueue_dma source(%dma_start3A_47 : memref<128x128xf32, #tpu.memory_space<vmem>>) target(%dma_start3A_44 : memref<128x128xf32, #tpu.memory_space<vmem_shared>>) target_semaphore(%run_scoped3A : memref<!tpu.dma_semaphore, #tpu.memory_space<semaphore_mem>>)
      %dma_wait3A = arith.constant 0 : i32
      %dma_wait3A_48 = arith.constant 0 : i32
      %dma_wait3A_49 = tpu.memref_slice %arg10[%dma_wait3A, %dma_wait3A_48] : memref<128x128xf32, #tpu.memory_space<vmem>> -> memref<128x128xf32, #tpu.memory_space<vmem>>
      %dma_wait3A_50 = arith.constant 0 : i32
      %dma_wait3A_51 = tpu.memref_slice %arg7[%add3A_10, %dma_wait3A_50] : memref<10112x128xf32, #tpu.memory_space<vmem_shared>> -> memref<128x128xf32, #tpu.memory_space<vmem_shared>>
      %dma_wait3A_52 = arith.constant 0 : i32
      %dma_wait3A_53 = tpu.memref_slice %arg7[%add3A_10, %dma_wait3A_52] : memref<10112x128xf32, #tpu.memory_space<vmem_shared>> -> memref<128x128xf32, #tpu.memory_space<vmem_shared>>
      %dma_wait3A_54 = arith.constant 0 : i32
      %dma_wait3A_55 = arith.constant 0 : i32
      %dma_wait3A_56 = tpu.memref_slice %arg10[%dma_wait3A_54, %dma_wait3A_55] : memref<128x128xf32, #tpu.memory_space<vmem>> -> memref<128x128xf32, #tpu.memory_space<vmem>>
      tpu.wait_dma2 semaphore(%run_scoped3A : memref<!tpu.dma_semaphore, #tpu.memory_space<semaphore_mem>>) src(%dma_wait3A_56 : memref<128x128xf32, #tpu.memory_space<vmem>>) dst(%dma_wait3A_53 : memref<128x128xf32, #tpu.memory_space<vmem_shared>>)
      tpu.yield
    }) : () -> ()
    %add3A_11 = arith.constant 256 : i32
    %add3A_12 = arith.addi %mul3A_6, %add3A_11 : i32
    "tpu.region"() ({
      %run_scoped3A = tpu.sem_alloc : memref<!tpu.dma_semaphore, #tpu.memory_space<semaphore_mem>>
      %dma_start3A_38 = arith.constant 0 : i32
      %dma_start3A_39 = arith.constant 0 : i32
      %dma_start3A_40 = tpu.memref_slice %arg10[%dma_start3A_38, %dma_start3A_39] : memref<128x128xf32, #tpu.memory_space<vmem>> -> memref<128x128xf32, #tpu.memory_space<vmem>>
      %dma_start3A_41 = arith.constant 0 : i32
      %dma_start3A_42 = tpu.memref_slice %arg7[%add3A_12, %dma_start3A_41] : memref<10112x128xf32, #tpu.memory_space<vmem_shared>> -> memref<128x128xf32, #tpu.memory_space<vmem_shared>>
      %dma_start3A_43 = arith.constant 0 : i32
      %dma_start3A_44 = tpu.memref_slice %arg7[%add3A_12, %dma_start3A_43] : memref<10112x128xf32, #tpu.memory_space<vmem_shared>> -> memref<128x128xf32, #tpu.memory_space<vmem_shared>>
      %dma_start3A_45 = arith.constant 0 : i32
      %dma_start3A_46 = arith.constant 0 : i32
      %dma_start3A_47 = tpu.memref_slice %arg10[%dma_start3A_45, %dma_start3A_46] : memref<128x128xf32, #tpu.memory_space<vmem>> -> memref<128x128xf32, #tpu.memory_space<vmem>>
      tpu.enqueue_dma source(%dma_start3A_47 : memref<128x128xf32, #tpu.memory_space<vmem>>) target(%dma_start3A_44 : memref<128x128xf32, #tpu.memory_space<vmem_shared>>) target_semaphore(%run_scoped3A : memref<!tpu.dma_semaphore, #tpu.memory_space<semaphore_mem>>)
      %dma_wait3A = arith.constant 0 : i32
      %dma_wait3A_48 = arith.constant 0 : i32
      %dma_wait3A_49 = tpu.memref_slice %arg10[%dma_wait3A, %dma_wait3A_48] : memref<128x128xf32, #tpu.memory_space<vmem>> -> memref<128x128xf32, #tpu.memory_space<vmem>>
      %dma_wait3A_50 = arith.constant 0 : i32
      %dma_wait3A_51 = tpu.memref_slice %arg7[%add3A_12, %dma_wait3A_50] : memref<10112x128xf32, #tpu.memory_space<vmem_shared>> -> memref<128x128xf32, #tpu.memory_space<vmem_shared>>
      %dma_wait3A_52 = arith.constant 0 : i32
      %dma_wait3A_53 = tpu.memref_slice %arg7[%add3A_12, %dma_wait3A_52] : memref<10112x128xf32, #tpu.memory_space<vmem_shared>> -> memref<128x128xf32, #tpu.memory_space<vmem_shared>>
      %dma_wait3A_54 = arith.constant 0 : i32
      %dma_wait3A_55 = arith.constant 0 : i32
      %dma_wait3A_56 = tpu.memref_slice %arg10[%dma_wait3A_54, %dma_wait3A_55] : memref<128x128xf32, #tpu.memory_space<vmem>> -> memref<128x128xf32, #tpu.memory_space<vmem>>
      tpu.wait_dma2 semaphore(%run_scoped3A : memref<!tpu.dma_semaphore, #tpu.memory_space<semaphore_mem>>) src(%dma_wait3A_56 : memref<128x128xf32, #tpu.memory_space<vmem>>) dst(%dma_wait3A_53 : memref<128x128xf32, #tpu.memory_space<vmem_shared>>)
      tpu.yield
    }) : () -> ()
    %add3A_13 = arith.constant 384 : i32
    %add3A_14 = arith.addi %mul3A_6, %add3A_13 : i32
    "tpu.region"() ({
      %run_scoped3A = tpu.sem_alloc : memref<!tpu.dma_semaphore, #tpu.memory_space<semaphore_mem>>
      %dma_start3A_38 = arith.constant 0 : i32
      %dma_start3A_39 = arith.constant 0 : i32
      %dma_start3A_40 = tpu.memref_slice %arg10[%dma_start3A_38, %dma_start3A_39] : memref<128x128xf32, #tpu.memory_space<vmem>> -> memref<128x128xf32, #tpu.memory_space<vmem>>
      %dma_start3A_41 = arith.constant 0 : i32
      %dma_start3A_42 = tpu.memref_slice %arg7[%add3A_14, %dma_start3A_41] : memref<10112x128xf32, #tpu.memory_space<vmem_shared>> -> memref<128x128xf32, #tpu.memory_space<vmem_shared>>
      %dma_start3A_43 = arith.constant 0 : i32
      %dma_start3A_44 = tpu.memref_slice %arg7[%add3A_14, %dma_start3A_43] : memref<10112x128xf32, #tpu.memory_space<vmem_shared>> -> memref<128x128xf32, #tpu.memory_space<vmem_shared>>
      %dma_start3A_45 = arith.constant 0 : i32
      %dma_start3A_46 = arith.constant 0 : i32
      %dma_start3A_47 = tpu.memref_slice %arg10[%dma_start3A_45, %dma_start3A_46] : memref<128x128xf32, #tpu.memory_space<vmem>> -> memref<128x128xf32, #tpu.memory_space<vmem>>
      tpu.enqueue_dma source(%dma_start3A_47 : memref<128x128xf32, #tpu.memory_space<vmem>>) target(%dma_start3A_44 : memref<128x128xf32, #tpu.memory_space<vmem_shared>>) target_semaphore(%run_scoped3A : memref<!tpu.dma_semaphore, #tpu.memory_space<semaphore_mem>>)
      %dma_wait3A = arith.constant 0 : i32
      %dma_wait3A_48 = arith.constant 0 : i32
      %dma_wait3A_49 = tpu.memref_slice %arg10[%dma_wait3A, %dma_wait3A_48] : memref<128x128xf32, #tpu.memory_space<vmem>> -> memref<128x128xf32, #tpu.memory_space<vmem>>
      %dma_wait3A_50 = arith.constant 0 : i32
      %dma_wait3A_51 = tpu.memref_slice %arg7[%add3A_14, %dma_wait3A_50] : memref<10112x128xf32, #tpu.memory_space<vmem_shared>> -> memref<128x128xf32, #tpu.memory_space<vmem_shared>>
      %dma_wait3A_52 = arith.constant 0 : i32
      %dma_wait3A_53 = tpu.memref_slice %arg7[%add3A_14, %dma_wait3A_52] : memref<10112x128xf32, #tpu.memory_space<vmem_shared>> -> memref<128x128xf32, #tpu.memory_space<vmem_shared>>
      %dma_wait3A_54 = arith.constant 0 : i32
      %dma_wait3A_55 = arith.constant 0 : i32
      %dma_wait3A_56 = tpu.memref_slice %arg10[%dma_wait3A_54, %dma_wait3A_55] : memref<128x128xf32, #tpu.memory_space<vmem>> -> memref<128x128xf32, #tpu.memory_space<vmem>>
      tpu.wait_dma2 semaphore(%run_scoped3A : memref<!tpu.dma_semaphore, #tpu.memory_space<semaphore_mem>>) src(%dma_wait3A_56 : memref<128x128xf32, #tpu.memory_space<vmem>>) dst(%dma_wait3A_53 : memref<128x128xf32, #tpu.memory_space<vmem_shared>>)
      tpu.yield
    }) : () -> ()
    %add3A_15 = arith.constant 512 : i32
    %add3A_16 = arith.addi %mul3A_6, %add3A_15 : i32
    "tpu.region"() ({
      %run_scoped3A = tpu.sem_alloc : memref<!tpu.dma_semaphore, #tpu.memory_space<semaphore_mem>>
      %dma_start3A_38 = arith.constant 0 : i32
      %dma_start3A_39 = arith.constant 0 : i32
      %dma_start3A_40 = tpu.memref_slice %arg10[%dma_start3A_38, %dma_start3A_39] : memref<128x128xf32, #tpu.memory_space<vmem>> -> memref<120x128xf32, #tpu.memory_space<vmem>>
      %dma_start3A_41 = arith.constant 0 : i32
      %dma_start3A_42 = tpu.memref_slice %arg7[%add3A_16, %dma_start3A_41] : memref<10112x128xf32, #tpu.memory_space<vmem_shared>> -> memref<120x128xf32, #tpu.memory_space<vmem_shared>>
      %dma_start3A_43 = arith.constant 0 : i32
      %dma_start3A_44 = tpu.memref_slice %arg7[%add3A_16, %dma_start3A_43] : memref<10112x128xf32, #tpu.memory_space<vmem_shared>> -> memref<120x128xf32, #tpu.memory_space<vmem_shared>>
      %dma_start3A_45 = arith.constant 0 : i32
      %dma_start3A_46 = arith.constant 0 : i32
      %dma_start3A_47 = tpu.memref_slice %arg10[%dma_start3A_45, %dma_start3A_46] : memref<128x128xf32, #tpu.memory_space<vmem>> -> memref<120x128xf32, #tpu.memory_space<vmem>>
      tpu.enqueue_dma source(%dma_start3A_47 : memref<120x128xf32, #tpu.memory_space<vmem>>) target(%dma_start3A_44 : memref<120x128xf32, #tpu.memory_space<vmem_shared>>) target_semaphore(%run_scoped3A : memref<!tpu.dma_semaphore, #tpu.memory_space<semaphore_mem>>)
      %dma_wait3A = arith.constant 0 : i32
      %dma_wait3A_48 = arith.constant 0 : i32
      %dma_wait3A_49 = tpu.memref_slice %arg10[%dma_wait3A, %dma_wait3A_48] : memref<128x128xf32, #tpu.memory_space<vmem>> -> memref<120x128xf32, #tpu.memory_space<vmem>>
      %dma_wait3A_50 = arith.constant 0 : i32
      %dma_wait3A_51 = tpu.memref_slice %arg7[%add3A_16, %dma_wait3A_50] : memref<10112x128xf32, #tpu.memory_space<vmem_shared>> -> memref<120x128xf32, #tpu.memory_space<vmem_shared>>
      %dma_wait3A_52 = arith.constant 0 : i32
      %dma_wait3A_53 = tpu.memref_slice %arg7[%add3A_16, %dma_wait3A_52] : memref<10112x128xf32, #tpu.memory_space<vmem_shared>> -> memref<120x128xf32, #tpu.memory_space<vmem_shared>>
      %dma_wait3A_54 = arith.constant 0 : i32
      %dma_wait3A_55 = arith.constant 0 : i32
      %dma_wait3A_56 = tpu.memref_slice %arg10[%dma_wait3A_54, %dma_wait3A_55] : memref<128x128xf32, #tpu.memory_space<vmem>> -> memref<120x128xf32, #tpu.memory_space<vmem>>
      tpu.wait_dma2 semaphore(%run_scoped3A : memref<!tpu.dma_semaphore, #tpu.memory_space<semaphore_mem>>) src(%dma_wait3A_56 : memref<120x128xf32, #tpu.memory_space<vmem>>) dst(%dma_wait3A_53 : memref<120x128xf32, #tpu.memory_space<vmem_shared>>)
      tpu.yield
    }) : () -> ()
    %barrier3A = arith.constant 0 : index
    tpu.barrier barrier_id(%barrier3A)
    %dma_start3A = arith.constant 0 : i32
    %dma_start3A_17 = arith.constant 0 : i32
    %dma_start3A_18 = tpu.memref_slice %arg8[%dma_start3A, %dma_start3A_17] : memref<40x128xi32, #tpu.memory_space<vmem>> -> memref<1x128xi32, #tpu.memory_space<vmem>>
    %dma_start3A_19 = tpu.memref_squeeze %dma_start3A_18 : memref<1x128xi32, #tpu.memory_space<vmem>> -> memref<128xi32, #tpu.memory_space<vmem>>
    %dma_start3A_20 = arith.constant 0 : i32
    %dma_start3A_21 = arith.constant 0 : i32
    %dma_start3A_22 = tpu.memref_slice %arg2[%dma_start3A_20, %dma_start3A_21] : memref<10000x128xf32, #tpu.memory_space<hbm>> -> memref<10000x128xf32, #tpu.memory_space<hbm>>
    tpu.enqueue_indirect_dma source(%dma_start3A_22 : memref<10000x128xf32, #tpu.memory_space<hbm>>) target(%arg10 : memref<128x128xf32, #tpu.memory_space<vmem>>) offsets(%dma_start3A_19 : memref<128xi32, #tpu.memory_space<vmem>>) semaphore(%arg12 : memref<!tpu.dma_semaphore, #tpu.memory_space<semaphore_mem>>)
    %dma_start3A_23 = arith.constant 1 : i32
    %dma_start3A_24 = arith.constant 0 : i32
    %dma_start3A_25 = tpu.memref_slice %arg8[%dma_start3A_23, %dma_start3A_24] : memref<40x128xi32, #tpu.memory_space<vmem>> -> memref<1x128xi32, #tpu.memory_space<vmem>>
    %dma_start3A_26 = tpu.memref_squeeze %dma_start3A_25 : memref<1x128xi32, #tpu.memory_space<vmem>> -> memref<128xi32, #tpu.memory_space<vmem>>
    %dma_start3A_27 = arith.constant 0 : i32
    %dma_start3A_28 = arith.constant 0 : i32
    %dma_start3A_29 = tpu.memref_slice %arg2[%dma_start3A_27, %dma_start3A_28] : memref<10000x128xf32, #tpu.memory_space<hbm>> -> memref<10000x128xf32, #tpu.memory_space<hbm>>
    tpu.enqueue_indirect_dma source(%dma_start3A_29 : memref<10000x128xf32, #tpu.memory_space<hbm>>) target(%arg11 : memref<128x128xf32, #tpu.memory_space<vmem>>) offsets(%dma_start3A_26 : memref<128xi32, #tpu.memory_space<vmem>>) semaphore(%arg13 : memref<!tpu.dma_semaphore, #tpu.memory_space<semaphore_mem>>)
    %scan3A = arith.constant 0 : i32
    %scan3A_30 = arith.constant 0 : i32
    %scan3A_31 = arith.constant 20 : i32
    %scan3A_32 = arith.addi %scan3A_30, %scan3A_31 : i32
    %scan3A_33 = arith.constant 1 : i32
    scf.for %scan3A_38 = %scan3A_30 to %scan3A_32 step %scan3A_33  : i32 {
      %mul3A_39 = arith.constant 2 : i32
      %mul3A_40 = arith.muli %scan3A_38, %mul3A_39 : i32
      %add3A_41 = arith.constant 0 : i32
      %add3A_42 = arith.addi %mul3A_40, %add3A_41 : i32
      %dma_wait3A = arith.constant 0 : i32
      %dma_wait3A_43 = tpu.memref_slice %arg8[%add3A_42, %dma_wait3A] : memref<40x128xi32, #tpu.memory_space<vmem>> -> memref<1x128xi32, #tpu.memory_space<vmem>>
      %dma_wait3A_44 = tpu.memref_squeeze %dma_wait3A_43 : memref<1x128xi32, #tpu.memory_space<vmem>> -> memref<128xi32, #tpu.memory_space<vmem>>
      %dma_wait3A_45 = arith.constant 0 : i32
      %dma_wait3A_46 = arith.constant 0 : i32
      %dma_wait3A_47 = tpu.memref_slice %arg2[%dma_wait3A_45, %dma_wait3A_46] : memref<10000x128xf32, #tpu.memory_space<hbm>> -> memref<10000x128xf32, #tpu.memory_space<hbm>>
      tpu.wait_indirect_dma semaphore(%arg12 : memref<!tpu.dma_semaphore, #tpu.memory_space<semaphore_mem>>) src(%dma_wait3A_47 : memref<10000x128xf32, #tpu.memory_space<hbm>>) dst(%arg10 : memref<128x128xf32, #tpu.memory_space<vmem>>)
      %add3A_48 = arith.constant 0 : i32
      %add3A_49 = arith.addi %mul3A_40, %add3A_48 : i32
      %dma_start3A_50 = arith.constant 0 : i32
      %dma_start3A_51 = tpu.memref_slice %arg9[%add3A_49, %dma_start3A_50] : memref<40x128xi32, #tpu.memory_space<vmem>> -> memref<1x128xi32, #tpu.memory_space<vmem>>
      %dma_start3A_52 = tpu.memref_squeeze %dma_start3A_51 : memref<1x128xi32, #tpu.memory_space<vmem>> -> memref<128xi32, #tpu.memory_space<vmem>>
      %dma_start3A_53 = arith.constant 0 : i32
      %dma_start3A_54 = arith.constant 0 : i32
      %dma_start3A_55 = tpu.memref_slice %arg7[%dma_start3A_53, %dma_start3A_54] : memref<10112x128xf32, #tpu.memory_space<vmem_shared>> -> memref<10112x128xf32, #tpu.memory_space<vmem_shared>>
      tpu.enqueue_indirect_dma source(%arg10 : memref<128x128xf32, #tpu.memory_space<vmem>>) target(%dma_start3A_55 : memref<10112x128xf32, #tpu.memory_space<vmem_shared>>) offsets(%dma_start3A_52 : memref<128xi32, #tpu.memory_space<vmem>>) semaphore(%arg14 : memref<!tpu.dma_semaphore, #tpu.memory_space<semaphore_mem>>) {add = true}
      %add3A_56 = arith.constant 1 : i32
      %add3A_57 = arith.addi %mul3A_40, %add3A_56 : i32
      %dma_wait3A_58 = arith.constant 0 : i32
      %dma_wait3A_59 = tpu.memref_slice %arg8[%add3A_57, %dma_wait3A_58] : memref<40x128xi32, #tpu.memory_space<vmem>> -> memref<1x128xi32, #tpu.memory_space<vmem>>
      %dma_wait3A_60 = tpu.memref_squeeze %dma_wait3A_59 : memref<1x128xi32, #tpu.memory_space<vmem>> -> memref<128xi32, #tpu.memory_space<vmem>>
      %dma_wait3A_61 = arith.constant 0 : i32
      %dma_wait3A_62 = arith.constant 0 : i32
      %dma_wait3A_63 = tpu.memref_slice %arg2[%dma_wait3A_61, %dma_wait3A_62] : memref<10000x128xf32, #tpu.memory_space<hbm>> -> memref<10000x128xf32, #tpu.memory_space<hbm>>
      tpu.wait_indirect_dma semaphore(%arg13 : memref<!tpu.dma_semaphore, #tpu.memory_space<semaphore_mem>>) src(%dma_wait3A_63 : memref<10000x128xf32, #tpu.memory_space<hbm>>) dst(%arg11 : memref<128x128xf32, #tpu.memory_space<vmem>>)
      %add3A_64 = arith.constant 1 : i32
      %add3A_65 = arith.addi %mul3A_40, %add3A_64 : i32
      %dma_start3A_66 = arith.constant 0 : i32
      %dma_start3A_67 = tpu.memref_slice %arg9[%add3A_65, %dma_start3A_66] : memref<40x128xi32, #tpu.memory_space<vmem>> -> memref<1x128xi32, #tpu.memory_space<vmem>>
      %dma_start3A_68 = tpu.memref_squeeze %dma_start3A_67 : memref<1x128xi32, #tpu.memory_space<vmem>> -> memref<128xi32, #tpu.memory_space<vmem>>
      %dma_start3A_69 = arith.constant 0 : i32
      %dma_start3A_70 = arith.constant 0 : i32
      %dma_start3A_71 = tpu.memref_slice %arg7[%dma_start3A_69, %dma_start3A_70] : memref<10112x128xf32, #tpu.memory_space<vmem_shared>> -> memref<10112x128xf32, #tpu.memory_space<vmem_shared>>
      tpu.enqueue_indirect_dma source(%arg11 : memref<128x128xf32, #tpu.memory_space<vmem>>) target(%dma_start3A_71 : memref<10112x128xf32, #tpu.memory_space<vmem_shared>>) offsets(%dma_start3A_68 : memref<128xi32, #tpu.memory_space<vmem>>) semaphore(%arg15 : memref<!tpu.dma_semaphore, #tpu.memory_space<semaphore_mem>>) {add = true}
      %add3A_72 = arith.constant 2 : i32
      %add3A_73 = arith.addi %mul3A_40, %add3A_72 : i32
      %add3A_74 = arith.constant 0 : i32
      %add3A_75 = arith.addi %add3A_73, %add3A_74 : i32
      %add3A_76 = arith.constant 0 : i32
      %add3A_77 = arith.addi %mul3A_40, %add3A_76 : i32
      %dma_wait3A_78 = arith.constant 0 : i32
      %dma_wait3A_79 = tpu.memref_slice %arg9[%add3A_77, %dma_wait3A_78] : memref<40x128xi32, #tpu.memory_space<vmem>> -> memref<1x128xi32, #tpu.memory_space<vmem>>
      %dma_wait3A_80 = tpu.memref_squeeze %dma_wait3A_79 : memref<1x128xi32, #tpu.memory_space<vmem>> -> memref<128xi32, #tpu.memory_space<vmem>>
      %dma_wait3A_81 = arith.constant 0 : i32
      %dma_wait3A_82 = arith.constant 0 : i32
      %dma_wait3A_83 = tpu.memref_slice %arg7[%dma_wait3A_81, %dma_wait3A_82] : memref<10112x128xf32, #tpu.memory_space<vmem_shared>> -> memref<10112x128xf32, #tpu.memory_space<vmem_shared>>
      tpu.wait_indirect_dma semaphore(%arg14 : memref<!tpu.dma_semaphore, #tpu.memory_space<semaphore_mem>>) src(%arg10 : memref<128x128xf32, #tpu.memory_space<vmem>>) dst(%dma_wait3A_83 : memref<10112x128xf32, #tpu.memory_space<vmem_shared>>)
      %lt3A = arith.constant 40 : i32
      %lt3A_84 = arith.cmpi slt, %add3A_75, %lt3A : i32
      %convert_element_type3A = arith.extui %lt3A_84 : i1 to i32
      %cond3A = arith.constant 0 : i32
      %cond3A_85 = arith.cmpi ne, %convert_element_type3A, %cond3A : i32
      scf.if %cond3A_85 {
        %dma_start3A_103 = arith.constant 0 : i32
        %dma_start3A_104 = tpu.memref_slice %arg8[%add3A_75, %dma_start3A_103] : memref<40x128xi32, #tpu.memory_space<vmem>> -> memref<1x128xi32, #tpu.memory_space<vmem>>
        %dma_start3A_105 = tpu.memref_squeeze %dma_start3A_104 : memref<1x128xi32, #tpu.memory_space<vmem>> -> memref<128xi32, #tpu.memory_space<vmem>>
        %dma_start3A_106 = arith.constant 0 : i32
        %dma_start3A_107 = arith.constant 0 : i32
        %dma_start3A_108 = tpu.memref_slice %arg2[%dma_start3A_106, %dma_start3A_107] : memref<10000x128xf32, #tpu.memory_space<hbm>> -> memref<10000x128xf32, #tpu.memory_space<hbm>>
        tpu.enqueue_indirect_dma source(%dma_start3A_108 : memref<10000x128xf32, #tpu.memory_space<hbm>>) target(%arg10 : memref<128x128xf32, #tpu.memory_space<vmem>>) offsets(%dma_start3A_105 : memref<128xi32, #tpu.memory_space<vmem>>) semaphore(%arg12 : memref<!tpu.dma_semaphore, #tpu.memory_space<semaphore_mem>>)
      } else {
      }
      %add3A_86 = arith.constant 2 : i32
      %add3A_87 = arith.addi %mul3A_40, %add3A_86 : i32
      %add3A_88 = arith.constant 1 : i32
      %add3A_89 = arith.addi %add3A_87, %add3A_88 : i32
      %add3A_90 = arith.constant 1 : i32
      %add3A_91 = arith.addi %mul3A_40, %add3A_90 : i32
      %dma_wait3A_92 = arith.constant 0 : i32
      %dma_wait3A_93 = tpu.memref_slice %arg9[%add3A_91, %dma_wait3A_92] : memref<40x128xi32, #tpu.memory_space<vmem>> -> memref<1x128xi32, #tpu.memory_space<vmem>>
      %dma_wait3A_94 = tpu.memref_squeeze %dma_wait3A_93 : memref<1x128xi32, #tpu.memory_space<vmem>> -> memref<128xi32, #tpu.memory_space<vmem>>
      %dma_wait3A_95 = arith.constant 0 : i32
      %dma_wait3A_96 = arith.constant 0 : i32
      %dma_wait3A_97 = tpu.memref_slice %arg7[%dma_wait3A_95, %dma_wait3A_96] : memref<10112x128xf32, #tpu.memory_space<vmem_shared>> -> memref<10112x128xf32, #tpu.memory_space<vmem_shared>>
      tpu.wait_indirect_dma semaphore(%arg15 : memref<!tpu.dma_semaphore, #tpu.memory_space<semaphore_mem>>) src(%arg11 : memref<128x128xf32, #tpu.memory_space<vmem>>) dst(%dma_wait3A_97 : memref<10112x128xf32, #tpu.memory_space<vmem_shared>>)
      %lt3A_98 = arith.constant 40 : i32
      %lt3A_99 = arith.cmpi slt, %add3A_89, %lt3A_98 : i32
      %convert_element_type3A_100 = arith.extui %lt3A_99 : i1 to i32
      %cond3A_101 = arith.constant 0 : i32
      %cond3A_102 = arith.cmpi ne, %convert_element_type3A_100, %cond3A_101 : i32
      scf.if %cond3A_102 {
        %dma_start3A_103 = arith.constant 0 : i32
        %dma_start3A_104 = tpu.memref_slice %arg8[%add3A_89, %dma_start3A_103] : memref<40x128xi32, #tpu.memory_space<vmem>> -> memref<1x128xi32, #tpu.memory_space<vmem>>
        %dma_start3A_105 = tpu.memref_squeeze %dma_start3A_104 : memref<1x128xi32, #tpu.memory_space<vmem>> -> memref<128xi32, #tpu.memory_space<vmem>>
        %dma_start3A_106 = arith.constant 0 : i32
        %dma_start3A_107 = arith.constant 0 : i32
        %dma_start3A_108 = tpu.memref_slice %arg2[%dma_start3A_106, %dma_start3A_107] : memref<10000x128xf32, #tpu.memory_space<hbm>> -> memref<10000x128xf32, #tpu.memory_space<hbm>>
        tpu.enqueue_indirect_dma source(%dma_start3A_108 : memref<10000x128xf32, #tpu.memory_space<hbm>>) target(%arg11 : memref<128x128xf32, #tpu.memory_space<vmem>>) offsets(%dma_start3A_105 : memref<128xi32, #tpu.memory_space<vmem>>) semaphore(%arg13 : memref<!tpu.dma_semaphore, #tpu.memory_space<semaphore_mem>>)
      } else {
      }
    }
    %scan3A_34 = arith.constant 20 : i32
    %barrier3A_35 = arith.constant 0 : index
    tpu.barrier barrier_id(%barrier3A_35)
    %mul3A_36 = arith.constant 632 : i32
    %mul3A_37 = arith.muli %arg1, %mul3A_36 : i32
    "tpu.region"() ({
      %run_scoped3A = tpu.sem_alloc : memref<!tpu.dma_semaphore, #tpu.memory_space<semaphore_mem>>
      %dma_start3A_38 = arith.constant 0 : i32
      %dma_start3A_39 = tpu.memref_slice %arg6[%arg0, %mul3A_37, %dma_start3A_38] : memref<2x10112x128xf32, #tpu.memory_space<hbm>> -> memref<1x632x128xf32, #tpu.memory_space<hbm>>
      %dma_start3A_40 = tpu.memref_squeeze %dma_start3A_39 : memref<1x632x128xf32, #tpu.memory_space<hbm>> -> memref<632x128xf32, #tpu.memory_space<hbm>>
      %dma_start3A_41 = arith.constant 0 : i32
      %dma_start3A_42 = tpu.memref_slice %arg7[%mul3A_37, %dma_start3A_41] : memref<10112x128xf32, #tpu.memory_space<vmem_shared>> -> memref<632x128xf32, #tpu.memory_space<vmem_shared>>
      tpu.enqueue_dma source(%dma_start3A_42 : memref<632x128xf32, #tpu.memory_space<vmem_shared>>) target(%dma_start3A_40 : memref<632x128xf32, #tpu.memory_space<hbm>>) target_semaphore(%run_scoped3A : memref<!tpu.dma_semaphore, #tpu.memory_space<semaphore_mem>>)
      %dma_wait3A = arith.constant 0 : i32
      %dma_wait3A_43 = tpu.memref_slice %arg6[%arg0, %mul3A_37, %dma_wait3A] : memref<2x10112x128xf32, #tpu.memory_space<hbm>> -> memref<1x632x128xf32, #tpu.memory_space<hbm>>
      %dma_wait3A_44 = tpu.memref_squeeze %dma_wait3A_43 : memref<1x632x128xf32, #tpu.memory_space<hbm>> -> memref<632x128xf32, #tpu.memory_space<hbm>>
      %dma_wait3A_45 = arith.constant 0 : i32
      %dma_wait3A_46 = tpu.memref_slice %arg7[%mul3A_37, %dma_wait3A_45] : memref<10112x128xf32, #tpu.memory_space<vmem_shared>> -> memref<632x128xf32, #tpu.memory_space<vmem_shared>>
      tpu.wait_dma2 semaphore(%run_scoped3A : memref<!tpu.dma_semaphore, #tpu.memory_space<semaphore_mem>>) src(%dma_wait3A_46 : memref<632x128xf32, #tpu.memory_space<vmem_shared>>) dst(%dma_wait3A_44 : memref<632x128xf32, #tpu.memory_space<hbm>>)
      tpu.yield
    }) : () -> ()
    return
  }
}

#map = affine_map<(d0, d1) -> (0, 0)>
#map1 = affine_map<(d0, d1) -> (0, 0, 0)>
module attributes {stable_mosaic.version = 14 : i64} {
  func.func @_scat_body(%arg0: i32, %arg1: i32, %arg2: memref<10000x128xf32, #tpu.memory_space<hbm>>, %arg3: memref<1280x128xi32, #tpu.memory_space<hbm>>, %arg4: memref<1280x128xi32, #tpu.memory_space<hbm>>, %arg5: memref<128x128xf32, #tpu.memory_space<hbm>>, %arg6: memref<2x10112x128xf32, #tpu.memory_space<hbm>>, %arg7: memref<10112x128xf32, #tpu.memory_space<vmem_shared>>, %arg8: memref<40x128xi32, #tpu.memory_space<vmem>>, %arg9: memref<40x128xi32, #tpu.memory_space<vmem>>, %arg10: memref<128x128xf32, #tpu.memory_space<vmem>>, %arg11: memref<128x128xf32, #tpu.memory_space<vmem>>, %arg12: memref<!tpu.dma_semaphore, #tpu.memory_space<semaphore_mem>>, %arg13: memref<!tpu.dma_semaphore, #tpu.memory_space<semaphore_mem>>, %arg14: memref<!tpu.dma_semaphore, #tpu.memory_space<semaphore_mem>>, %arg15: memref<!tpu.dma_semaphore, #tpu.memory_space<semaphore_mem>>) attributes {dimension_semantics = [#tpu.dimension_semantics<core_parallel>, #tpu.dimension_semantics<subcore_parallel>], iteration_bounds = array<i64: 2, 16>, scalar_prefetch = 0 : i64, scratch_operands = 9 : i64, tpu.core_type = #tpu.core_type<sc_vector_subcore>, window_params = [{transform_indices = #map}, {transform_indices = #map}, {transform_indices = #map}, {transform_indices = #map}, {transform_indices = #map1}]} {
    %mul3A = arith.constant 16 : i32
    %mul3A_0 = arith.muli %arg0, %mul3A : i32
    %add3A = arith.addi %mul3A_0, %arg1 : i32
    %mul3A_1 = arith.constant 40 : i32
    %mul3A_2 = arith.muli %add3A, %mul3A_1 : i32
    "tpu.region"() ({
      %run_scoped3A = tpu.sem_alloc : memref<!tpu.dma_semaphore, #tpu.memory_space<semaphore_mem>>
      %dma_start3A_38 = arith.constant 0 : i32
      %dma_start3A_39 = tpu.memref_slice %arg3[%mul3A_2, %dma_start3A_38] : memref<1280x128xi32, #tpu.memory_space<hbm>> -> memref<40x128xi32, #tpu.memory_space<hbm>>
      %dma_start3A_40 = arith.constant 0 : i32
      %dma_start3A_41 = tpu.memref_slice %arg3[%mul3A_2, %dma_start3A_40] : memref<1280x128xi32, #tpu.memory_space<hbm>> -> memref<40x128xi32, #tpu.memory_space<hbm>>
      tpu.enqueue_dma source(%dma_start3A_41 : memref<40x128xi32, #tpu.memory_space<hbm>>) target(%arg8 : memref<40x128xi32, #tpu.memory_space<vmem>>) target_semaphore(%run_scoped3A : memref<!tpu.dma_semaphore, #tpu.memory_space<semaphore_mem>>)
      %dma_wait3A = arith.constant 0 : i32
      %dma_wait3A_42 = tpu.memref_slice %arg3[%mul3A_2, %dma_wait3A] : memref<1280x128xi32, #tpu.memory_space<hbm>> -> memref<40x128xi32, #tpu.memory_space<hbm>>
      %dma_wait3A_43 = arith.constant 0 : i32
      %dma_wait3A_44 = tpu.memref_slice %arg3[%mul3A_2, %dma_wait3A_43] : memref<1280x128xi32, #tpu.memory_space<hbm>> -> memref<40x128xi32, #tpu.memory_space<hbm>>
      tpu.wait_dma2 semaphore(%run_scoped3A : memref<!tpu.dma_semaphore, #tpu.memory_space<semaphore_mem>>) src(%dma_wait3A_44 : memref<40x128xi32, #tpu.memory_space<hbm>>) dst(%arg8 : memref<40x128xi32, #tpu.memory_space<vmem>>)
      tpu.yield
    }) : () -> ()
    %mul3A_3 = arith.constant 40 : i32
    %mul3A_4 = arith.muli %add3A, %mul3A_3 : i32
    "tpu.region"() ({
      %run_scoped3A = tpu.sem_alloc : memref<!tpu.dma_semaphore, #tpu.memory_space<semaphore_mem>>
      %dma_start3A_38 = arith.constant 0 : i32
      %dma_start3A_39 = tpu.memref_slice %arg4[%mul3A_4, %dma_start3A_38] : memref<1280x128xi32, #tpu.memory_space<hbm>> -> memref<40x128xi32, #tpu.memory_space<hbm>>
      %dma_start3A_40 = arith.constant 0 : i32
      %dma_start3A_41 = tpu.memref_slice %arg4[%mul3A_4, %dma_start3A_40] : memref<1280x128xi32, #tpu.memory_space<hbm>> -> memref<40x128xi32, #tpu.memory_space<hbm>>
      tpu.enqueue_dma source(%dma_start3A_41 : memref<40x128xi32, #tpu.memory_space<hbm>>) target(%arg9 : memref<40x128xi32, #tpu.memory_space<vmem>>) target_semaphore(%run_scoped3A : memref<!tpu.dma_semaphore, #tpu.memory_space<semaphore_mem>>)
      %dma_wait3A = arith.constant 0 : i32
      %dma_wait3A_42 = tpu.memref_slice %arg4[%mul3A_4, %dma_wait3A] : memref<1280x128xi32, #tpu.memory_space<hbm>> -> memref<40x128xi32, #tpu.memory_space<hbm>>
      %dma_wait3A_43 = arith.constant 0 : i32
      %dma_wait3A_44 = tpu.memref_slice %arg4[%mul3A_4, %dma_wait3A_43] : memref<1280x128xi32, #tpu.memory_space<hbm>> -> memref<40x128xi32, #tpu.memory_space<hbm>>
      tpu.wait_dma2 semaphore(%run_scoped3A : memref<!tpu.dma_semaphore, #tpu.memory_space<semaphore_mem>>) src(%dma_wait3A_44 : memref<40x128xi32, #tpu.memory_space<hbm>>) dst(%arg9 : memref<40x128xi32, #tpu.memory_space<vmem>>)
      tpu.yield
    }) : () -> ()
    "tpu.region"() ({
      %run_scoped3A = tpu.sem_alloc : memref<!tpu.dma_semaphore, #tpu.memory_space<semaphore_mem>>
      tpu.enqueue_dma source(%arg5 : memref<128x128xf32, #tpu.memory_space<hbm>>) target(%arg10 : memref<128x128xf32, #tpu.memory_space<vmem>>) target_semaphore(%run_scoped3A : memref<!tpu.dma_semaphore, #tpu.memory_space<semaphore_mem>>)
      tpu.wait_dma2 semaphore(%run_scoped3A : memref<!tpu.dma_semaphore, #tpu.memory_space<semaphore_mem>>) src(%arg5 : memref<128x128xf32, #tpu.memory_space<hbm>>) dst(%arg10 : memref<128x128xf32, #tpu.memory_space<vmem>>)
      tpu.yield
    }) : () -> ()
    %mul3A_5 = arith.constant 632 : i32
    %mul3A_6 = arith.muli %arg1, %mul3A_5 : i32
    %add3A_7 = arith.constant 0 : i32
    %add3A_8 = arith.addi %mul3A_6, %add3A_7 : i32
    "tpu.region"() ({
      %run_scoped3A = tpu.sem_alloc : memref<!tpu.dma_semaphore, #tpu.memory_space<semaphore_mem>>
      %dma_start3A_38 = arith.constant 0 : i32
      %dma_start3A_39 = arith.constant 0 : i32
      %dma_start3A_40 = tpu.memref_slice %arg10[%dma_start3A_38, %dma_start3A_39] : memref<128x128xf32, #tpu.memory_space<vmem>> -> memref<128x128xf32, #tpu.memory_space<vmem>>
      %dma_start3A_41 = arith.constant 0 : i32
      %dma_start3A_42 = tpu.memref_slice %arg7[%add3A_8, %dma_start3A_41] : memref<10112x128xf32, #tpu.memory_space<vmem_shared>> -> memref<128x128xf32, #tpu.memory_space<vmem_shared>>
      %dma_start3A_43 = arith.constant 0 : i32
      %dma_start3A_44 = tpu.memref_slice %arg7[%add3A_8, %dma_start3A_43] : memref<10112x128xf32, #tpu.memory_space<vmem_shared>> -> memref<128x128xf32, #tpu.memory_space<vmem_shared>>
      %dma_start3A_45 = arith.constant 0 : i32
      %dma_start3A_46 = arith.constant 0 : i32
      %dma_start3A_47 = tpu.memref_slice %arg10[%dma_start3A_45, %dma_start3A_46] : memref<128x128xf32, #tpu.memory_space<vmem>> -> memref<128x128xf32, #tpu.memory_space<vmem>>
      tpu.enqueue_dma source(%dma_start3A_47 : memref<128x128xf32, #tpu.memory_space<vmem>>) target(%dma_start3A_44 : memref<128x128xf32, #tpu.memory_space<vmem_shared>>) target_semaphore(%run_scoped3A : memref<!tpu.dma_semaphore, #tpu.memory_space<semaphore_mem>>)
      %dma_wait3A = arith.constant 0 : i32
      %dma_wait3A_48 = arith.constant 0 : i32
      %dma_wait3A_49 = tpu.memref_slice %arg10[%dma_wait3A, %dma_wait3A_48] : memref<128x128xf32, #tpu.memory_space<vmem>> -> memref<128x128xf32, #tpu.memory_space<vmem>>
      %dma_wait3A_50 = arith.constant 0 : i32
      %dma_wait3A_51 = tpu.memref_slice %arg7[%add3A_8, %dma_wait3A_50] : memref<10112x128xf32, #tpu.memory_space<vmem_shared>> -> memref<128x128xf32, #tpu.memory_space<vmem_shared>>
      %dma_wait3A_52 = arith.constant 0 : i32
      %dma_wait3A_53 = tpu.memref_slice %arg7[%add3A_8, %dma_wait3A_52] : memref<10112x128xf32, #tpu.memory_space<vmem_shared>> -> memref<128x128xf32, #tpu.memory_space<vmem_shared>>
      %dma_wait3A_54 = arith.constant 0 : i32
      %dma_wait3A_55 = arith.constant 0 : i32
      %dma_wait3A_56 = tpu.memref_slice %arg10[%dma_wait3A_54, %dma_wait3A_55] : memref<128x128xf32, #tpu.memory_space<vmem>> -> memref<128x128xf32, #tpu.memory_space<vmem>>
      tpu.wait_dma2 semaphore(%run_scoped3A : memref<!tpu.dma_semaphore, #tpu.memory_space<semaphore_mem>>) src(%dma_wait3A_56 : memref<128x128xf32, #tpu.memory_space<vmem>>) dst(%dma_wait3A_53 : memref<128x128xf32, #tpu.memory_space<vmem_shared>>)
      tpu.yield
    }) : () -> ()
    %add3A_9 = arith.constant 128 : i32
    %add3A_10 = arith.addi %mul3A_6, %add3A_9 : i32
    "tpu.region"() ({
      %run_scoped3A = tpu.sem_alloc : memref<!tpu.dma_semaphore, #tpu.memory_space<semaphore_mem>>
      %dma_start3A_38 = arith.constant 0 : i32
      %dma_start3A_39 = arith.constant 0 : i32
      %dma_start3A_40 = tpu.memref_slice %arg10[%dma_start3A_38, %dma_start3A_39] : memref<128x128xf32, #tpu.memory_space<vmem>> -> memref<128x128xf32, #tpu.memory_space<vmem>>
      %dma_start3A_41 = arith.constant 0 : i32
      %dma_start3A_42 = tpu.memref_slice %arg7[%add3A_10, %dma_start3A_41] : memref<10112x128xf32, #tpu.memory_space<vmem_shared>> -> memref<128x128xf32, #tpu.memory_space<vmem_shared>>
      %dma_start3A_43 = arith.constant 0 : i32
      %dma_start3A_44 = tpu.memref_slice %arg7[%add3A_10, %dma_start3A_43] : memref<10112x128xf32, #tpu.memory_space<vmem_shared>> -> memref<128x128xf32, #tpu.memory_space<vmem_shared>>
      %dma_start3A_45 = arith.constant 0 : i32
      %dma_start3A_46 = arith.constant 0 : i32
      %dma_start3A_47 = tpu.memref_slice %arg10[%dma_start3A_45, %dma_start3A_46] : memref<128x128xf32, #tpu.memory_space<vmem>> -> memref<128x128xf32, #tpu.memory_space<vmem>>
      tpu.enqueue_dma source(%dma_start3A_47 : memref<128x128xf32, #tpu.memory_space<vmem>>) target(%dma_start3A_44 : memref<128x128xf32, #tpu.memory_space<vmem_shared>>) target_semaphore(%run_scoped3A : memref<!tpu.dma_semaphore, #tpu.memory_space<semaphore_mem>>)
      %dma_wait3A = arith.constant 0 : i32
      %dma_wait3A_48 = arith.constant 0 : i32
      %dma_wait3A_49 = tpu.memref_slice %arg10[%dma_wait3A, %dma_wait3A_48] : memref<128x128xf32, #tpu.memory_space<vmem>> -> memref<128x128xf32, #tpu.memory_space<vmem>>
      %dma_wait3A_50 = arith.constant 0 : i32
      %dma_wait3A_51 = tpu.memref_slice %arg7[%add3A_10, %dma_wait3A_50] : memref<10112x128xf32, #tpu.memory_space<vmem_shared>> -> memref<128x128xf32, #tpu.memory_space<vmem_shared>>
      %dma_wait3A_52 = arith.constant 0 : i32
      %dma_wait3A_53 = tpu.memref_slice %arg7[%add3A_10, %dma_wait3A_52] : memref<10112x128xf32, #tpu.memory_space<vmem_shared>> -> memref<128x128xf32, #tpu.memory_space<vmem_shared>>
      %dma_wait3A_54 = arith.constant 0 : i32
      %dma_wait3A_55 = arith.constant 0 : i32
      %dma_wait3A_56 = tpu.memref_slice %arg10[%dma_wait3A_54, %dma_wait3A_55] : memref<128x128xf32, #tpu.memory_space<vmem>> -> memref<128x128xf32, #tpu.memory_space<vmem>>
      tpu.wait_dma2 semaphore(%run_scoped3A : memref<!tpu.dma_semaphore, #tpu.memory_space<semaphore_mem>>) src(%dma_wait3A_56 : memref<128x128xf32, #tpu.memory_space<vmem>>) dst(%dma_wait3A_53 : memref<128x128xf32, #tpu.memory_space<vmem_shared>>)
      tpu.yield
    }) : () -> ()
    %add3A_11 = arith.constant 256 : i32
    %add3A_12 = arith.addi %mul3A_6, %add3A_11 : i32
    "tpu.region"() ({
      %run_scoped3A = tpu.sem_alloc : memref<!tpu.dma_semaphore, #tpu.memory_space<semaphore_mem>>
      %dma_start3A_38 = arith.constant 0 : i32
      %dma_start3A_39 = arith.constant 0 : i32
      %dma_start3A_40 = tpu.memref_slice %arg10[%dma_start3A_38, %dma_start3A_39] : memref<128x128xf32, #tpu.memory_space<vmem>> -> memref<128x128xf32, #tpu.memory_space<vmem>>
      %dma_start3A_41 = arith.constant 0 : i32
      %dma_start3A_42 = tpu.memref_slice %arg7[%add3A_12, %dma_start3A_41] : memref<10112x128xf32, #tpu.memory_space<vmem_shared>> -> memref<128x128xf32, #tpu.memory_space<vmem_shared>>
      %dma_start3A_43 = arith.constant 0 : i32
      %dma_start3A_44 = tpu.memref_slice %arg7[%add3A_12, %dma_start3A_43] : memref<10112x128xf32, #tpu.memory_space<vmem_shared>> -> memref<128x128xf32, #tpu.memory_space<vmem_shared>>
      %dma_start3A_45 = arith.constant 0 : i32
      %dma_start3A_46 = arith.constant 0 : i32
      %dma_start3A_47 = tpu.memref_slice %arg10[%dma_start3A_45, %dma_start3A_46] : memref<128x128xf32, #tpu.memory_space<vmem>> -> memref<128x128xf32, #tpu.memory_space<vmem>>
      tpu.enqueue_dma source(%dma_start3A_47 : memref<128x128xf32, #tpu.memory_space<vmem>>) target(%dma_start3A_44 : memref<128x128xf32, #tpu.memory_space<vmem_shared>>) target_semaphore(%run_scoped3A : memref<!tpu.dma_semaphore, #tpu.memory_space<semaphore_mem>>)
      %dma_wait3A = arith.constant 0 : i32
      %dma_wait3A_48 = arith.constant 0 : i32
      %dma_wait3A_49 = tpu.memref_slice %arg10[%dma_wait3A, %dma_wait3A_48] : memref<128x128xf32, #tpu.memory_space<vmem>> -> memref<128x128xf32, #tpu.memory_space<vmem>>
      %dma_wait3A_50 = arith.constant 0 : i32
      %dma_wait3A_51 = tpu.memref_slice %arg7[%add3A_12, %dma_wait3A_50] : memref<10112x128xf32, #tpu.memory_space<vmem_shared>> -> memref<128x128xf32, #tpu.memory_space<vmem_shared>>
      %dma_wait3A_52 = arith.constant 0 : i32
      %dma_wait3A_53 = tpu.memref_slice %arg7[%add3A_12, %dma_wait3A_52] : memref<10112x128xf32, #tpu.memory_space<vmem_shared>> -> memref<128x128xf32, #tpu.memory_space<vmem_shared>>
      %dma_wait3A_54 = arith.constant 0 : i32
      %dma_wait3A_55 = arith.constant 0 : i32
      %dma_wait3A_56 = tpu.memref_slice %arg10[%dma_wait3A_54, %dma_wait3A_55] : memref<128x128xf32, #tpu.memory_space<vmem>> -> memref<128x128xf32, #tpu.memory_space<vmem>>
      tpu.wait_dma2 semaphore(%run_scoped3A : memref<!tpu.dma_semaphore, #tpu.memory_space<semaphore_mem>>) src(%dma_wait3A_56 : memref<128x128xf32, #tpu.memory_space<vmem>>) dst(%dma_wait3A_53 : memref<128x128xf32, #tpu.memory_space<vmem_shared>>)
      tpu.yield
    }) : () -> ()
    %add3A_13 = arith.constant 384 : i32
    %add3A_14 = arith.addi %mul3A_6, %add3A_13 : i32
    "tpu.region"() ({
      %run_scoped3A = tpu.sem_alloc : memref<!tpu.dma_semaphore, #tpu.memory_space<semaphore_mem>>
      %dma_start3A_38 = arith.constant 0 : i32
      %dma_start3A_39 = arith.constant 0 : i32
      %dma_start3A_40 = tpu.memref_slice %arg10[%dma_start3A_38, %dma_start3A_39] : memref<128x128xf32, #tpu.memory_space<vmem>> -> memref<128x128xf32, #tpu.memory_space<vmem>>
      %dma_start3A_41 = arith.constant 0 : i32
      %dma_start3A_42 = tpu.memref_slice %arg7[%add3A_14, %dma_start3A_41] : memref<10112x128xf32, #tpu.memory_space<vmem_shared>> -> memref<128x128xf32, #tpu.memory_space<vmem_shared>>
      %dma_start3A_43 = arith.constant 0 : i32
      %dma_start3A_44 = tpu.memref_slice %arg7[%add3A_14, %dma_start3A_43] : memref<10112x128xf32, #tpu.memory_space<vmem_shared>> -> memref<128x128xf32, #tpu.memory_space<vmem_shared>>
      %dma_start3A_45 = arith.constant 0 : i32
      %dma_start3A_46 = arith.constant 0 : i32
      %dma_start3A_47 = tpu.memref_slice %arg10[%dma_start3A_45, %dma_start3A_46] : memref<128x128xf32, #tpu.memory_space<vmem>> -> memref<128x128xf32, #tpu.memory_space<vmem>>
      tpu.enqueue_dma source(%dma_start3A_47 : memref<128x128xf32, #tpu.memory_space<vmem>>) target(%dma_start3A_44 : memref<128x128xf32, #tpu.memory_space<vmem_shared>>) target_semaphore(%run_scoped3A : memref<!tpu.dma_semaphore, #tpu.memory_space<semaphore_mem>>)
      %dma_wait3A = arith.constant 0 : i32
      %dma_wait3A_48 = arith.constant 0 : i32
      %dma_wait3A_49 = tpu.memref_slice %arg10[%dma_wait3A, %dma_wait3A_48] : memref<128x128xf32, #tpu.memory_space<vmem>> -> memref<128x128xf32, #tpu.memory_space<vmem>>
      %dma_wait3A_50 = arith.constant 0 : i32
      %dma_wait3A_51 = tpu.memref_slice %arg7[%add3A_14, %dma_wait3A_50] : memref<10112x128xf32, #tpu.memory_space<vmem_shared>> -> memref<128x128xf32, #tpu.memory_space<vmem_shared>>
      %dma_wait3A_52 = arith.constant 0 : i32
      %dma_wait3A_53 = tpu.memref_slice %arg7[%add3A_14, %dma_wait3A_52] : memref<10112x128xf32, #tpu.memory_space<vmem_shared>> -> memref<128x128xf32, #tpu.memory_space<vmem_shared>>
      %dma_wait3A_54 = arith.constant 0 : i32
      %dma_wait3A_55 = arith.constant 0 : i32
      %dma_wait3A_56 = tpu.memref_slice %arg10[%dma_wait3A_54, %dma_wait3A_55] : memref<128x128xf32, #tpu.memory_space<vmem>> -> memref<128x128xf32, #tpu.memory_space<vmem>>
      tpu.wait_dma2 semaphore(%run_scoped3A : memref<!tpu.dma_semaphore, #tpu.memory_space<semaphore_mem>>) src(%dma_wait3A_56 : memref<128x128xf32, #tpu.memory_space<vmem>>) dst(%dma_wait3A_53 : memref<128x128xf32, #tpu.memory_space<vmem_shared>>)
      tpu.yield
    }) : () -> ()
    %add3A_15 = arith.constant 512 : i32
    %add3A_16 = arith.addi %mul3A_6, %add3A_15 : i32
    "tpu.region"() ({
      %run_scoped3A = tpu.sem_alloc : memref<!tpu.dma_semaphore, #tpu.memory_space<semaphore_mem>>
      %dma_start3A_38 = arith.constant 0 : i32
      %dma_start3A_39 = arith.constant 0 : i32
      %dma_start3A_40 = tpu.memref_slice %arg10[%dma_start3A_38, %dma_start3A_39] : memref<128x128xf32, #tpu.memory_space<vmem>> -> memref<120x128xf32, #tpu.memory_space<vmem>>
      %dma_start3A_41 = arith.constant 0 : i32
      %dma_start3A_42 = tpu.memref_slice %arg7[%add3A_16, %dma_start3A_41] : memref<10112x128xf32, #tpu.memory_space<vmem_shared>> -> memref<120x128xf32, #tpu.memory_space<vmem_shared>>
      %dma_start3A_43 = arith.constant 0 : i32
      %dma_start3A_44 = tpu.memref_slice %arg7[%add3A_16, %dma_start3A_43] : memref<10112x128xf32, #tpu.memory_space<vmem_shared>> -> memref<120x128xf32, #tpu.memory_space<vmem_shared>>
      %dma_start3A_45 = arith.constant 0 : i32
      %dma_start3A_46 = arith.constant 0 : i32
      %dma_start3A_47 = tpu.memref_slice %arg10[%dma_start3A_45, %dma_start3A_46] : memref<128x128xf32, #tpu.memory_space<vmem>> -> memref<120x128xf32, #tpu.memory_space<vmem>>
      tpu.enqueue_dma source(%dma_start3A_47 : memref<120x128xf32, #tpu.memory_space<vmem>>) target(%dma_start3A_44 : memref<120x128xf32, #tpu.memory_space<vmem_shared>>) target_semaphore(%run_scoped3A : memref<!tpu.dma_semaphore, #tpu.memory_space<semaphore_mem>>)
      %dma_wait3A = arith.constant 0 : i32
      %dma_wait3A_48 = arith.constant 0 : i32
      %dma_wait3A_49 = tpu.memref_slice %arg10[%dma_wait3A, %dma_wait3A_48] : memref<128x128xf32, #tpu.memory_space<vmem>> -> memref<120x128xf32, #tpu.memory_space<vmem>>
      %dma_wait3A_50 = arith.constant 0 : i32
      %dma_wait3A_51 = tpu.memref_slice %arg7[%add3A_16, %dma_wait3A_50] : memref<10112x128xf32, #tpu.memory_space<vmem_shared>> -> memref<120x128xf32, #tpu.memory_space<vmem_shared>>
      %dma_wait3A_52 = arith.constant 0 : i32
      %dma_wait3A_53 = tpu.memref_slice %arg7[%add3A_16, %dma_wait3A_52] : memref<10112x128xf32, #tpu.memory_space<vmem_shared>> -> memref<120x128xf32, #tpu.memory_space<vmem_shared>>
      %dma_wait3A_54 = arith.constant 0 : i32
      %dma_wait3A_55 = arith.constant 0 : i32
      %dma_wait3A_56 = tpu.memref_slice %arg10[%dma_wait3A_54, %dma_wait3A_55] : memref<128x128xf32, #tpu.memory_space<vmem>> -> memref<120x128xf32, #tpu.memory_space<vmem>>
      tpu.wait_dma2 semaphore(%run_scoped3A : memref<!tpu.dma_semaphore, #tpu.memory_space<semaphore_mem>>) src(%dma_wait3A_56 : memref<120x128xf32, #tpu.memory_space<vmem>>) dst(%dma_wait3A_53 : memref<120x128xf32, #tpu.memory_space<vmem_shared>>)
      tpu.yield
    }) : () -> ()
    %barrier3A = arith.constant 0 : index
    tpu.barrier barrier_id(%barrier3A)
    %dma_start3A = arith.constant 0 : i32
    %dma_start3A_17 = arith.constant 0 : i32
    %dma_start3A_18 = tpu.memref_slice %arg8[%dma_start3A, %dma_start3A_17] : memref<40x128xi32, #tpu.memory_space<vmem>> -> memref<1x128xi32, #tpu.memory_space<vmem>>
    %dma_start3A_19 = tpu.memref_squeeze %dma_start3A_18 : memref<1x128xi32, #tpu.memory_space<vmem>> -> memref<128xi32, #tpu.memory_space<vmem>>
    %dma_start3A_20 = arith.constant 0 : i32
    %dma_start3A_21 = arith.constant 0 : i32
    %dma_start3A_22 = tpu.memref_slice %arg2[%dma_start3A_20, %dma_start3A_21] : memref<10000x128xf32, #tpu.memory_space<hbm>> -> memref<10000x128xf32, #tpu.memory_space<hbm>>
    tpu.enqueue_indirect_dma source(%dma_start3A_22 : memref<10000x128xf32, #tpu.memory_space<hbm>>) target(%arg10 : memref<128x128xf32, #tpu.memory_space<vmem>>) offsets(%dma_start3A_19 : memref<128xi32, #tpu.memory_space<vmem>>) semaphore(%arg12 : memref<!tpu.dma_semaphore, #tpu.memory_space<semaphore_mem>>)
    %dma_start3A_23 = arith.constant 1 : i32
    %dma_start3A_24 = arith.constant 0 : i32
    %dma_start3A_25 = tpu.memref_slice %arg8[%dma_start3A_23, %dma_start3A_24] : memref<40x128xi32, #tpu.memory_space<vmem>> -> memref<1x128xi32, #tpu.memory_space<vmem>>
    %dma_start3A_26 = tpu.memref_squeeze %dma_start3A_25 : memref<1x128xi32, #tpu.memory_space<vmem>> -> memref<128xi32, #tpu.memory_space<vmem>>
    %dma_start3A_27 = arith.constant 0 : i32
    %dma_start3A_28 = arith.constant 0 : i32
    %dma_start3A_29 = tpu.memref_slice %arg2[%dma_start3A_27, %dma_start3A_28] : memref<10000x128xf32, #tpu.memory_space<hbm>> -> memref<10000x128xf32, #tpu.memory_space<hbm>>
    tpu.enqueue_indirect_dma source(%dma_start3A_29 : memref<10000x128xf32, #tpu.memory_space<hbm>>) target(%arg11 : memref<128x128xf32, #tpu.memory_space<vmem>>) offsets(%dma_start3A_26 : memref<128xi32, #tpu.memory_space<vmem>>) semaphore(%arg13 : memref<!tpu.dma_semaphore, #tpu.memory_space<semaphore_mem>>)
    %scan3A = arith.constant 0 : i32
    %scan3A_30 = arith.constant 0 : i32
    %scan3A_31 = arith.constant 20 : i32
    %scan3A_32 = arith.addi %scan3A_30, %scan3A_31 : i32
    %scan3A_33 = arith.constant 1 : i32
    scf.for %scan3A_38 = %scan3A_30 to %scan3A_32 step %scan3A_33  : i32 {
      %mul3A_39 = arith.constant 2 : i32
      %mul3A_40 = arith.muli %scan3A_38, %mul3A_39 : i32
      %add3A_41 = arith.constant 0 : i32
      %add3A_42 = arith.addi %mul3A_40, %add3A_41 : i32
      %dma_wait3A = arith.constant 0 : i32
      %dma_wait3A_43 = tpu.memref_slice %arg8[%add3A_42, %dma_wait3A] : memref<40x128xi32, #tpu.memory_space<vmem>> -> memref<1x128xi32, #tpu.memory_space<vmem>>
      %dma_wait3A_44 = tpu.memref_squeeze %dma_wait3A_43 : memref<1x128xi32, #tpu.memory_space<vmem>> -> memref<128xi32, #tpu.memory_space<vmem>>
      %dma_wait3A_45 = arith.constant 0 : i32
      %dma_wait3A_46 = arith.constant 0 : i32
      %dma_wait3A_47 = tpu.memref_slice %arg2[%dma_wait3A_45, %dma_wait3A_46] : memref<10000x128xf32, #tpu.memory_space<hbm>> -> memref<10000x128xf32, #tpu.memory_space<hbm>>
      tpu.wait_indirect_dma semaphore(%arg12 : memref<!tpu.dma_semaphore, #tpu.memory_space<semaphore_mem>>) src(%dma_wait3A_47 : memref<10000x128xf32, #tpu.memory_space<hbm>>) dst(%arg10 : memref<128x128xf32, #tpu.memory_space<vmem>>)
      %add3A_48 = arith.constant 0 : i32
      %add3A_49 = arith.addi %mul3A_40, %add3A_48 : i32
      %dma_start3A_50 = arith.constant 0 : i32
      %dma_start3A_51 = tpu.memref_slice %arg9[%add3A_49, %dma_start3A_50] : memref<40x128xi32, #tpu.memory_space<vmem>> -> memref<1x128xi32, #tpu.memory_space<vmem>>
      %dma_start3A_52 = tpu.memref_squeeze %dma_start3A_51 : memref<1x128xi32, #tpu.memory_space<vmem>> -> memref<128xi32, #tpu.memory_space<vmem>>
      %dma_start3A_53 = arith.constant 0 : i32
      %dma_start3A_54 = arith.constant 0 : i32
      %dma_start3A_55 = tpu.memref_slice %arg7[%dma_start3A_53, %dma_start3A_54] : memref<10112x128xf32, #tpu.memory_space<vmem_shared>> -> memref<10112x128xf32, #tpu.memory_space<vmem_shared>>
      tpu.enqueue_indirect_dma source(%arg10 : memref<128x128xf32, #tpu.memory_space<vmem>>) target(%dma_start3A_55 : memref<10112x128xf32, #tpu.memory_space<vmem_shared>>) offsets(%dma_start3A_52 : memref<128xi32, #tpu.memory_space<vmem>>) semaphore(%arg14 : memref<!tpu.dma_semaphore, #tpu.memory_space<semaphore_mem>>) {add = true}
      %add3A_56 = arith.constant 1 : i32
      %add3A_57 = arith.addi %mul3A_40, %add3A_56 : i32
      %dma_wait3A_58 = arith.constant 0 : i32
      %dma_wait3A_59 = tpu.memref_slice %arg8[%add3A_57, %dma_wait3A_58] : memref<40x128xi32, #tpu.memory_space<vmem>> -> memref<1x128xi32, #tpu.memory_space<vmem>>
      %dma_wait3A_60 = tpu.memref_squeeze %dma_wait3A_59 : memref<1x128xi32, #tpu.memory_space<vmem>> -> memref<128xi32, #tpu.memory_space<vmem>>
      %dma_wait3A_61 = arith.constant 0 : i32
      %dma_wait3A_62 = arith.constant 0 : i32
      %dma_wait3A_63 = tpu.memref_slice %arg2[%dma_wait3A_61, %dma_wait3A_62] : memref<10000x128xf32, #tpu.memory_space<hbm>> -> memref<10000x128xf32, #tpu.memory_space<hbm>>
      tpu.wait_indirect_dma semaphore(%arg13 : memref<!tpu.dma_semaphore, #tpu.memory_space<semaphore_mem>>) src(%dma_wait3A_63 : memref<10000x128xf32, #tpu.memory_space<hbm>>) dst(%arg11 : memref<128x128xf32, #tpu.memory_space<vmem>>)
      %add3A_64 = arith.constant 1 : i32
      %add3A_65 = arith.addi %mul3A_40, %add3A_64 : i32
      %dma_start3A_66 = arith.constant 0 : i32
      %dma_start3A_67 = tpu.memref_slice %arg9[%add3A_65, %dma_start3A_66] : memref<40x128xi32, #tpu.memory_space<vmem>> -> memref<1x128xi32, #tpu.memory_space<vmem>>
      %dma_start3A_68 = tpu.memref_squeeze %dma_start3A_67 : memref<1x128xi32, #tpu.memory_space<vmem>> -> memref<128xi32, #tpu.memory_space<vmem>>
      %dma_start3A_69 = arith.constant 0 : i32
      %dma_start3A_70 = arith.constant 0 : i32
      %dma_start3A_71 = tpu.memref_slice %arg7[%dma_start3A_69, %dma_start3A_70] : memref<10112x128xf32, #tpu.memory_space<vmem_shared>> -> memref<10112x128xf32, #tpu.memory_space<vmem_shared>>
      tpu.enqueue_indirect_dma source(%arg11 : memref<128x128xf32, #tpu.memory_space<vmem>>) target(%dma_start3A_71 : memref<10112x128xf32, #tpu.memory_space<vmem_shared>>) offsets(%dma_start3A_68 : memref<128xi32, #tpu.memory_space<vmem>>) semaphore(%arg15 : memref<!tpu.dma_semaphore, #tpu.memory_space<semaphore_mem>>) {add = true}
      %add3A_72 = arith.constant 2 : i32
      %add3A_73 = arith.addi %mul3A_40, %add3A_72 : i32
      %add3A_74 = arith.constant 0 : i32
      %add3A_75 = arith.addi %add3A_73, %add3A_74 : i32
      %add3A_76 = arith.constant 0 : i32
      %add3A_77 = arith.addi %mul3A_40, %add3A_76 : i32
      %dma_wait3A_78 = arith.constant 0 : i32
      %dma_wait3A_79 = tpu.memref_slice %arg9[%add3A_77, %dma_wait3A_78] : memref<40x128xi32, #tpu.memory_space<vmem>> -> memref<1x128xi32, #tpu.memory_space<vmem>>
      %dma_wait3A_80 = tpu.memref_squeeze %dma_wait3A_79 : memref<1x128xi32, #tpu.memory_space<vmem>> -> memref<128xi32, #tpu.memory_space<vmem>>
      %dma_wait3A_81 = arith.constant 0 : i32
      %dma_wait3A_82 = arith.constant 0 : i32
      %dma_wait3A_83 = tpu.memref_slice %arg7[%dma_wait3A_81, %dma_wait3A_82] : memref<10112x128xf32, #tpu.memory_space<vmem_shared>> -> memref<10112x128xf32, #tpu.memory_space<vmem_shared>>
      tpu.wait_indirect_dma semaphore(%arg14 : memref<!tpu.dma_semaphore, #tpu.memory_space<semaphore_mem>>) src(%arg10 : memref<128x128xf32, #tpu.memory_space<vmem>>) dst(%dma_wait3A_83 : memref<10112x128xf32, #tpu.memory_space<vmem_shared>>)
      %lt3A = arith.constant 40 : i32
      %lt3A_84 = arith.cmpi slt, %add3A_75, %lt3A : i32
      %convert_element_type3A = arith.extui %lt3A_84 : i1 to i32
      %cond3A = arith.constant 0 : i32
      %cond3A_85 = arith.cmpi ne, %convert_element_type3A, %cond3A : i32
      scf.if %cond3A_85 {
        %dma_start3A_103 = arith.constant 0 : i32
        %dma_start3A_104 = tpu.memref_slice %arg8[%add3A_75, %dma_start3A_103] : memref<40x128xi32, #tpu.memory_space<vmem>> -> memref<1x128xi32, #tpu.memory_space<vmem>>
        %dma_start3A_105 = tpu.memref_squeeze %dma_start3A_104 : memref<1x128xi32, #tpu.memory_space<vmem>> -> memref<128xi32, #tpu.memory_space<vmem>>
        %dma_start3A_106 = arith.constant 0 : i32
        %dma_start3A_107 = arith.constant 0 : i32
        %dma_start3A_108 = tpu.memref_slice %arg2[%dma_start3A_106, %dma_start3A_107] : memref<10000x128xf32, #tpu.memory_space<hbm>> -> memref<10000x128xf32, #tpu.memory_space<hbm>>
        tpu.enqueue_indirect_dma source(%dma_start3A_108 : memref<10000x128xf32, #tpu.memory_space<hbm>>) target(%arg10 : memref<128x128xf32, #tpu.memory_space<vmem>>) offsets(%dma_start3A_105 : memref<128xi32, #tpu.memory_space<vmem>>) semaphore(%arg12 : memref<!tpu.dma_semaphore, #tpu.memory_space<semaphore_mem>>)
      } else {
      }
      %add3A_86 = arith.constant 2 : i32
      %add3A_87 = arith.addi %mul3A_40, %add3A_86 : i32
      %add3A_88 = arith.constant 1 : i32
      %add3A_89 = arith.addi %add3A_87, %add3A_88 : i32
      %add3A_90 = arith.constant 1 : i32
      %add3A_91 = arith.addi %mul3A_40, %add3A_90 : i32
      %dma_wait3A_92 = arith.constant 0 : i32
      %dma_wait3A_93 = tpu.memref_slice %arg9[%add3A_91, %dma_wait3A_92] : memref<40x128xi32, #tpu.memory_space<vmem>> -> memref<1x128xi32, #tpu.memory_space<vmem>>
      %dma_wait3A_94 = tpu.memref_squeeze %dma_wait3A_93 : memref<1x128xi32, #tpu.memory_space<vmem>> -> memref<128xi32, #tpu.memory_space<vmem>>
      %dma_wait3A_95 = arith.constant 0 : i32
      %dma_wait3A_96 = arith.constant 0 : i32
      %dma_wait3A_97 = tpu.memref_slice %arg7[%dma_wait3A_95, %dma_wait3A_96] : memref<10112x128xf32, #tpu.memory_space<vmem_shared>> -> memref<10112x128xf32, #tpu.memory_space<vmem_shared>>
      tpu.wait_indirect_dma semaphore(%arg15 : memref<!tpu.dma_semaphore, #tpu.memory_space<semaphore_mem>>) src(%arg11 : memref<128x128xf32, #tpu.memory_space<vmem>>) dst(%dma_wait3A_97 : memref<10112x128xf32, #tpu.memory_space<vmem_shared>>)
      %lt3A_98 = arith.constant 40 : i32
      %lt3A_99 = arith.cmpi slt, %add3A_89, %lt3A_98 : i32
      %convert_element_type3A_100 = arith.extui %lt3A_99 : i1 to i32
      %cond3A_101 = arith.constant 0 : i32
      %cond3A_102 = arith.cmpi ne, %convert_element_type3A_100, %cond3A_101 : i32
      scf.if %cond3A_102 {
        %dma_start3A_103 = arith.constant 0 : i32
        %dma_start3A_104 = tpu.memref_slice %arg8[%add3A_89, %dma_start3A_103] : memref<40x128xi32, #tpu.memory_space<vmem>> -> memref<1x128xi32, #tpu.memory_space<vmem>>
        %dma_start3A_105 = tpu.memref_squeeze %dma_start3A_104 : memref<1x128xi32, #tpu.memory_space<vmem>> -> memref<128xi32, #tpu.memory_space<vmem>>
        %dma_start3A_106 = arith.constant 0 : i32
        %dma_start3A_107 = arith.constant 0 : i32
        %dma_start3A_108 = tpu.memref_slice %arg2[%dma_start3A_106, %dma_start3A_107] : memref<10000x128xf32, #tpu.memory_space<hbm>> -> memref<10000x128xf32, #tpu.memory_space<hbm>>
        tpu.enqueue_indirect_dma source(%dma_start3A_108 : memref<10000x128xf32, #tpu.memory_space<hbm>>) target(%arg11 : memref<128x128xf32, #tpu.memory_space<vmem>>) offsets(%dma_start3A_105 : memref<128xi32, #tpu.memory_space<vmem>>) semaphore(%arg13 : memref<!tpu.dma_semaphore, #tpu.memory_space<semaphore_mem>>)
      } else {
      }
    }
    %scan3A_34 = arith.constant 20 : i32
    %barrier3A_35 = arith.constant 0 : index
    tpu.barrier barrier_id(%barrier3A_35)
    %mul3A_36 = arith.constant 632 : i32
    %mul3A_37 = arith.muli %arg1, %mul3A_36 : i32
    "tpu.region"() ({
      %run_scoped3A = tpu.sem_alloc : memref<!tpu.dma_semaphore, #tpu.memory_space<semaphore_mem>>
      %dma_start3A_38 = arith.constant 0 : i32
      %dma_start3A_39 = tpu.memref_slice %arg6[%arg0, %mul3A_37, %dma_start3A_38] : memref<2x10112x128xf32, #tpu.memory_space<hbm>> -> memref<1x632x128xf32, #tpu.memory_space<hbm>>
      %dma_start3A_40 = tpu.memref_squeeze %dma_start3A_39 : memref<1x632x128xf32, #tpu.memory_space<hbm>> -> memref<632x128xf32, #tpu.memory_space<hbm>>
      %dma_start3A_41 = arith.constant 0 : i32
      %dma_start3A_42 = tpu.memref_slice %arg7[%mul3A_37, %dma_start3A_41] : memref<10112x128xf32, #tpu.memory_space<vmem_shared>> -> memref<632x128xf32, #tpu.memory_space<vmem_shared>>
      tpu.enqueue_dma source(%dma_start3A_42 : memref<632x128xf32, #tpu.memory_space<vmem_shared>>) target(%dma_start3A_40 : memref<632x128xf32, #tpu.memory_space<hbm>>) target_semaphore(%run_scoped3A : memref<!tpu.dma_semaphore, #tpu.memory_space<semaphore_mem>>)
      %dma_wait3A = arith.constant 0 : i32
      %dma_wait3A_43 = tpu.memref_slice %arg6[%arg0, %mul3A_37, %dma_wait3A] : memref<2x10112x128xf32, #tpu.memory_space<hbm>> -> memref<1x632x128xf32, #tpu.memory_space<hbm>>
      %dma_wait3A_44 = tpu.memref_squeeze %dma_wait3A_43 : memref<1x632x128xf32, #tpu.memory_space<hbm>> -> memref<632x128xf32, #tpu.memory_space<hbm>>
      %dma_wait3A_45 = arith.constant 0 : i32
      %dma_wait3A_46 = tpu.memref_slice %arg7[%mul3A_37, %dma_wait3A_45] : memref<10112x128xf32, #tpu.memory_space<vmem_shared>> -> memref<632x128xf32, #tpu.memory_space<vmem_shared>>
      tpu.wait_dma2 semaphore(%run_scoped3A : memref<!tpu.dma_semaphore, #tpu.memory_space<semaphore_mem>>) src(%dma_wait3A_46 : memref<632x128xf32, #tpu.memory_space<vmem_shared>>) dst(%dma_wait3A_44 : memref<632x128xf32, #tpu.memory_space<hbm>>)
      tpu.yield
    }) : () -> ()
    return
  }
}

#map = affine_map<(d0, d1) -> (0, 0)>
#map1 = affine_map<(d0, d1) -> (0, 0, 0)>
module attributes {stable_mosaic.version = 14 : i64} {
  func.func @_deg_body(%arg0: i32, %arg1: i32, %arg2: memref<1280x128xi32, #tpu.memory_space<hbm>>, %arg3: memref<128x128xf32, #tpu.memory_space<hbm>>, %arg4: memref<128x128xf32, #tpu.memory_space<hbm>>, %arg5: memref<2x10112x128xf32, #tpu.memory_space<hbm>>, %arg6: memref<10112x128xf32, #tpu.memory_space<vmem_shared>>, %arg7: memref<40x128xi32, #tpu.memory_space<vmem>>, %arg8: memref<128x128xf32, #tpu.memory_space<vmem>>, %arg9: memref<128x128xf32, #tpu.memory_space<vmem>>, %arg10: memref<!tpu.dma_semaphore, #tpu.memory_space<semaphore_mem>>, %arg11: memref<!tpu.dma_semaphore, #tpu.memory_space<semaphore_mem>>, %arg12: memref<!tpu.dma_semaphore, #tpu.memory_space<semaphore_mem>>, %arg13: memref<!tpu.dma_semaphore, #tpu.memory_space<semaphore_mem>>) attributes {dimension_semantics = [#tpu.dimension_semantics<core_parallel>, #tpu.dimension_semantics<subcore_parallel>], iteration_bounds = array<i64: 2, 16>, scalar_prefetch = 0 : i64, scratch_operands = 8 : i64, tpu.core_type = #tpu.core_type<sc_vector_subcore>, window_params = [{transform_indices = #map}, {transform_indices = #map}, {transform_indices = #map}, {transform_indices = #map1}]} {
    %mul3A = arith.constant 16 : i32
    %mul3A_0 = arith.muli %arg0, %mul3A : i32
    %add3A = arith.addi %mul3A_0, %arg1 : i32
    %mul3A_1 = arith.constant 40 : i32
    %mul3A_2 = arith.muli %add3A, %mul3A_1 : i32
    "tpu.region"() ({
      %run_scoped3A = tpu.sem_alloc : memref<!tpu.dma_semaphore, #tpu.memory_space<semaphore_mem>>
      %dma_start3A_576 = arith.constant 0 : i32
      %dma_start3A_577 = tpu.memref_slice %arg2[%mul3A_2, %dma_start3A_576] : memref<1280x128xi32, #tpu.memory_space<hbm>> -> memref<40x128xi32, #tpu.memory_space<hbm>>
      %dma_start3A_578 = arith.constant 0 : i32
      %dma_start3A_579 = tpu.memref_slice %arg2[%mul3A_2, %dma_start3A_578] : memref<1280x128xi32, #tpu.memory_space<hbm>> -> memref<40x128xi32, #tpu.memory_space<hbm>>
      tpu.enqueue_dma source(%dma_start3A_579 : memref<40x128xi32, #tpu.memory_space<hbm>>) target(%arg7 : memref<40x128xi32, #tpu.memory_space<vmem>>) target_semaphore(%run_scoped3A : memref<!tpu.dma_semaphore, #tpu.memory_space<semaphore_mem>>)
      %dma_wait3A_580 = arith.constant 0 : i32
      %dma_wait3A_581 = tpu.memref_slice %arg2[%mul3A_2, %dma_wait3A_580] : memref<1280x128xi32, #tpu.memory_space<hbm>> -> memref<40x128xi32, #tpu.memory_space<hbm>>
      %dma_wait3A_582 = arith.constant 0 : i32
      %dma_wait3A_583 = tpu.memref_slice %arg2[%mul3A_2, %dma_wait3A_582] : memref<1280x128xi32, #tpu.memory_space<hbm>> -> memref<40x128xi32, #tpu.memory_space<hbm>>
      tpu.wait_dma2 semaphore(%run_scoped3A : memref<!tpu.dma_semaphore, #tpu.memory_space<semaphore_mem>>) src(%dma_wait3A_583 : memref<40x128xi32, #tpu.memory_space<hbm>>) dst(%arg7 : memref<40x128xi32, #tpu.memory_space<vmem>>)
      tpu.yield
    }) : () -> ()
    "tpu.region"() ({
      %run_scoped3A = tpu.sem_alloc : memref<!tpu.dma_semaphore, #tpu.memory_space<semaphore_mem>>
      tpu.enqueue_dma source(%arg3 : memref<128x128xf32, #tpu.memory_space<hbm>>) target(%arg8 : memref<128x128xf32, #tpu.memory_space<vmem>>) target_semaphore(%run_scoped3A : memref<!tpu.dma_semaphore, #tpu.memory_space<semaphore_mem>>)
      tpu.wait_dma2 semaphore(%run_scoped3A : memref<!tpu.dma_semaphore, #tpu.memory_space<semaphore_mem>>) src(%arg3 : memref<128x128xf32, #tpu.memory_space<hbm>>) dst(%arg8 : memref<128x128xf32, #tpu.memory_space<vmem>>)
      tpu.yield
    }) : () -> ()
    "tpu.region"() ({
      %run_scoped3A = tpu.sem_alloc : memref<!tpu.dma_semaphore, #tpu.memory_space<semaphore_mem>>
      tpu.enqueue_dma source(%arg4 : memref<128x128xf32, #tpu.memory_space<hbm>>) target(%arg9 : memref<128x128xf32, #tpu.memory_space<vmem>>) target_semaphore(%run_scoped3A : memref<!tpu.dma_semaphore, #tpu.memory_space<semaphore_mem>>)
      tpu.wait_dma2 semaphore(%run_scoped3A : memref<!tpu.dma_semaphore, #tpu.memory_space<semaphore_mem>>) src(%arg4 : memref<128x128xf32, #tpu.memory_space<hbm>>) dst(%arg9 : memref<128x128xf32, #tpu.memory_space<vmem>>)
      tpu.yield
    }) : () -> ()
    %mul3A_3 = arith.constant 632 : i32
    %mul3A_4 = arith.muli %arg1, %mul3A_3 : i32
    %add3A_5 = arith.constant 0 : i32
    %add3A_6 = arith.addi %mul3A_4, %add3A_5 : i32
    "tpu.region"() ({
      %run_scoped3A = tpu.sem_alloc : memref<!tpu.dma_semaphore, #tpu.memory_space<semaphore_mem>>
      %dma_start3A_576 = arith.constant 0 : i32
      %dma_start3A_577 = arith.constant 0 : i32
      %dma_start3A_578 = tpu.memref_slice %arg9[%dma_start3A_576, %dma_start3A_577] : memref<128x128xf32, #tpu.memory_space<vmem>> -> memref<128x128xf32, #tpu.memory_space<vmem>>
      %dma_start3A_579 = arith.constant 0 : i32
      %dma_start3A_580 = tpu.memref_slice %arg6[%add3A_6, %dma_start3A_579] : memref<10112x128xf32, #tpu.memory_space<vmem_shared>> -> memref<128x128xf32, #tpu.memory_space<vmem_shared>>
      %dma_start3A_581 = arith.constant 0 : i32
      %dma_start3A_582 = tpu.memref_slice %arg6[%add3A_6, %dma_start3A_581] : memref<10112x128xf32, #tpu.memory_space<vmem_shared>> -> memref<128x128xf32, #tpu.memory_space<vmem_shared>>
      %dma_start3A_583 = arith.constant 0 : i32
      %dma_start3A_584 = arith.constant 0 : i32
      %dma_start3A_585 = tpu.memref_slice %arg9[%dma_start3A_583, %dma_start3A_584] : memref<128x128xf32, #tpu.memory_space<vmem>> -> memref<128x128xf32, #tpu.memory_space<vmem>>
      tpu.enqueue_dma source(%dma_start3A_585 : memref<128x128xf32, #tpu.memory_space<vmem>>) target(%dma_start3A_582 : memref<128x128xf32, #tpu.memory_space<vmem_shared>>) target_semaphore(%run_scoped3A : memref<!tpu.dma_semaphore, #tpu.memory_space<semaphore_mem>>)
      %dma_wait3A_586 = arith.constant 0 : i32
      %dma_wait3A_587 = arith.constant 0 : i32
      %dma_wait3A_588 = tpu.memref_slice %arg9[%dma_wait3A_586, %dma_wait3A_587] : memref<128x128xf32, #tpu.memory_space<vmem>> -> memref<128x128xf32, #tpu.memory_space<vmem>>
      %dma_wait3A_589 = arith.constant 0 : i32
      %dma_wait3A_590 = tpu.memref_slice %arg6[%add3A_6, %dma_wait3A_589] : memref<10112x128xf32, #tpu.memory_space<vmem_shared>> -> memref<128x128xf32, #tpu.memory_space<vmem_shared>>
      %dma_wait3A_591 = arith.constant 0 : i32
      %dma_wait3A_592 = tpu.memref_slice %arg6[%add3A_6, %dma_wait3A_591] : memref<10112x128xf32, #tpu.memory_space<vmem_shared>> -> memref<128x128xf32, #tpu.memory_space<vmem_shared>>
      %dma_wait3A_593 = arith.constant 0 : i32
      %dma_wait3A_594 = arith.constant 0 : i32
      %dma_wait3A_595 = tpu.memref_slice %arg9[%dma_wait3A_593, %dma_wait3A_594] : memref<128x128xf32, #tpu.memory_space<vmem>> -> memref<128x128xf32, #tpu.memory_space<vmem>>
      tpu.wait_dma2 semaphore(%run_scoped3A : memref<!tpu.dma_semaphore, #tpu.memory_space<semaphore_mem>>) src(%dma_wait3A_595 : memref<128x128xf32, #tpu.memory_space<vmem>>) dst(%dma_wait3A_592 : memref<128x128xf32, #tpu.memory_space<vmem_shared>>)
      tpu.yield
    }) : () -> ()
    %add3A_7 = arith.constant 128 : i32
    %add3A_8 = arith.addi %mul3A_4, %add3A_7 : i32
    "tpu.region"() ({
      %run_scoped3A = tpu.sem_alloc : memref<!tpu.dma_semaphore, #tpu.memory_space<semaphore_mem>>
      %dma_start3A_576 = arith.constant 0 : i32
      %dma_start3A_577 = arith.constant 0 : i32
      %dma_start3A_578 = tpu.memref_slice %arg9[%dma_start3A_576, %dma_start3A_577] : memref<128x128xf32, #tpu.memory_space<vmem>> -> memref<128x128xf32, #tpu.memory_space<vmem>>
      %dma_start3A_579 = arith.constant 0 : i32
      %dma_start3A_580 = tpu.memref_slice %arg6[%add3A_8, %dma_start3A_579] : memref<10112x128xf32, #tpu.memory_space<vmem_shared>> -> memref<128x128xf32, #tpu.memory_space<vmem_shared>>
      %dma_start3A_581 = arith.constant 0 : i32
      %dma_start3A_582 = tpu.memref_slice %arg6[%add3A_8, %dma_start3A_581] : memref<10112x128xf32, #tpu.memory_space<vmem_shared>> -> memref<128x128xf32, #tpu.memory_space<vmem_shared>>
      %dma_start3A_583 = arith.constant 0 : i32
      %dma_start3A_584 = arith.constant 0 : i32
      %dma_start3A_585 = tpu.memref_slice %arg9[%dma_start3A_583, %dma_start3A_584] : memref<128x128xf32, #tpu.memory_space<vmem>> -> memref<128x128xf32, #tpu.memory_space<vmem>>
      tpu.enqueue_dma source(%dma_start3A_585 : memref<128x128xf32, #tpu.memory_space<vmem>>) target(%dma_start3A_582 : memref<128x128xf32, #tpu.memory_space<vmem_shared>>) target_semaphore(%run_scoped3A : memref<!tpu.dma_semaphore, #tpu.memory_space<semaphore_mem>>)
      %dma_wait3A_586 = arith.constant 0 : i32
      %dma_wait3A_587 = arith.constant 0 : i32
      %dma_wait3A_588 = tpu.memref_slice %arg9[%dma_wait3A_586, %dma_wait3A_587] : memref<128x128xf32, #tpu.memory_space<vmem>> -> memref<128x128xf32, #tpu.memory_space<vmem>>
      %dma_wait3A_589 = arith.constant 0 : i32
      %dma_wait3A_590 = tpu.memref_slice %arg6[%add3A_8, %dma_wait3A_589] : memref<10112x128xf32, #tpu.memory_space<vmem_shared>> -> memref<128x128xf32, #tpu.memory_space<vmem_shared>>
      %dma_wait3A_591 = arith.constant 0 : i32
      %dma_wait3A_592 = tpu.memref_slice %arg6[%add3A_8, %dma_wait3A_591] : memref<10112x128xf32, #tpu.memory_space<vmem_shared>> -> memref<128x128xf32, #tpu.memory_space<vmem_shared>>
      %dma_wait3A_593 = arith.constant 0 : i32
      %dma_wait3A_594 = arith.constant 0 : i32
      %dma_wait3A_595 = tpu.memref_slice %arg9[%dma_wait3A_593, %dma_wait3A_594] : memref<128x128xf32, #tpu.memory_space<vmem>> -> memref<128x128xf32, #tpu.memory_space<vmem>>
      tpu.wait_dma2 semaphore(%run_scoped3A : memref<!tpu.dma_semaphore, #tpu.memory_space<semaphore_mem>>) src(%dma_wait3A_595 : memref<128x128xf32, #tpu.memory_space<vmem>>) dst(%dma_wait3A_592 : memref<128x128xf32, #tpu.memory_space<vmem_shared>>)
      tpu.yield
    }) : () -> ()
    %add3A_9 = arith.constant 256 : i32
    %add3A_10 = arith.addi %mul3A_4, %add3A_9 : i32
    "tpu.region"() ({
      %run_scoped3A = tpu.sem_alloc : memref<!tpu.dma_semaphore, #tpu.memory_space<semaphore_mem>>
      %dma_start3A_576 = arith.constant 0 : i32
      %dma_start3A_577 = arith.constant 0 : i32
      %dma_start3A_578 = tpu.memref_slice %arg9[%dma_start3A_576, %dma_start3A_577] : memref<128x128xf32, #tpu.memory_space<vmem>> -> memref<128x128xf32, #tpu.memory_space<vmem>>
      %dma_start3A_579 = arith.constant 0 : i32
      %dma_start3A_580 = tpu.memref_slice %arg6[%add3A_10, %dma_start3A_579] : memref<10112x128xf32, #tpu.memory_space<vmem_shared>> -> memref<128x128xf32, #tpu.memory_space<vmem_shared>>
      %dma_start3A_581 = arith.constant 0 : i32
      %dma_start3A_582 = tpu.memref_slice %arg6[%add3A_10, %dma_start3A_581] : memref<10112x128xf32, #tpu.memory_space<vmem_shared>> -> memref<128x128xf32, #tpu.memory_space<vmem_shared>>
      %dma_start3A_583 = arith.constant 0 : i32
      %dma_start3A_584 = arith.constant 0 : i32
      %dma_start3A_585 = tpu.memref_slice %arg9[%dma_start3A_583, %dma_start3A_584] : memref<128x128xf32, #tpu.memory_space<vmem>> -> memref<128x128xf32, #tpu.memory_space<vmem>>
      tpu.enqueue_dma source(%dma_start3A_585 : memref<128x128xf32, #tpu.memory_space<vmem>>) target(%dma_start3A_582 : memref<128x128xf32, #tpu.memory_space<vmem_shared>>) target_semaphore(%run_scoped3A : memref<!tpu.dma_semaphore, #tpu.memory_space<semaphore_mem>>)
      %dma_wait3A_586 = arith.constant 0 : i32
      %dma_wait3A_587 = arith.constant 0 : i32
      %dma_wait3A_588 = tpu.memref_slice %arg9[%dma_wait3A_586, %dma_wait3A_587] : memref<128x128xf32, #tpu.memory_space<vmem>> -> memref<128x128xf32, #tpu.memory_space<vmem>>
      %dma_wait3A_589 = arith.constant 0 : i32
      %dma_wait3A_590 = tpu.memref_slice %arg6[%add3A_10, %dma_wait3A_589] : memref<10112x128xf32, #tpu.memory_space<vmem_shared>> -> memref<128x128xf32, #tpu.memory_space<vmem_shared>>
      %dma_wait3A_591 = arith.constant 0 : i32
      %dma_wait3A_592 = tpu.memref_slice %arg6[%add3A_10, %dma_wait3A_591] : memref<10112x128xf32, #tpu.memory_space<vmem_shared>> -> memref<128x128xf32, #tpu.memory_space<vmem_shared>>
      %dma_wait3A_593 = arith.constant 0 : i32
      %dma_wait3A_594 = arith.constant 0 : i32
      %dma_wait3A_595 = tpu.memref_slice %arg9[%dma_wait3A_593, %dma_wait3A_594] : memref<128x128xf32, #tpu.memory_space<vmem>> -> memref<128x128xf32, #tpu.memory_space<vmem>>
      tpu.wait_dma2 semaphore(%run_scoped3A : memref<!tpu.dma_semaphore, #tpu.memory_space<semaphore_mem>>) src(%dma_wait3A_595 : memref<128x128xf32, #tpu.memory_space<vmem>>) dst(%dma_wait3A_592 : memref<128x128xf32, #tpu.memory_space<vmem_shared>>)
      tpu.yield
    }) : () -> ()
    %add3A_11 = arith.constant 384 : i32
    %add3A_12 = arith.addi %mul3A_4, %add3A_11 : i32
    "tpu.region"() ({
      %run_scoped3A = tpu.sem_alloc : memref<!tpu.dma_semaphore, #tpu.memory_space<semaphore_mem>>
      %dma_start3A_576 = arith.constant 0 : i32
      %dma_start3A_577 = arith.constant 0 : i32
      %dma_start3A_578 = tpu.memref_slice %arg9[%dma_start3A_576, %dma_start3A_577] : memref<128x128xf32, #tpu.memory_space<vmem>> -> memref<128x128xf32, #tpu.memory_space<vmem>>
      %dma_start3A_579 = arith.constant 0 : i32
      %dma_start3A_580 = tpu.memref_slice %arg6[%add3A_12, %dma_start3A_579] : memref<10112x128xf32, #tpu.memory_space<vmem_shared>> -> memref<128x128xf32, #tpu.memory_space<vmem_shared>>
      %dma_start3A_581 = arith.constant 0 : i32
      %dma_start3A_582 = tpu.memref_slice %arg6[%add3A_12, %dma_start3A_581] : memref<10112x128xf32, #tpu.memory_space<vmem_shared>> -> memref<128x128xf32, #tpu.memory_space<vmem_shared>>
      %dma_start3A_583 = arith.constant 0 : i32
      %dma_start3A_584 = arith.constant 0 : i32
      %dma_start3A_585 = tpu.memref_slice %arg9[%dma_start3A_583, %dma_start3A_584] : memref<128x128xf32, #tpu.memory_space<vmem>> -> memref<128x128xf32, #tpu.memory_space<vmem>>
      tpu.enqueue_dma source(%dma_start3A_585 : memref<128x128xf32, #tpu.memory_space<vmem>>) target(%dma_start3A_582 : memref<128x128xf32, #tpu.memory_space<vmem_shared>>) target_semaphore(%run_scoped3A : memref<!tpu.dma_semaphore, #tpu.memory_space<semaphore_mem>>)
      %dma_wait3A_586 = arith.constant 0 : i32
      %dma_wait3A_587 = arith.constant 0 : i32
      %dma_wait3A_588 = tpu.memref_slice %arg9[%dma_wait3A_586, %dma_wait3A_587] : memref<128x128xf32, #tpu.memory_space<vmem>> -> memref<128x128xf32, #tpu.memory_space<vmem>>
      %dma_wait3A_589 = arith.constant 0 : i32
      %dma_wait3A_590 = tpu.memref_slice %arg6[%add3A_12, %dma_wait3A_589] : memref<10112x128xf32, #tpu.memory_space<vmem_shared>> -> memref<128x128xf32, #tpu.memory_space<vmem_shared>>
      %dma_wait3A_591 = arith.constant 0 : i32
      %dma_wait3A_592 = tpu.memref_slice %arg6[%add3A_12, %dma_wait3A_591] : memref<10112x128xf32, #tpu.memory_space<vmem_shared>> -> memref<128x128xf32, #tpu.memory_space<vmem_shared>>
      %dma_wait3A_593 = arith.constant 0 : i32
      %dma_wait3A_594 = arith.constant 0 : i32
      %dma_wait3A_595 = tpu.memref_slice %arg9[%dma_wait3A_593, %dma_wait3A_594] : memref<128x128xf32, #tpu.memory_space<vmem>> -> memref<128x128xf32, #tpu.memory_space<vmem>>
      tpu.wait_dma2 semaphore(%run_scoped3A : memref<!tpu.dma_semaphore, #tpu.memory_space<semaphore_mem>>) src(%dma_wait3A_595 : memref<128x128xf32, #tpu.memory_space<vmem>>) dst(%dma_wait3A_592 : memref<128x128xf32, #tpu.memory_space<vmem_shared>>)
      tpu.yield
    }) : () -> ()
    %add3A_13 = arith.constant 512 : i32
    %add3A_14 = arith.addi %mul3A_4, %add3A_13 : i32
    "tpu.region"() ({
      %run_scoped3A = tpu.sem_alloc : memref<!tpu.dma_semaphore, #tpu.memory_space<semaphore_mem>>
      %dma_start3A_576 = arith.constant 0 : i32
      %dma_start3A_577 = arith.constant 0 : i32
      %dma_start3A_578 = tpu.memref_slice %arg9[%dma_start3A_576, %dma_start3A_577] : memref<128x128xf32, #tpu.memory_space<vmem>> -> memref<120x128xf32, #tpu.memory_space<vmem>>
      %dma_start3A_579 = arith.constant 0 : i32
      %dma_start3A_580 = tpu.memref_slice %arg6[%add3A_14, %dma_start3A_579] : memref<10112x128xf32, #tpu.memory_space<vmem_shared>> -> memref<120x128xf32, #tpu.memory_space<vmem_shared>>
      %dma_start3A_581 = arith.constant 0 : i32
      %dma_start3A_582 = tpu.memref_slice %arg6[%add3A_14, %dma_start3A_581] : memref<10112x128xf32, #tpu.memory_space<vmem_shared>> -> memref<120x128xf32, #tpu.memory_space<vmem_shared>>
      %dma_start3A_583 = arith.constant 0 : i32
      %dma_start3A_584 = arith.constant 0 : i32
      %dma_start3A_585 = tpu.memref_slice %arg9[%dma_start3A_583, %dma_start3A_584] : memref<128x128xf32, #tpu.memory_space<vmem>> -> memref<120x128xf32, #tpu.memory_space<vmem>>
      tpu.enqueue_dma source(%dma_start3A_585 : memref<120x128xf32, #tpu.memory_space<vmem>>) target(%dma_start3A_582 : memref<120x128xf32, #tpu.memory_space<vmem_shared>>) target_semaphore(%run_scoped3A : memref<!tpu.dma_semaphore, #tpu.memory_space<semaphore_mem>>)
      %dma_wait3A_586 = arith.constant 0 : i32
      %dma_wait3A_587 = arith.constant 0 : i32
      %dma_wait3A_588 = tpu.memref_slice %arg9[%dma_wait3A_586, %dma_wait3A_587] : memref<128x128xf32, #tpu.memory_space<vmem>> -> memref<120x128xf32, #tpu.memory_space<vmem>>
      %dma_wait3A_589 = arith.constant 0 : i32
      %dma_wait3A_590 = tpu.memref_slice %arg6[%add3A_14, %dma_wait3A_589] : memref<10112x128xf32, #tpu.memory_space<vmem_shared>> -> memref<120x128xf32, #tpu.memory_space<vmem_shared>>
      %dma_wait3A_591 = arith.constant 0 : i32
      %dma_wait3A_592 = tpu.memref_slice %arg6[%add3A_14, %dma_wait3A_591] : memref<10112x128xf32, #tpu.memory_space<vmem_shared>> -> memref<120x128xf32, #tpu.memory_space<vmem_shared>>
      %dma_wait3A_593 = arith.constant 0 : i32
      %dma_wait3A_594 = arith.constant 0 : i32
      %dma_wait3A_595 = tpu.memref_slice %arg9[%dma_wait3A_593, %dma_wait3A_594] : memref<128x128xf32, #tpu.memory_space<vmem>> -> memref<120x128xf32, #tpu.memory_space<vmem>>
      tpu.wait_dma2 semaphore(%run_scoped3A : memref<!tpu.dma_semaphore, #tpu.memory_space<semaphore_mem>>) src(%dma_wait3A_595 : memref<120x128xf32, #tpu.memory_space<vmem>>) dst(%dma_wait3A_592 : memref<120x128xf32, #tpu.memory_space<vmem_shared>>)
      tpu.yield
    }) : () -> ()
    %barrier3A = arith.constant 0 : index
    tpu.barrier barrier_id(%barrier3A)
    %dma_start3A = arith.constant 0 : i32
    %dma_start3A_15 = arith.constant 0 : i32
    %dma_start3A_16 = tpu.memref_slice %arg7[%dma_start3A, %dma_start3A_15] : memref<40x128xi32, #tpu.memory_space<vmem>> -> memref<1x128xi32, #tpu.memory_space<vmem>>
    %dma_start3A_17 = tpu.memref_squeeze %dma_start3A_16 : memref<1x128xi32, #tpu.memory_space<vmem>> -> memref<128xi32, #tpu.memory_space<vmem>>
    %dma_start3A_18 = arith.constant 0 : i32
    %dma_start3A_19 = arith.constant 0 : i32
    %dma_start3A_20 = tpu.memref_slice %arg6[%dma_start3A_18, %dma_start3A_19] : memref<10112x128xf32, #tpu.memory_space<vmem_shared>> -> memref<10112x128xf32, #tpu.memory_space<vmem_shared>>
    tpu.enqueue_indirect_dma source(%arg8 : memref<128x128xf32, #tpu.memory_space<vmem>>) target(%dma_start3A_20 : memref<10112x128xf32, #tpu.memory_space<vmem_shared>>) offsets(%dma_start3A_17 : memref<128xi32, #tpu.memory_space<vmem>>) semaphore(%arg10 : memref<!tpu.dma_semaphore, #tpu.memory_space<semaphore_mem>>) {add = true}
    %dma_start3A_21 = arith.constant 1 : i32
    %dma_start3A_22 = arith.constant 0 : i32
    %dma_start3A_23 = tpu.memref_slice %arg7[%dma_start3A_21, %dma_start3A_22] : memref<40x128xi32, #tpu.memory_space<vmem>> -> memref<1x128xi32, #tpu.memory_space<vmem>>
    %dma_start3A_24 = tpu.memref_squeeze %dma_start3A_23 : memref<1x128xi32, #tpu.memory_space<vmem>> -> memref<128xi32, #tpu.memory_space<vmem>>
    %dma_start3A_25 = arith.constant 0 : i32
    %dma_start3A_26 = arith.constant 0 : i32
    %dma_start3A_27 = tpu.memref_slice %arg6[%dma_start3A_25, %dma_start3A_26] : memref<10112x128xf32, #tpu.memory_space<vmem_shared>> -> memref<10112x128xf32, #tpu.memory_space<vmem_shared>>
    tpu.enqueue_indirect_dma source(%arg8 : memref<128x128xf32, #tpu.memory_space<vmem>>) target(%dma_start3A_27 : memref<10112x128xf32, #tpu.memory_space<vmem_shared>>) offsets(%dma_start3A_24 : memref<128xi32, #tpu.memory_space<vmem>>) semaphore(%arg11 : memref<!tpu.dma_semaphore, #tpu.memory_space<semaphore_mem>>) {add = true}
    %dma_start3A_28 = arith.constant 2 : i32
    %dma_start3A_29 = arith.constant 0 : i32
    %dma_start3A_30 = tpu.memref_slice %arg7[%dma_start3A_28, %dma_start3A_29] : memref<40x128xi32, #tpu.memory_space<vmem>> -> memref<1x128xi32, #tpu.memory_space<vmem>>
    %dma_start3A_31 = tpu.memref_squeeze %dma_start3A_30 : memref<1x128xi32, #tpu.memory_space<vmem>> -> memref<128xi32, #tpu.memory_space<vmem>>
    %dma_start3A_32 = arith.constant 0 : i32
    %dma_start3A_33 = arith.constant 0 : i32
    %dma_start3A_34 = tpu.memref_slice %arg6[%dma_start3A_32, %dma_start3A_33] : memref<10112x128xf32, #tpu.memory_space<vmem_shared>> -> memref<10112x128xf32, #tpu.memory_space<vmem_shared>>
    tpu.enqueue_indirect_dma source(%arg8 : memref<128x128xf32, #tpu.memory_space<vmem>>) target(%dma_start3A_34 : memref<10112x128xf32, #tpu.memory_space<vmem_shared>>) offsets(%dma_start3A_31 : memref<128xi32, #tpu.memory_space<vmem>>) semaphore(%arg12 : memref<!tpu.dma_semaphore, #tpu.memory_space<semaphore_mem>>) {add = true}
    %dma_start3A_35 = arith.constant 3 : i32
    %dma_start3A_36 = arith.constant 0 : i32
    %dma_start3A_37 = tpu.memref_slice %arg7[%dma_start3A_35, %dma_start3A_36] : memref<40x128xi32, #tpu.memory_space<vmem>> -> memref<1x128xi32, #tpu.memory_space<vmem>>
    %dma_start3A_38 = tpu.memref_squeeze %dma_start3A_37 : memref<1x128xi32, #tpu.memory_space<vmem>> -> memref<128xi32, #tpu.memory_space<vmem>>
    %dma_start3A_39 = arith.constant 0 : i32
    %dma_start3A_40 = arith.constant 0 : i32
    %dma_start3A_41 = tpu.memref_slice %arg6[%dma_start3A_39, %dma_start3A_40] : memref<10112x128xf32, #tpu.memory_space<vmem_shared>> -> memref<10112x128xf32, #tpu.memory_space<vmem_shared>>
    tpu.enqueue_indirect_dma source(%arg8 : memref<128x128xf32, #tpu.memory_space<vmem>>) target(%dma_start3A_41 : memref<10112x128xf32, #tpu.memory_space<vmem_shared>>) offsets(%dma_start3A_38 : memref<128xi32, #tpu.memory_space<vmem>>) semaphore(%arg13 : memref<!tpu.dma_semaphore, #tpu.memory_space<semaphore_mem>>) {add = true}
    %dma_wait3A = arith.constant 0 : i32
    %dma_wait3A_42 = arith.constant 0 : i32
    %dma_wait3A_43 = tpu.memref_slice %arg7[%dma_wait3A, %dma_wait3A_42] : memref<40x128xi32, #tpu.memory_space<vmem>> -> memref<1x128xi32, #tpu.memory_space<vmem>>
    %dma_wait3A_44 = tpu.memref_squeeze %dma_wait3A_43 : memref<1x128xi32, #tpu.memory_space<vmem>> -> memref<128xi32, #tpu.memory_space<vmem>>
    %dma_wait3A_45 = arith.constant 0 : i32
    %dma_wait3A_46 = arith.constant 0 : i32
    %dma_wait3A_47 = tpu.memref_slice %arg6[%dma_wait3A_45, %dma_wait3A_46] : memref<10112x128xf32, #tpu.memory_space<vmem_shared>> -> memref<10112x128xf32, #tpu.memory_space<vmem_shared>>
    tpu.wait_indirect_dma semaphore(%arg10 : memref<!tpu.dma_semaphore, #tpu.memory_space<semaphore_mem>>) src(%arg8 : memref<128x128xf32, #tpu.memory_space<vmem>>) dst(%dma_wait3A_47 : memref<10112x128xf32, #tpu.memory_space<vmem_shared>>)
    %dma_start3A_48 = arith.constant 4 : i32
    %dma_start3A_49 = arith.constant 0 : i32
    %dma_start3A_50 = tpu.memref_slice %arg7[%dma_start3A_48, %dma_start3A_49] : memref<40x128xi32, #tpu.memory_space<vmem>> -> memref<1x128xi32, #tpu.memory_space<vmem>>
    %dma_start3A_51 = tpu.memref_squeeze %dma_start3A_50 : memref<1x128xi32, #tpu.memory_space<vmem>> -> memref<128xi32, #tpu.memory_space<vmem>>
    %dma_start3A_52 = arith.constant 0 : i32
    %dma_start3A_53 = arith.constant 0 : i32
    %dma_start3A_54 = tpu.memref_slice %arg6[%dma_start3A_52, %dma_start3A_53] : memref<10112x128xf32, #tpu.memory_space<vmem_shared>> -> memref<10112x128xf32, #tpu.memory_space<vmem_shared>>
    tpu.enqueue_indirect_dma source(%arg8 : memref<128x128xf32, #tpu.memory_space<vmem>>) target(%dma_start3A_54 : memref<10112x128xf32, #tpu.memory_space<vmem_shared>>) offsets(%dma_start3A_51 : memref<128xi32, #tpu.memory_space<vmem>>) semaphore(%arg10 : memref<!tpu.dma_semaphore, #tpu.memory_space<semaphore_mem>>) {add = true}
    %dma_wait3A_55 = arith.constant 1 : i32
    %dma_wait3A_56 = arith.constant 0 : i32
    %dma_wait3A_57 = tpu.memref_slice %arg7[%dma_wait3A_55, %dma_wait3A_56] : memref<40x128xi32, #tpu.memory_space<vmem>> -> memref<1x128xi32, #tpu.memory_space<vmem>>
    %dma_wait3A_58 = tpu.memref_squeeze %dma_wait3A_57 : memref<1x128xi32, #tpu.memory_space<vmem>> -> memref<128xi32, #tpu.memory_space<vmem>>
    %dma_wait3A_59 = arith.constant 0 : i32
    %dma_wait3A_60 = arith.constant 0 : i32
    %dma_wait3A_61 = tpu.memref_slice %arg6[%dma_wait3A_59, %dma_wait3A_60] : memref<10112x128xf32, #tpu.memory_space<vmem_shared>> -> memref<10112x128xf32, #tpu.memory_space<vmem_shared>>
    tpu.wait_indirect_dma semaphore(%arg11 : memref<!tpu.dma_semaphore, #tpu.memory_space<semaphore_mem>>) src(%arg8 : memref<128x128xf32, #tpu.memory_space<vmem>>) dst(%dma_wait3A_61 : memref<10112x128xf32, #tpu.memory_space<vmem_shared>>)
    %dma_start3A_62 = arith.constant 5 : i32
    %dma_start3A_63 = arith.constant 0 : i32
    %dma_start3A_64 = tpu.memref_slice %arg7[%dma_start3A_62, %dma_start3A_63] : memref<40x128xi32, #tpu.memory_space<vmem>> -> memref<1x128xi32, #tpu.memory_space<vmem>>
    %dma_start3A_65 = tpu.memref_squeeze %dma_start3A_64 : memref<1x128xi32, #tpu.memory_space<vmem>> -> memref<128xi32, #tpu.memory_space<vmem>>
    %dma_start3A_66 = arith.constant 0 : i32
    %dma_start3A_67 = arith.constant 0 : i32
    %dma_start3A_68 = tpu.memref_slice %arg6[%dma_start3A_66, %dma_start3A_67] : memref<10112x128xf32, #tpu.memory_space<vmem_shared>> -> memref<10112x128xf32, #tpu.memory_space<vmem_shared>>
    tpu.enqueue_indirect_dma source(%arg8 : memref<128x128xf32, #tpu.memory_space<vmem>>) target(%dma_start3A_68 : memref<10112x128xf32, #tpu.memory_space<vmem_shared>>) offsets(%dma_start3A_65 : memref<128xi32, #tpu.memory_space<vmem>>) semaphore(%arg11 : memref<!tpu.dma_semaphore, #tpu.memory_space<semaphore_mem>>) {add = true}
    %dma_wait3A_69 = arith.constant 2 : i32
    %dma_wait3A_70 = arith.constant 0 : i32
    %dma_wait3A_71 = tpu.memref_slice %arg7[%dma_wait3A_69, %dma_wait3A_70] : memref<40x128xi32, #tpu.memory_space<vmem>> -> memref<1x128xi32, #tpu.memory_space<vmem>>
    %dma_wait3A_72 = tpu.memref_squeeze %dma_wait3A_71 : memref<1x128xi32, #tpu.memory_space<vmem>> -> memref<128xi32, #tpu.memory_space<vmem>>
    %dma_wait3A_73 = arith.constant 0 : i32
    %dma_wait3A_74 = arith.constant 0 : i32
    %dma_wait3A_75 = tpu.memref_slice %arg6[%dma_wait3A_73, %dma_wait3A_74] : memref<10112x128xf32, #tpu.memory_space<vmem_shared>> -> memref<10112x128xf32, #tpu.memory_space<vmem_shared>>
    tpu.wait_indirect_dma semaphore(%arg12 : memref<!tpu.dma_semaphore, #tpu.memory_space<semaphore_mem>>) src(%arg8 : memref<128x128xf32, #tpu.memory_space<vmem>>) dst(%dma_wait3A_75 : memref<10112x128xf32, #tpu.memory_space<vmem_shared>>)
    %dma_start3A_76 = arith.constant 6 : i32
    %dma_start3A_77 = arith.constant 0 : i32
    %dma_start3A_78 = tpu.memref_slice %arg7[%dma_start3A_76, %dma_start3A_77] : memref<40x128xi32, #tpu.memory_space<vmem>> -> memref<1x128xi32, #tpu.memory_space<vmem>>
    %dma_start3A_79 = tpu.memref_squeeze %dma_start3A_78 : memref<1x128xi32, #tpu.memory_space<vmem>> -> memref<128xi32, #tpu.memory_space<vmem>>
    %dma_start3A_80 = arith.constant 0 : i32
    %dma_start3A_81 = arith.constant 0 : i32
    %dma_start3A_82 = tpu.memref_slice %arg6[%dma_start3A_80, %dma_start3A_81] : memref<10112x128xf32, #tpu.memory_space<vmem_shared>> -> memref<10112x128xf32, #tpu.memory_space<vmem_shared>>
    tpu.enqueue_indirect_dma source(%arg8 : memref<128x128xf32, #tpu.memory_space<vmem>>) target(%dma_start3A_82 : memref<10112x128xf32, #tpu.memory_space<vmem_shared>>) offsets(%dma_start3A_79 : memref<128xi32, #tpu.memory_space<vmem>>) semaphore(%arg12 : memref<!tpu.dma_semaphore, #tpu.memory_space<semaphore_mem>>) {add = true}
    %dma_wait3A_83 = arith.constant 3 : i32
    %dma_wait3A_84 = arith.constant 0 : i32
    %dma_wait3A_85 = tpu.memref_slice %arg7[%dma_wait3A_83, %dma_wait3A_84] : memref<40x128xi32, #tpu.memory_space<vmem>> -> memref<1x128xi32, #tpu.memory_space<vmem>>
    %dma_wait3A_86 = tpu.memref_squeeze %dma_wait3A_85 : memref<1x128xi32, #tpu.memory_space<vmem>> -> memref<128xi32, #tpu.memory_space<vmem>>
    %dma_wait3A_87 = arith.constant 0 : i32
    %dma_wait3A_88 = arith.constant 0 : i32
    %dma_wait3A_89 = tpu.memref_slice %arg6[%dma_wait3A_87, %dma_wait3A_88] : memref<10112x128xf32, #tpu.memory_space<vmem_shared>> -> memref<10112x128xf32, #tpu.memory_space<vmem_shared>>
    tpu.wait_indirect_dma semaphore(%arg13 : memref<!tpu.dma_semaphore, #tpu.memory_space<semaphore_mem>>) src(%arg8 : memref<128x128xf32, #tpu.memory_space<vmem>>) dst(%dma_wait3A_89 : memref<10112x128xf32, #tpu.memory_space<vmem_shared>>)
    %dma_start3A_90 = arith.constant 7 : i32
    %dma_start3A_91 = arith.constant 0 : i32
    %dma_start3A_92 = tpu.memref_slice %arg7[%dma_start3A_90, %dma_start3A_91] : memref<40x128xi32, #tpu.memory_space<vmem>> -> memref<1x128xi32, #tpu.memory_space<vmem>>
    %dma_start3A_93 = tpu.memref_squeeze %dma_start3A_92 : memref<1x128xi32, #tpu.memory_space<vmem>> -> memref<128xi32, #tpu.memory_space<vmem>>
    %dma_start3A_94 = arith.constant 0 : i32
    %dma_start3A_95 = arith.constant 0 : i32
    %dma_start3A_96 = tpu.memref_slice %arg6[%dma_start3A_94, %dma_start3A_95] : memref<10112x128xf32, #tpu.memory_space<vmem_shared>> -> memref<10112x128xf32, #tpu.memory_space<vmem_shared>>
    tpu.enqueue_indirect_dma source(%arg8 : memref<128x128xf32, #tpu.memory_space<vmem>>) target(%dma_start3A_96 : memref<10112x128xf32, #tpu.memory_space<vmem_shared>>) offsets(%dma_start3A_93 : memref<128xi32, #tpu.memory_space<vmem>>) semaphore(%arg13 : memref<!tpu.dma_semaphore, #tpu.memory_space<semaphore_mem>>) {add = true}
    %dma_wait3A_97 = arith.constant 4 : i32
    %dma_wait3A_98 = arith.constant 0 : i32
    %dma_wait3A_99 = tpu.memref_slice %arg7[%dma_wait3A_97, %dma_wait3A_98] : memref<40x128xi32, #tpu.memory_space<vmem>> -> memref<1x128xi32, #tpu.memory_space<vmem>>
    %dma_wait3A_100 = tpu.memref_squeeze %dma_wait3A_99 : memref<1x128xi32, #tpu.memory_space<vmem>> -> memref<128xi32, #tpu.memory_space<vmem>>
    %dma_wait3A_101 = arith.constant 0 : i32
    %dma_wait3A_102 = arith.constant 0 : i32
    %dma_wait3A_103 = tpu.memref_slice %arg6[%dma_wait3A_101, %dma_wait3A_102] : memref<10112x128xf32, #tpu.memory_space<vmem_shared>> -> memref<10112x128xf32, #tpu.memory_space<vmem_shared>>
    tpu.wait_indirect_dma semaphore(%arg10 : memref<!tpu.dma_semaphore, #tpu.memory_space<semaphore_mem>>) src(%arg8 : memref<128x128xf32, #tpu.memory_space<vmem>>) dst(%dma_wait3A_103 : memref<10112x128xf32, #tpu.memory_space<vmem_shared>>)
    %dma_start3A_104 = arith.constant 8 : i32
    %dma_start3A_105 = arith.constant 0 : i32
    %dma_start3A_106 = tpu.memref_slice %arg7[%dma_start3A_104, %dma_start3A_105] : memref<40x128xi32, #tpu.memory_space<vmem>> -> memref<1x128xi32, #tpu.memory_space<vmem>>
    %dma_start3A_107 = tpu.memref_squeeze %dma_start3A_106 : memref<1x128xi32, #tpu.memory_space<vmem>> -> memref<128xi32, #tpu.memory_space<vmem>>
    %dma_start3A_108 = arith.constant 0 : i32
    %dma_start3A_109 = arith.constant 0 : i32
    %dma_start3A_110 = tpu.memref_slice %arg6[%dma_start3A_108, %dma_start3A_109] : memref<10112x128xf32, #tpu.memory_space<vmem_shared>> -> memref<10112x128xf32, #tpu.memory_space<vmem_shared>>
    tpu.enqueue_indirect_dma source(%arg8 : memref<128x128xf32, #tpu.memory_space<vmem>>) target(%dma_start3A_110 : memref<10112x128xf32, #tpu.memory_space<vmem_shared>>) offsets(%dma_start3A_107 : memref<128xi32, #tpu.memory_space<vmem>>) semaphore(%arg10 : memref<!tpu.dma_semaphore, #tpu.memory_space<semaphore_mem>>) {add = true}
    %dma_wait3A_111 = arith.constant 5 : i32
    %dma_wait3A_112 = arith.constant 0 : i32
    %dma_wait3A_113 = tpu.memref_slice %arg7[%dma_wait3A_111, %dma_wait3A_112] : memref<40x128xi32, #tpu.memory_space<vmem>> -> memref<1x128xi32, #tpu.memory_space<vmem>>
    %dma_wait3A_114 = tpu.memref_squeeze %dma_wait3A_113 : memref<1x128xi32, #tpu.memory_space<vmem>> -> memref<128xi32, #tpu.memory_space<vmem>>
    %dma_wait3A_115 = arith.constant 0 : i32
    %dma_wait3A_116 = arith.constant 0 : i32
    %dma_wait3A_117 = tpu.memref_slice %arg6[%dma_wait3A_115, %dma_wait3A_116] : memref<10112x128xf32, #tpu.memory_space<vmem_shared>> -> memref<10112x128xf32, #tpu.memory_space<vmem_shared>>
    tpu.wait_indirect_dma semaphore(%arg11 : memref<!tpu.dma_semaphore, #tpu.memory_space<semaphore_mem>>) src(%arg8 : memref<128x128xf32, #tpu.memory_space<vmem>>) dst(%dma_wait3A_117 : memref<10112x128xf32, #tpu.memory_space<vmem_shared>>)
    %dma_start3A_118 = arith.constant 9 : i32
    %dma_start3A_119 = arith.constant 0 : i32
    %dma_start3A_120 = tpu.memref_slice %arg7[%dma_start3A_118, %dma_start3A_119] : memref<40x128xi32, #tpu.memory_space<vmem>> -> memref<1x128xi32, #tpu.memory_space<vmem>>
    %dma_start3A_121 = tpu.memref_squeeze %dma_start3A_120 : memref<1x128xi32, #tpu.memory_space<vmem>> -> memref<128xi32, #tpu.memory_space<vmem>>
    %dma_start3A_122 = arith.constant 0 : i32
    %dma_start3A_123 = arith.constant 0 : i32
    %dma_start3A_124 = tpu.memref_slice %arg6[%dma_start3A_122, %dma_start3A_123] : memref<10112x128xf32, #tpu.memory_space<vmem_shared>> -> memref<10112x128xf32, #tpu.memory_space<vmem_shared>>
    tpu.enqueue_indirect_dma source(%arg8 : memref<128x128xf32, #tpu.memory_space<vmem>>) target(%dma_start3A_124 : memref<10112x128xf32, #tpu.memory_space<vmem_shared>>) offsets(%dma_start3A_121 : memref<128xi32, #tpu.memory_space<vmem>>) semaphore(%arg11 : memref<!tpu.dma_semaphore, #tpu.memory_space<semaphore_mem>>) {add = true}
    %dma_wait3A_125 = arith.constant 6 : i32
    %dma_wait3A_126 = arith.constant 0 : i32
    %dma_wait3A_127 = tpu.memref_slice %arg7[%dma_wait3A_125, %dma_wait3A_126] : memref<40x128xi32, #tpu.memory_space<vmem>> -> memref<1x128xi32, #tpu.memory_space<vmem>>
    %dma_wait3A_128 = tpu.memref_squeeze %dma_wait3A_127 : memref<1x128xi32, #tpu.memory_space<vmem>> -> memref<128xi32, #tpu.memory_space<vmem>>
    %dma_wait3A_129 = arith.constant 0 : i32
    %dma_wait3A_130 = arith.constant 0 : i32
    %dma_wait3A_131 = tpu.memref_slice %arg6[%dma_wait3A_129, %dma_wait3A_130] : memref<10112x128xf32, #tpu.memory_space<vmem_shared>> -> memref<10112x128xf32, #tpu.memory_space<vmem_shared>>
    tpu.wait_indirect_dma semaphore(%arg12 : memref<!tpu.dma_semaphore, #tpu.memory_space<semaphore_mem>>) src(%arg8 : memref<128x128xf32, #tpu.memory_space<vmem>>) dst(%dma_wait3A_131 : memref<10112x128xf32, #tpu.memory_space<vmem_shared>>)
    %dma_start3A_132 = arith.constant 10 : i32
    %dma_start3A_133 = arith.constant 0 : i32
    %dma_start3A_134 = tpu.memref_slice %arg7[%dma_start3A_132, %dma_start3A_133] : memref<40x128xi32, #tpu.memory_space<vmem>> -> memref<1x128xi32, #tpu.memory_space<vmem>>
    %dma_start3A_135 = tpu.memref_squeeze %dma_start3A_134 : memref<1x128xi32, #tpu.memory_space<vmem>> -> memref<128xi32, #tpu.memory_space<vmem>>
    %dma_start3A_136 = arith.constant 0 : i32
    %dma_start3A_137 = arith.constant 0 : i32
    %dma_start3A_138 = tpu.memref_slice %arg6[%dma_start3A_136, %dma_start3A_137] : memref<10112x128xf32, #tpu.memory_space<vmem_shared>> -> memref<10112x128xf32, #tpu.memory_space<vmem_shared>>
    tpu.enqueue_indirect_dma source(%arg8 : memref<128x128xf32, #tpu.memory_space<vmem>>) target(%dma_start3A_138 : memref<10112x128xf32, #tpu.memory_space<vmem_shared>>) offsets(%dma_start3A_135 : memref<128xi32, #tpu.memory_space<vmem>>) semaphore(%arg12 : memref<!tpu.dma_semaphore, #tpu.memory_space<semaphore_mem>>) {add = true}
    %dma_wait3A_139 = arith.constant 7 : i32
    %dma_wait3A_140 = arith.constant 0 : i32
    %dma_wait3A_141 = tpu.memref_slice %arg7[%dma_wait3A_139, %dma_wait3A_140] : memref<40x128xi32, #tpu.memory_space<vmem>> -> memref<1x128xi32, #tpu.memory_space<vmem>>
    %dma_wait3A_142 = tpu.memref_squeeze %dma_wait3A_141 : memref<1x128xi32, #tpu.memory_space<vmem>> -> memref<128xi32, #tpu.memory_space<vmem>>
    %dma_wait3A_143 = arith.constant 0 : i32
    %dma_wait3A_144 = arith.constant 0 : i32
    %dma_wait3A_145 = tpu.memref_slice %arg6[%dma_wait3A_143, %dma_wait3A_144] : memref<10112x128xf32, #tpu.memory_space<vmem_shared>> -> memref<10112x128xf32, #tpu.memory_space<vmem_shared>>
    tpu.wait_indirect_dma semaphore(%arg13 : memref<!tpu.dma_semaphore, #tpu.memory_space<semaphore_mem>>) src(%arg8 : memref<128x128xf32, #tpu.memory_space<vmem>>) dst(%dma_wait3A_145 : memref<10112x128xf32, #tpu.memory_space<vmem_shared>>)
    %dma_start3A_146 = arith.constant 11 : i32
    %dma_start3A_147 = arith.constant 0 : i32
    %dma_start3A_148 = tpu.memref_slice %arg7[%dma_start3A_146, %dma_start3A_147] : memref<40x128xi32, #tpu.memory_space<vmem>> -> memref<1x128xi32, #tpu.memory_space<vmem>>
    %dma_start3A_149 = tpu.memref_squeeze %dma_start3A_148 : memref<1x128xi32, #tpu.memory_space<vmem>> -> memref<128xi32, #tpu.memory_space<vmem>>
    %dma_start3A_150 = arith.constant 0 : i32
    %dma_start3A_151 = arith.constant 0 : i32
    %dma_start3A_152 = tpu.memref_slice %arg6[%dma_start3A_150, %dma_start3A_151] : memref<10112x128xf32, #tpu.memory_space<vmem_shared>> -> memref<10112x128xf32, #tpu.memory_space<vmem_shared>>
    tpu.enqueue_indirect_dma source(%arg8 : memref<128x128xf32, #tpu.memory_space<vmem>>) target(%dma_start3A_152 : memref<10112x128xf32, #tpu.memory_space<vmem_shared>>) offsets(%dma_start3A_149 : memref<128xi32, #tpu.memory_space<vmem>>) semaphore(%arg13 : memref<!tpu.dma_semaphore, #tpu.memory_space<semaphore_mem>>) {add = true}
    %dma_wait3A_153 = arith.constant 8 : i32
    %dma_wait3A_154 = arith.constant 0 : i32
    %dma_wait3A_155 = tpu.memref_slice %arg7[%dma_wait3A_153, %dma_wait3A_154] : memref<40x128xi32, #tpu.memory_space<vmem>> -> memref<1x128xi32, #tpu.memory_space<vmem>>
    %dma_wait3A_156 = tpu.memref_squeeze %dma_wait3A_155 : memref<1x128xi32, #tpu.memory_space<vmem>> -> memref<128xi32, #tpu.memory_space<vmem>>
    %dma_wait3A_157 = arith.constant 0 : i32
    %dma_wait3A_158 = arith.constant 0 : i32
    %dma_wait3A_159 = tpu.memref_slice %arg6[%dma_wait3A_157, %dma_wait3A_158] : memref<10112x128xf32, #tpu.memory_space<vmem_shared>> -> memref<10112x128xf32, #tpu.memory_space<vmem_shared>>
    tpu.wait_indirect_dma semaphore(%arg10 : memref<!tpu.dma_semaphore, #tpu.memory_space<semaphore_mem>>) src(%arg8 : memref<128x128xf32, #tpu.memory_space<vmem>>) dst(%dma_wait3A_159 : memref<10112x128xf32, #tpu.memory_space<vmem_shared>>)
    %dma_start3A_160 = arith.constant 12 : i32
    %dma_start3A_161 = arith.constant 0 : i32
    %dma_start3A_162 = tpu.memref_slice %arg7[%dma_start3A_160, %dma_start3A_161] : memref<40x128xi32, #tpu.memory_space<vmem>> -> memref<1x128xi32, #tpu.memory_space<vmem>>
    %dma_start3A_163 = tpu.memref_squeeze %dma_start3A_162 : memref<1x128xi32, #tpu.memory_space<vmem>> -> memref<128xi32, #tpu.memory_space<vmem>>
    %dma_start3A_164 = arith.constant 0 : i32
    %dma_start3A_165 = arith.constant 0 : i32
    %dma_start3A_166 = tpu.memref_slice %arg6[%dma_start3A_164, %dma_start3A_165] : memref<10112x128xf32, #tpu.memory_space<vmem_shared>> -> memref<10112x128xf32, #tpu.memory_space<vmem_shared>>
    tpu.enqueue_indirect_dma source(%arg8 : memref<128x128xf32, #tpu.memory_space<vmem>>) target(%dma_start3A_166 : memref<10112x128xf32, #tpu.memory_space<vmem_shared>>) offsets(%dma_start3A_163 : memref<128xi32, #tpu.memory_space<vmem>>) semaphore(%arg10 : memref<!tpu.dma_semaphore, #tpu.memory_space<semaphore_mem>>) {add = true}
    %dma_wait3A_167 = arith.constant 9 : i32
    %dma_wait3A_168 = arith.constant 0 : i32
    %dma_wait3A_169 = tpu.memref_slice %arg7[%dma_wait3A_167, %dma_wait3A_168] : memref<40x128xi32, #tpu.memory_space<vmem>> -> memref<1x128xi32, #tpu.memory_space<vmem>>
    %dma_wait3A_170 = tpu.memref_squeeze %dma_wait3A_169 : memref<1x128xi32, #tpu.memory_space<vmem>> -> memref<128xi32, #tpu.memory_space<vmem>>
    %dma_wait3A_171 = arith.constant 0 : i32
    %dma_wait3A_172 = arith.constant 0 : i32
    %dma_wait3A_173 = tpu.memref_slice %arg6[%dma_wait3A_171, %dma_wait3A_172] : memref<10112x128xf32, #tpu.memory_space<vmem_shared>> -> memref<10112x128xf32, #tpu.memory_space<vmem_shared>>
    tpu.wait_indirect_dma semaphore(%arg11 : memref<!tpu.dma_semaphore, #tpu.memory_space<semaphore_mem>>) src(%arg8 : memref<128x128xf32, #tpu.memory_space<vmem>>) dst(%dma_wait3A_173 : memref<10112x128xf32, #tpu.memory_space<vmem_shared>>)
    %dma_start3A_174 = arith.constant 13 : i32
    %dma_start3A_175 = arith.constant 0 : i32
    %dma_start3A_176 = tpu.memref_slice %arg7[%dma_start3A_174, %dma_start3A_175] : memref<40x128xi32, #tpu.memory_space<vmem>> -> memref<1x128xi32, #tpu.memory_space<vmem>>
    %dma_start3A_177 = tpu.memref_squeeze %dma_start3A_176 : memref<1x128xi32, #tpu.memory_space<vmem>> -> memref<128xi32, #tpu.memory_space<vmem>>
    %dma_start3A_178 = arith.constant 0 : i32
    %dma_start3A_179 = arith.constant 0 : i32
    %dma_start3A_180 = tpu.memref_slice %arg6[%dma_start3A_178, %dma_start3A_179] : memref<10112x128xf32, #tpu.memory_space<vmem_shared>> -> memref<10112x128xf32, #tpu.memory_space<vmem_shared>>
    tpu.enqueue_indirect_dma source(%arg8 : memref<128x128xf32, #tpu.memory_space<vmem>>) target(%dma_start3A_180 : memref<10112x128xf32, #tpu.memory_space<vmem_shared>>) offsets(%dma_start3A_177 : memref<128xi32, #tpu.memory_space<vmem>>) semaphore(%arg11 : memref<!tpu.dma_semaphore, #tpu.memory_space<semaphore_mem>>) {add = true}
    %dma_wait3A_181 = arith.constant 10 : i32
    %dma_wait3A_182 = arith.constant 0 : i32
    %dma_wait3A_183 = tpu.memref_slice %arg7[%dma_wait3A_181, %dma_wait3A_182] : memref<40x128xi32, #tpu.memory_space<vmem>> -> memref<1x128xi32, #tpu.memory_space<vmem>>
    %dma_wait3A_184 = tpu.memref_squeeze %dma_wait3A_183 : memref<1x128xi32, #tpu.memory_space<vmem>> -> memref<128xi32, #tpu.memory_space<vmem>>
    %dma_wait3A_185 = arith.constant 0 : i32
    %dma_wait3A_186 = arith.constant 0 : i32
    %dma_wait3A_187 = tpu.memref_slice %arg6[%dma_wait3A_185, %dma_wait3A_186] : memref<10112x128xf32, #tpu.memory_space<vmem_shared>> -> memref<10112x128xf32, #tpu.memory_space<vmem_shared>>
    tpu.wait_indirect_dma semaphore(%arg12 : memref<!tpu.dma_semaphore, #tpu.memory_space<semaphore_mem>>) src(%arg8 : memref<128x128xf32, #tpu.memory_space<vmem>>) dst(%dma_wait3A_187 : memref<10112x128xf32, #tpu.memory_space<vmem_shared>>)
    %dma_start3A_188 = arith.constant 14 : i32
    %dma_start3A_189 = arith.constant 0 : i32
    %dma_start3A_190 = tpu.memref_slice %arg7[%dma_start3A_188, %dma_start3A_189] : memref<40x128xi32, #tpu.memory_space<vmem>> -> memref<1x128xi32, #tpu.memory_space<vmem>>
    %dma_start3A_191 = tpu.memref_squeeze %dma_start3A_190 : memref<1x128xi32, #tpu.memory_space<vmem>> -> memref<128xi32, #tpu.memory_space<vmem>>
    %dma_start3A_192 = arith.constant 0 : i32
    %dma_start3A_193 = arith.constant 0 : i32
    %dma_start3A_194 = tpu.memref_slice %arg6[%dma_start3A_192, %dma_start3A_193] : memref<10112x128xf32, #tpu.memory_space<vmem_shared>> -> memref<10112x128xf32, #tpu.memory_space<vmem_shared>>
    tpu.enqueue_indirect_dma source(%arg8 : memref<128x128xf32, #tpu.memory_space<vmem>>) target(%dma_start3A_194 : memref<10112x128xf32, #tpu.memory_space<vmem_shared>>) offsets(%dma_start3A_191 : memref<128xi32, #tpu.memory_space<vmem>>) semaphore(%arg12 : memref<!tpu.dma_semaphore, #tpu.memory_space<semaphore_mem>>) {add = true}
    %dma_wait3A_195 = arith.constant 11 : i32
    %dma_wait3A_196 = arith.constant 0 : i32
    %dma_wait3A_197 = tpu.memref_slice %arg7[%dma_wait3A_195, %dma_wait3A_196] : memref<40x128xi32, #tpu.memory_space<vmem>> -> memref<1x128xi32, #tpu.memory_space<vmem>>
    %dma_wait3A_198 = tpu.memref_squeeze %dma_wait3A_197 : memref<1x128xi32, #tpu.memory_space<vmem>> -> memref<128xi32, #tpu.memory_space<vmem>>
    %dma_wait3A_199 = arith.constant 0 : i32
    %dma_wait3A_200 = arith.constant 0 : i32
    %dma_wait3A_201 = tpu.memref_slice %arg6[%dma_wait3A_199, %dma_wait3A_200] : memref<10112x128xf32, #tpu.memory_space<vmem_shared>> -> memref<10112x128xf32, #tpu.memory_space<vmem_shared>>
    tpu.wait_indirect_dma semaphore(%arg13 : memref<!tpu.dma_semaphore, #tpu.memory_space<semaphore_mem>>) src(%arg8 : memref<128x128xf32, #tpu.memory_space<vmem>>) dst(%dma_wait3A_201 : memref<10112x128xf32, #tpu.memory_space<vmem_shared>>)
    %dma_start3A_202 = arith.constant 15 : i32
    %dma_start3A_203 = arith.constant 0 : i32
    %dma_start3A_204 = tpu.memref_slice %arg7[%dma_start3A_202, %dma_start3A_203] : memref<40x128xi32, #tpu.memory_space<vmem>> -> memref<1x128xi32, #tpu.memory_space<vmem>>
    %dma_start3A_205 = tpu.memref_squeeze %dma_start3A_204 : memref<1x128xi32, #tpu.memory_space<vmem>> -> memref<128xi32, #tpu.memory_space<vmem>>
    %dma_start3A_206 = arith.constant 0 : i32
    %dma_start3A_207 = arith.constant 0 : i32
    %dma_start3A_208 = tpu.memref_slice %arg6[%dma_start3A_206, %dma_start3A_207] : memref<10112x128xf32, #tpu.memory_space<vmem_shared>> -> memref<10112x128xf32, #tpu.memory_space<vmem_shared>>
    tpu.enqueue_indirect_dma source(%arg8 : memref<128x128xf32, #tpu.memory_space<vmem>>) target(%dma_start3A_208 : memref<10112x128xf32, #tpu.memory_space<vmem_shared>>) offsets(%dma_start3A_205 : memref<128xi32, #tpu.memory_space<vmem>>) semaphore(%arg13 : memref<!tpu.dma_semaphore, #tpu.memory_space<semaphore_mem>>) {add = true}
    %dma_wait3A_209 = arith.constant 12 : i32
    %dma_wait3A_210 = arith.constant 0 : i32
    %dma_wait3A_211 = tpu.memref_slice %arg7[%dma_wait3A_209, %dma_wait3A_210] : memref<40x128xi32, #tpu.memory_space<vmem>> -> memref<1x128xi32, #tpu.memory_space<vmem>>
    %dma_wait3A_212 = tpu.memref_squeeze %dma_wait3A_211 : memref<1x128xi32, #tpu.memory_space<vmem>> -> memref<128xi32, #tpu.memory_space<vmem>>
    %dma_wait3A_213 = arith.constant 0 : i32
    %dma_wait3A_214 = arith.constant 0 : i32
    %dma_wait3A_215 = tpu.memref_slice %arg6[%dma_wait3A_213, %dma_wait3A_214] : memref<10112x128xf32, #tpu.memory_space<vmem_shared>> -> memref<10112x128xf32, #tpu.memory_space<vmem_shared>>
    tpu.wait_indirect_dma semaphore(%arg10 : memref<!tpu.dma_semaphore, #tpu.memory_space<semaphore_mem>>) src(%arg8 : memref<128x128xf32, #tpu.memory_space<vmem>>) dst(%dma_wait3A_215 : memref<10112x128xf32, #tpu.memory_space<vmem_shared>>)
    %dma_start3A_216 = arith.constant 16 : i32
    %dma_start3A_217 = arith.constant 0 : i32
    %dma_start3A_218 = tpu.memref_slice %arg7[%dma_start3A_216, %dma_start3A_217] : memref<40x128xi32, #tpu.memory_space<vmem>> -> memref<1x128xi32, #tpu.memory_space<vmem>>
    %dma_start3A_219 = tpu.memref_squeeze %dma_start3A_218 : memref<1x128xi32, #tpu.memory_space<vmem>> -> memref<128xi32, #tpu.memory_space<vmem>>
    %dma_start3A_220 = arith.constant 0 : i32
    %dma_start3A_221 = arith.constant 0 : i32
    %dma_start3A_222 = tpu.memref_slice %arg6[%dma_start3A_220, %dma_start3A_221] : memref<10112x128xf32, #tpu.memory_space<vmem_shared>> -> memref<10112x128xf32, #tpu.memory_space<vmem_shared>>
    tpu.enqueue_indirect_dma source(%arg8 : memref<128x128xf32, #tpu.memory_space<vmem>>) target(%dma_start3A_222 : memref<10112x128xf32, #tpu.memory_space<vmem_shared>>) offsets(%dma_start3A_219 : memref<128xi32, #tpu.memory_space<vmem>>) semaphore(%arg10 : memref<!tpu.dma_semaphore, #tpu.memory_space<semaphore_mem>>) {add = true}
    %dma_wait3A_223 = arith.constant 13 : i32
    %dma_wait3A_224 = arith.constant 0 : i32
    %dma_wait3A_225 = tpu.memref_slice %arg7[%dma_wait3A_223, %dma_wait3A_224] : memref<40x128xi32, #tpu.memory_space<vmem>> -> memref<1x128xi32, #tpu.memory_space<vmem>>
    %dma_wait3A_226 = tpu.memref_squeeze %dma_wait3A_225 : memref<1x128xi32, #tpu.memory_space<vmem>> -> memref<128xi32, #tpu.memory_space<vmem>>
    %dma_wait3A_227 = arith.constant 0 : i32
    %dma_wait3A_228 = arith.constant 0 : i32
    %dma_wait3A_229 = tpu.memref_slice %arg6[%dma_wait3A_227, %dma_wait3A_228] : memref<10112x128xf32, #tpu.memory_space<vmem_shared>> -> memref<10112x128xf32, #tpu.memory_space<vmem_shared>>
    tpu.wait_indirect_dma semaphore(%arg11 : memref<!tpu.dma_semaphore, #tpu.memory_space<semaphore_mem>>) src(%arg8 : memref<128x128xf32, #tpu.memory_space<vmem>>) dst(%dma_wait3A_229 : memref<10112x128xf32, #tpu.memory_space<vmem_shared>>)
    %dma_start3A_230 = arith.constant 17 : i32
    %dma_start3A_231 = arith.constant 0 : i32
    %dma_start3A_232 = tpu.memref_slice %arg7[%dma_start3A_230, %dma_start3A_231] : memref<40x128xi32, #tpu.memory_space<vmem>> -> memref<1x128xi32, #tpu.memory_space<vmem>>
    %dma_start3A_233 = tpu.memref_squeeze %dma_start3A_232 : memref<1x128xi32, #tpu.memory_space<vmem>> -> memref<128xi32, #tpu.memory_space<vmem>>
    %dma_start3A_234 = arith.constant 0 : i32
    %dma_start3A_235 = arith.constant 0 : i32
    %dma_start3A_236 = tpu.memref_slice %arg6[%dma_start3A_234, %dma_start3A_235] : memref<10112x128xf32, #tpu.memory_space<vmem_shared>> -> memref<10112x128xf32, #tpu.memory_space<vmem_shared>>
    tpu.enqueue_indirect_dma source(%arg8 : memref<128x128xf32, #tpu.memory_space<vmem>>) target(%dma_start3A_236 : memref<10112x128xf32, #tpu.memory_space<vmem_shared>>) offsets(%dma_start3A_233 : memref<128xi32, #tpu.memory_space<vmem>>) semaphore(%arg11 : memref<!tpu.dma_semaphore, #tpu.memory_space<semaphore_mem>>) {add = true}
    %dma_wait3A_237 = arith.constant 14 : i32
    %dma_wait3A_238 = arith.constant 0 : i32
    %dma_wait3A_239 = tpu.memref_slice %arg7[%dma_wait3A_237, %dma_wait3A_238] : memref<40x128xi32, #tpu.memory_space<vmem>> -> memref<1x128xi32, #tpu.memory_space<vmem>>
    %dma_wait3A_240 = tpu.memref_squeeze %dma_wait3A_239 : memref<1x128xi32, #tpu.memory_space<vmem>> -> memref<128xi32, #tpu.memory_space<vmem>>
    %dma_wait3A_241 = arith.constant 0 : i32
    %dma_wait3A_242 = arith.constant 0 : i32
    %dma_wait3A_243 = tpu.memref_slice %arg6[%dma_wait3A_241, %dma_wait3A_242] : memref<10112x128xf32, #tpu.memory_space<vmem_shared>> -> memref<10112x128xf32, #tpu.memory_space<vmem_shared>>
    tpu.wait_indirect_dma semaphore(%arg12 : memref<!tpu.dma_semaphore, #tpu.memory_space<semaphore_mem>>) src(%arg8 : memref<128x128xf32, #tpu.memory_space<vmem>>) dst(%dma_wait3A_243 : memref<10112x128xf32, #tpu.memory_space<vmem_shared>>)
    %dma_start3A_244 = arith.constant 18 : i32
    %dma_start3A_245 = arith.constant 0 : i32
    %dma_start3A_246 = tpu.memref_slice %arg7[%dma_start3A_244, %dma_start3A_245] : memref<40x128xi32, #tpu.memory_space<vmem>> -> memref<1x128xi32, #tpu.memory_space<vmem>>
    %dma_start3A_247 = tpu.memref_squeeze %dma_start3A_246 : memref<1x128xi32, #tpu.memory_space<vmem>> -> memref<128xi32, #tpu.memory_space<vmem>>
    %dma_start3A_248 = arith.constant 0 : i32
    %dma_start3A_249 = arith.constant 0 : i32
    %dma_start3A_250 = tpu.memref_slice %arg6[%dma_start3A_248, %dma_start3A_249] : memref<10112x128xf32, #tpu.memory_space<vmem_shared>> -> memref<10112x128xf32, #tpu.memory_space<vmem_shared>>
    tpu.enqueue_indirect_dma source(%arg8 : memref<128x128xf32, #tpu.memory_space<vmem>>) target(%dma_start3A_250 : memref<10112x128xf32, #tpu.memory_space<vmem_shared>>) offsets(%dma_start3A_247 : memref<128xi32, #tpu.memory_space<vmem>>) semaphore(%arg12 : memref<!tpu.dma_semaphore, #tpu.memory_space<semaphore_mem>>) {add = true}
    %dma_wait3A_251 = arith.constant 15 : i32
    %dma_wait3A_252 = arith.constant 0 : i32
    %dma_wait3A_253 = tpu.memref_slice %arg7[%dma_wait3A_251, %dma_wait3A_252] : memref<40x128xi32, #tpu.memory_space<vmem>> -> memref<1x128xi32, #tpu.memory_space<vmem>>
    %dma_wait3A_254 = tpu.memref_squeeze %dma_wait3A_253 : memref<1x128xi32, #tpu.memory_space<vmem>> -> memref<128xi32, #tpu.memory_space<vmem>>
    %dma_wait3A_255 = arith.constant 0 : i32
    %dma_wait3A_256 = arith.constant 0 : i32
    %dma_wait3A_257 = tpu.memref_slice %arg6[%dma_wait3A_255, %dma_wait3A_256] : memref<10112x128xf32, #tpu.memory_space<vmem_shared>> -> memref<10112x128xf32, #tpu.memory_space<vmem_shared>>
    tpu.wait_indirect_dma semaphore(%arg13 : memref<!tpu.dma_semaphore, #tpu.memory_space<semaphore_mem>>) src(%arg8 : memref<128x128xf32, #tpu.memory_space<vmem>>) dst(%dma_wait3A_257 : memref<10112x128xf32, #tpu.memory_space<vmem_shared>>)
    %dma_start3A_258 = arith.constant 19 : i32
    %dma_start3A_259 = arith.constant 0 : i32
    %dma_start3A_260 = tpu.memref_slice %arg7[%dma_start3A_258, %dma_start3A_259] : memref<40x128xi32, #tpu.memory_space<vmem>> -> memref<1x128xi32, #tpu.memory_space<vmem>>
    %dma_start3A_261 = tpu.memref_squeeze %dma_start3A_260 : memref<1x128xi32, #tpu.memory_space<vmem>> -> memref<128xi32, #tpu.memory_space<vmem>>
    %dma_start3A_262 = arith.constant 0 : i32
    %dma_start3A_263 = arith.constant 0 : i32
    %dma_start3A_264 = tpu.memref_slice %arg6[%dma_start3A_262, %dma_start3A_263] : memref<10112x128xf32, #tpu.memory_space<vmem_shared>> -> memref<10112x128xf32, #tpu.memory_space<vmem_shared>>
    tpu.enqueue_indirect_dma source(%arg8 : memref<128x128xf32, #tpu.memory_space<vmem>>) target(%dma_start3A_264 : memref<10112x128xf32, #tpu.memory_space<vmem_shared>>) offsets(%dma_start3A_261 : memref<128xi32, #tpu.memory_space<vmem>>) semaphore(%arg13 : memref<!tpu.dma_semaphore, #tpu.memory_space<semaphore_mem>>) {add = true}
    %dma_wait3A_265 = arith.constant 16 : i32
    %dma_wait3A_266 = arith.constant 0 : i32
    %dma_wait3A_267 = tpu.memref_slice %arg7[%dma_wait3A_265, %dma_wait3A_266] : memref<40x128xi32, #tpu.memory_space<vmem>> -> memref<1x128xi32, #tpu.memory_space<vmem>>
    %dma_wait3A_268 = tpu.memref_squeeze %dma_wait3A_267 : memref<1x128xi32, #tpu.memory_space<vmem>> -> memref<128xi32, #tpu.memory_space<vmem>>
    %dma_wait3A_269 = arith.constant 0 : i32
    %dma_wait3A_270 = arith.constant 0 : i32
    %dma_wait3A_271 = tpu.memref_slice %arg6[%dma_wait3A_269, %dma_wait3A_270] : memref<10112x128xf32, #tpu.memory_space<vmem_shared>> -> memref<10112x128xf32, #tpu.memory_space<vmem_shared>>
    tpu.wait_indirect_dma semaphore(%arg10 : memref<!tpu.dma_semaphore, #tpu.memory_space<semaphore_mem>>) src(%arg8 : memref<128x128xf32, #tpu.memory_space<vmem>>) dst(%dma_wait3A_271 : memref<10112x128xf32, #tpu.memory_space<vmem_shared>>)
    %dma_start3A_272 = arith.constant 20 : i32
    %dma_start3A_273 = arith.constant 0 : i32
    %dma_start3A_274 = tpu.memref_slice %arg7[%dma_start3A_272, %dma_start3A_273] : memref<40x128xi32, #tpu.memory_space<vmem>> -> memref<1x128xi32, #tpu.memory_space<vmem>>
    %dma_start3A_275 = tpu.memref_squeeze %dma_start3A_274 : memref<1x128xi32, #tpu.memory_space<vmem>> -> memref<128xi32, #tpu.memory_space<vmem>>
    %dma_start3A_276 = arith.constant 0 : i32
    %dma_start3A_277 = arith.constant 0 : i32
    %dma_start3A_278 = tpu.memref_slice %arg6[%dma_start3A_276, %dma_start3A_277] : memref<10112x128xf32, #tpu.memory_space<vmem_shared>> -> memref<10112x128xf32, #tpu.memory_space<vmem_shared>>
    tpu.enqueue_indirect_dma source(%arg8 : memref<128x128xf32, #tpu.memory_space<vmem>>) target(%dma_start3A_278 : memref<10112x128xf32, #tpu.memory_space<vmem_shared>>) offsets(%dma_start3A_275 : memref<128xi32, #tpu.memory_space<vmem>>) semaphore(%arg10 : memref<!tpu.dma_semaphore, #tpu.memory_space<semaphore_mem>>) {add = true}
    %dma_wait3A_279 = arith.constant 17 : i32
    %dma_wait3A_280 = arith.constant 0 : i32
    %dma_wait3A_281 = tpu.memref_slice %arg7[%dma_wait3A_279, %dma_wait3A_280] : memref<40x128xi32, #tpu.memory_space<vmem>> -> memref<1x128xi32, #tpu.memory_space<vmem>>
    %dma_wait3A_282 = tpu.memref_squeeze %dma_wait3A_281 : memref<1x128xi32, #tpu.memory_space<vmem>> -> memref<128xi32, #tpu.memory_space<vmem>>
    %dma_wait3A_283 = arith.constant 0 : i32
    %dma_wait3A_284 = arith.constant 0 : i32
    %dma_wait3A_285 = tpu.memref_slice %arg6[%dma_wait3A_283, %dma_wait3A_284] : memref<10112x128xf32, #tpu.memory_space<vmem_shared>> -> memref<10112x128xf32, #tpu.memory_space<vmem_shared>>
    tpu.wait_indirect_dma semaphore(%arg11 : memref<!tpu.dma_semaphore, #tpu.memory_space<semaphore_mem>>) src(%arg8 : memref<128x128xf32, #tpu.memory_space<vmem>>) dst(%dma_wait3A_285 : memref<10112x128xf32, #tpu.memory_space<vmem_shared>>)
    %dma_start3A_286 = arith.constant 21 : i32
    %dma_start3A_287 = arith.constant 0 : i32
    %dma_start3A_288 = tpu.memref_slice %arg7[%dma_start3A_286, %dma_start3A_287] : memref<40x128xi32, #tpu.memory_space<vmem>> -> memref<1x128xi32, #tpu.memory_space<vmem>>
    %dma_start3A_289 = tpu.memref_squeeze %dma_start3A_288 : memref<1x128xi32, #tpu.memory_space<vmem>> -> memref<128xi32, #tpu.memory_space<vmem>>
    %dma_start3A_290 = arith.constant 0 : i32
    %dma_start3A_291 = arith.constant 0 : i32
    %dma_start3A_292 = tpu.memref_slice %arg6[%dma_start3A_290, %dma_start3A_291] : memref<10112x128xf32, #tpu.memory_space<vmem_shared>> -> memref<10112x128xf32, #tpu.memory_space<vmem_shared>>
    tpu.enqueue_indirect_dma source(%arg8 : memref<128x128xf32, #tpu.memory_space<vmem>>) target(%dma_start3A_292 : memref<10112x128xf32, #tpu.memory_space<vmem_shared>>) offsets(%dma_start3A_289 : memref<128xi32, #tpu.memory_space<vmem>>) semaphore(%arg11 : memref<!tpu.dma_semaphore, #tpu.memory_space<semaphore_mem>>) {add = true}
    %dma_wait3A_293 = arith.constant 18 : i32
    %dma_wait3A_294 = arith.constant 0 : i32
    %dma_wait3A_295 = tpu.memref_slice %arg7[%dma_wait3A_293, %dma_wait3A_294] : memref<40x128xi32, #tpu.memory_space<vmem>> -> memref<1x128xi32, #tpu.memory_space<vmem>>
    %dma_wait3A_296 = tpu.memref_squeeze %dma_wait3A_295 : memref<1x128xi32, #tpu.memory_space<vmem>> -> memref<128xi32, #tpu.memory_space<vmem>>
    %dma_wait3A_297 = arith.constant 0 : i32
    %dma_wait3A_298 = arith.constant 0 : i32
    %dma_wait3A_299 = tpu.memref_slice %arg6[%dma_wait3A_297, %dma_wait3A_298] : memref<10112x128xf32, #tpu.memory_space<vmem_shared>> -> memref<10112x128xf32, #tpu.memory_space<vmem_shared>>
    tpu.wait_indirect_dma semaphore(%arg12 : memref<!tpu.dma_semaphore, #tpu.memory_space<semaphore_mem>>) src(%arg8 : memref<128x128xf32, #tpu.memory_space<vmem>>) dst(%dma_wait3A_299 : memref<10112x128xf32, #tpu.memory_space<vmem_shared>>)
    %dma_start3A_300 = arith.constant 22 : i32
    %dma_start3A_301 = arith.constant 0 : i32
    %dma_start3A_302 = tpu.memref_slice %arg7[%dma_start3A_300, %dma_start3A_301] : memref<40x128xi32, #tpu.memory_space<vmem>> -> memref<1x128xi32, #tpu.memory_space<vmem>>
    %dma_start3A_303 = tpu.memref_squeeze %dma_start3A_302 : memref<1x128xi32, #tpu.memory_space<vmem>> -> memref<128xi32, #tpu.memory_space<vmem>>
    %dma_start3A_304 = arith.constant 0 : i32
    %dma_start3A_305 = arith.constant 0 : i32
    %dma_start3A_306 = tpu.memref_slice %arg6[%dma_start3A_304, %dma_start3A_305] : memref<10112x128xf32, #tpu.memory_space<vmem_shared>> -> memref<10112x128xf32, #tpu.memory_space<vmem_shared>>
    tpu.enqueue_indirect_dma source(%arg8 : memref<128x128xf32, #tpu.memory_space<vmem>>) target(%dma_start3A_306 : memref<10112x128xf32, #tpu.memory_space<vmem_shared>>) offsets(%dma_start3A_303 : memref<128xi32, #tpu.memory_space<vmem>>) semaphore(%arg12 : memref<!tpu.dma_semaphore, #tpu.memory_space<semaphore_mem>>) {add = true}
    %dma_wait3A_307 = arith.constant 19 : i32
    %dma_wait3A_308 = arith.constant 0 : i32
    %dma_wait3A_309 = tpu.memref_slice %arg7[%dma_wait3A_307, %dma_wait3A_308] : memref<40x128xi32, #tpu.memory_space<vmem>> -> memref<1x128xi32, #tpu.memory_space<vmem>>
    %dma_wait3A_310 = tpu.memref_squeeze %dma_wait3A_309 : memref<1x128xi32, #tpu.memory_space<vmem>> -> memref<128xi32, #tpu.memory_space<vmem>>
    %dma_wait3A_311 = arith.constant 0 : i32
    %dma_wait3A_312 = arith.constant 0 : i32
    %dma_wait3A_313 = tpu.memref_slice %arg6[%dma_wait3A_311, %dma_wait3A_312] : memref<10112x128xf32, #tpu.memory_space<vmem_shared>> -> memref<10112x128xf32, #tpu.memory_space<vmem_shared>>
    tpu.wait_indirect_dma semaphore(%arg13 : memref<!tpu.dma_semaphore, #tpu.memory_space<semaphore_mem>>) src(%arg8 : memref<128x128xf32, #tpu.memory_space<vmem>>) dst(%dma_wait3A_313 : memref<10112x128xf32, #tpu.memory_space<vmem_shared>>)
    %dma_start3A_314 = arith.constant 23 : i32
    %dma_start3A_315 = arith.constant 0 : i32
    %dma_start3A_316 = tpu.memref_slice %arg7[%dma_start3A_314, %dma_start3A_315] : memref<40x128xi32, #tpu.memory_space<vmem>> -> memref<1x128xi32, #tpu.memory_space<vmem>>
    %dma_start3A_317 = tpu.memref_squeeze %dma_start3A_316 : memref<1x128xi32, #tpu.memory_space<vmem>> -> memref<128xi32, #tpu.memory_space<vmem>>
    %dma_start3A_318 = arith.constant 0 : i32
    %dma_start3A_319 = arith.constant 0 : i32
    %dma_start3A_320 = tpu.memref_slice %arg6[%dma_start3A_318, %dma_start3A_319] : memref<10112x128xf32, #tpu.memory_space<vmem_shared>> -> memref<10112x128xf32, #tpu.memory_space<vmem_shared>>
    tpu.enqueue_indirect_dma source(%arg8 : memref<128x128xf32, #tpu.memory_space<vmem>>) target(%dma_start3A_320 : memref<10112x128xf32, #tpu.memory_space<vmem_shared>>) offsets(%dma_start3A_317 : memref<128xi32, #tpu.memory_space<vmem>>) semaphore(%arg13 : memref<!tpu.dma_semaphore, #tpu.memory_space<semaphore_mem>>) {add = true}
    %dma_wait3A_321 = arith.constant 20 : i32
    %dma_wait3A_322 = arith.constant 0 : i32
    %dma_wait3A_323 = tpu.memref_slice %arg7[%dma_wait3A_321, %dma_wait3A_322] : memref<40x128xi32, #tpu.memory_space<vmem>> -> memref<1x128xi32, #tpu.memory_space<vmem>>
    %dma_wait3A_324 = tpu.memref_squeeze %dma_wait3A_323 : memref<1x128xi32, #tpu.memory_space<vmem>> -> memref<128xi32, #tpu.memory_space<vmem>>
    %dma_wait3A_325 = arith.constant 0 : i32
    %dma_wait3A_326 = arith.constant 0 : i32
    %dma_wait3A_327 = tpu.memref_slice %arg6[%dma_wait3A_325, %dma_wait3A_326] : memref<10112x128xf32, #tpu.memory_space<vmem_shared>> -> memref<10112x128xf32, #tpu.memory_space<vmem_shared>>
    tpu.wait_indirect_dma semaphore(%arg10 : memref<!tpu.dma_semaphore, #tpu.memory_space<semaphore_mem>>) src(%arg8 : memref<128x128xf32, #tpu.memory_space<vmem>>) dst(%dma_wait3A_327 : memref<10112x128xf32, #tpu.memory_space<vmem_shared>>)
    %dma_start3A_328 = arith.constant 24 : i32
    %dma_start3A_329 = arith.constant 0 : i32
    %dma_start3A_330 = tpu.memref_slice %arg7[%dma_start3A_328, %dma_start3A_329] : memref<40x128xi32, #tpu.memory_space<vmem>> -> memref<1x128xi32, #tpu.memory_space<vmem>>
    %dma_start3A_331 = tpu.memref_squeeze %dma_start3A_330 : memref<1x128xi32, #tpu.memory_space<vmem>> -> memref<128xi32, #tpu.memory_space<vmem>>
    %dma_start3A_332 = arith.constant 0 : i32
    %dma_start3A_333 = arith.constant 0 : i32
    %dma_start3A_334 = tpu.memref_slice %arg6[%dma_start3A_332, %dma_start3A_333] : memref<10112x128xf32, #tpu.memory_space<vmem_shared>> -> memref<10112x128xf32, #tpu.memory_space<vmem_shared>>
    tpu.enqueue_indirect_dma source(%arg8 : memref<128x128xf32, #tpu.memory_space<vmem>>) target(%dma_start3A_334 : memref<10112x128xf32, #tpu.memory_space<vmem_shared>>) offsets(%dma_start3A_331 : memref<128xi32, #tpu.memory_space<vmem>>) semaphore(%arg10 : memref<!tpu.dma_semaphore, #tpu.memory_space<semaphore_mem>>) {add = true}
    %dma_wait3A_335 = arith.constant 21 : i32
    %dma_wait3A_336 = arith.constant 0 : i32
    %dma_wait3A_337 = tpu.memref_slice %arg7[%dma_wait3A_335, %dma_wait3A_336] : memref<40x128xi32, #tpu.memory_space<vmem>> -> memref<1x128xi32, #tpu.memory_space<vmem>>
    %dma_wait3A_338 = tpu.memref_squeeze %dma_wait3A_337 : memref<1x128xi32, #tpu.memory_space<vmem>> -> memref<128xi32, #tpu.memory_space<vmem>>
    %dma_wait3A_339 = arith.constant 0 : i32
    %dma_wait3A_340 = arith.constant 0 : i32
    %dma_wait3A_341 = tpu.memref_slice %arg6[%dma_wait3A_339, %dma_wait3A_340] : memref<10112x128xf32, #tpu.memory_space<vmem_shared>> -> memref<10112x128xf32, #tpu.memory_space<vmem_shared>>
    tpu.wait_indirect_dma semaphore(%arg11 : memref<!tpu.dma_semaphore, #tpu.memory_space<semaphore_mem>>) src(%arg8 : memref<128x128xf32, #tpu.memory_space<vmem>>) dst(%dma_wait3A_341 : memref<10112x128xf32, #tpu.memory_space<vmem_shared>>)
    %dma_start3A_342 = arith.constant 25 : i32
    %dma_start3A_343 = arith.constant 0 : i32
    %dma_start3A_344 = tpu.memref_slice %arg7[%dma_start3A_342, %dma_start3A_343] : memref<40x128xi32, #tpu.memory_space<vmem>> -> memref<1x128xi32, #tpu.memory_space<vmem>>
    %dma_start3A_345 = tpu.memref_squeeze %dma_start3A_344 : memref<1x128xi32, #tpu.memory_space<vmem>> -> memref<128xi32, #tpu.memory_space<vmem>>
    %dma_start3A_346 = arith.constant 0 : i32
    %dma_start3A_347 = arith.constant 0 : i32
    %dma_start3A_348 = tpu.memref_slice %arg6[%dma_start3A_346, %dma_start3A_347] : memref<10112x128xf32, #tpu.memory_space<vmem_shared>> -> memref<10112x128xf32, #tpu.memory_space<vmem_shared>>
    tpu.enqueue_indirect_dma source(%arg8 : memref<128x128xf32, #tpu.memory_space<vmem>>) target(%dma_start3A_348 : memref<10112x128xf32, #tpu.memory_space<vmem_shared>>) offsets(%dma_start3A_345 : memref<128xi32, #tpu.memory_space<vmem>>) semaphore(%arg11 : memref<!tpu.dma_semaphore, #tpu.memory_space<semaphore_mem>>) {add = true}
    %dma_wait3A_349 = arith.constant 22 : i32
    %dma_wait3A_350 = arith.constant 0 : i32
    %dma_wait3A_351 = tpu.memref_slice %arg7[%dma_wait3A_349, %dma_wait3A_350] : memref<40x128xi32, #tpu.memory_space<vmem>> -> memref<1x128xi32, #tpu.memory_space<vmem>>
    %dma_wait3A_352 = tpu.memref_squeeze %dma_wait3A_351 : memref<1x128xi32, #tpu.memory_space<vmem>> -> memref<128xi32, #tpu.memory_space<vmem>>
    %dma_wait3A_353 = arith.constant 0 : i32
    %dma_wait3A_354 = arith.constant 0 : i32
    %dma_wait3A_355 = tpu.memref_slice %arg6[%dma_wait3A_353, %dma_wait3A_354] : memref<10112x128xf32, #tpu.memory_space<vmem_shared>> -> memref<10112x128xf32, #tpu.memory_space<vmem_shared>>
    tpu.wait_indirect_dma semaphore(%arg12 : memref<!tpu.dma_semaphore, #tpu.memory_space<semaphore_mem>>) src(%arg8 : memref<128x128xf32, #tpu.memory_space<vmem>>) dst(%dma_wait3A_355 : memref<10112x128xf32, #tpu.memory_space<vmem_shared>>)
    %dma_start3A_356 = arith.constant 26 : i32
    %dma_start3A_357 = arith.constant 0 : i32
    %dma_start3A_358 = tpu.memref_slice %arg7[%dma_start3A_356, %dma_start3A_357] : memref<40x128xi32, #tpu.memory_space<vmem>> -> memref<1x128xi32, #tpu.memory_space<vmem>>
    %dma_start3A_359 = tpu.memref_squeeze %dma_start3A_358 : memref<1x128xi32, #tpu.memory_space<vmem>> -> memref<128xi32, #tpu.memory_space<vmem>>
    %dma_start3A_360 = arith.constant 0 : i32
    %dma_start3A_361 = arith.constant 0 : i32
    %dma_start3A_362 = tpu.memref_slice %arg6[%dma_start3A_360, %dma_start3A_361] : memref<10112x128xf32, #tpu.memory_space<vmem_shared>> -> memref<10112x128xf32, #tpu.memory_space<vmem_shared>>
    tpu.enqueue_indirect_dma source(%arg8 : memref<128x128xf32, #tpu.memory_space<vmem>>) target(%dma_start3A_362 : memref<10112x128xf32, #tpu.memory_space<vmem_shared>>) offsets(%dma_start3A_359 : memref<128xi32, #tpu.memory_space<vmem>>) semaphore(%arg12 : memref<!tpu.dma_semaphore, #tpu.memory_space<semaphore_mem>>) {add = true}
    %dma_wait3A_363 = arith.constant 23 : i32
    %dma_wait3A_364 = arith.constant 0 : i32
    %dma_wait3A_365 = tpu.memref_slice %arg7[%dma_wait3A_363, %dma_wait3A_364] : memref<40x128xi32, #tpu.memory_space<vmem>> -> memref<1x128xi32, #tpu.memory_space<vmem>>
    %dma_wait3A_366 = tpu.memref_squeeze %dma_wait3A_365 : memref<1x128xi32, #tpu.memory_space<vmem>> -> memref<128xi32, #tpu.memory_space<vmem>>
    %dma_wait3A_367 = arith.constant 0 : i32
    %dma_wait3A_368 = arith.constant 0 : i32
    %dma_wait3A_369 = tpu.memref_slice %arg6[%dma_wait3A_367, %dma_wait3A_368] : memref<10112x128xf32, #tpu.memory_space<vmem_shared>> -> memref<10112x128xf32, #tpu.memory_space<vmem_shared>>
    tpu.wait_indirect_dma semaphore(%arg13 : memref<!tpu.dma_semaphore, #tpu.memory_space<semaphore_mem>>) src(%arg8 : memref<128x128xf32, #tpu.memory_space<vmem>>) dst(%dma_wait3A_369 : memref<10112x128xf32, #tpu.memory_space<vmem_shared>>)
    %dma_start3A_370 = arith.constant 27 : i32
    %dma_start3A_371 = arith.constant 0 : i32
    %dma_start3A_372 = tpu.memref_slice %arg7[%dma_start3A_370, %dma_start3A_371] : memref<40x128xi32, #tpu.memory_space<vmem>> -> memref<1x128xi32, #tpu.memory_space<vmem>>
    %dma_start3A_373 = tpu.memref_squeeze %dma_start3A_372 : memref<1x128xi32, #tpu.memory_space<vmem>> -> memref<128xi32, #tpu.memory_space<vmem>>
    %dma_start3A_374 = arith.constant 0 : i32
    %dma_start3A_375 = arith.constant 0 : i32
    %dma_start3A_376 = tpu.memref_slice %arg6[%dma_start3A_374, %dma_start3A_375] : memref<10112x128xf32, #tpu.memory_space<vmem_shared>> -> memref<10112x128xf32, #tpu.memory_space<vmem_shared>>
    tpu.enqueue_indirect_dma source(%arg8 : memref<128x128xf32, #tpu.memory_space<vmem>>) target(%dma_start3A_376 : memref<10112x128xf32, #tpu.memory_space<vmem_shared>>) offsets(%dma_start3A_373 : memref<128xi32, #tpu.memory_space<vmem>>) semaphore(%arg13 : memref<!tpu.dma_semaphore, #tpu.memory_space<semaphore_mem>>) {add = true}
    %dma_wait3A_377 = arith.constant 24 : i32
    %dma_wait3A_378 = arith.constant 0 : i32
    %dma_wait3A_379 = tpu.memref_slice %arg7[%dma_wait3A_377, %dma_wait3A_378] : memref<40x128xi32, #tpu.memory_space<vmem>> -> memref<1x128xi32, #tpu.memory_space<vmem>>
    %dma_wait3A_380 = tpu.memref_squeeze %dma_wait3A_379 : memref<1x128xi32, #tpu.memory_space<vmem>> -> memref<128xi32, #tpu.memory_space<vmem>>
    %dma_wait3A_381 = arith.constant 0 : i32
    %dma_wait3A_382 = arith.constant 0 : i32
    %dma_wait3A_383 = tpu.memref_slice %arg6[%dma_wait3A_381, %dma_wait3A_382] : memref<10112x128xf32, #tpu.memory_space<vmem_shared>> -> memref<10112x128xf32, #tpu.memory_space<vmem_shared>>
    tpu.wait_indirect_dma semaphore(%arg10 : memref<!tpu.dma_semaphore, #tpu.memory_space<semaphore_mem>>) src(%arg8 : memref<128x128xf32, #tpu.memory_space<vmem>>) dst(%dma_wait3A_383 : memref<10112x128xf32, #tpu.memory_space<vmem_shared>>)
    %dma_start3A_384 = arith.constant 28 : i32
    %dma_start3A_385 = arith.constant 0 : i32
    %dma_start3A_386 = tpu.memref_slice %arg7[%dma_start3A_384, %dma_start3A_385] : memref<40x128xi32, #tpu.memory_space<vmem>> -> memref<1x128xi32, #tpu.memory_space<vmem>>
    %dma_start3A_387 = tpu.memref_squeeze %dma_start3A_386 : memref<1x128xi32, #tpu.memory_space<vmem>> -> memref<128xi32, #tpu.memory_space<vmem>>
    %dma_start3A_388 = arith.constant 0 : i32
    %dma_start3A_389 = arith.constant 0 : i32
    %dma_start3A_390 = tpu.memref_slice %arg6[%dma_start3A_388, %dma_start3A_389] : memref<10112x128xf32, #tpu.memory_space<vmem_shared>> -> memref<10112x128xf32, #tpu.memory_space<vmem_shared>>
    tpu.enqueue_indirect_dma source(%arg8 : memref<128x128xf32, #tpu.memory_space<vmem>>) target(%dma_start3A_390 : memref<10112x128xf32, #tpu.memory_space<vmem_shared>>) offsets(%dma_start3A_387 : memref<128xi32, #tpu.memory_space<vmem>>) semaphore(%arg10 : memref<!tpu.dma_semaphore, #tpu.memory_space<semaphore_mem>>) {add = true}
    %dma_wait3A_391 = arith.constant 25 : i32
    %dma_wait3A_392 = arith.constant 0 : i32
    %dma_wait3A_393 = tpu.memref_slice %arg7[%dma_wait3A_391, %dma_wait3A_392] : memref<40x128xi32, #tpu.memory_space<vmem>> -> memref<1x128xi32, #tpu.memory_space<vmem>>
    %dma_wait3A_394 = tpu.memref_squeeze %dma_wait3A_393 : memref<1x128xi32, #tpu.memory_space<vmem>> -> memref<128xi32, #tpu.memory_space<vmem>>
    %dma_wait3A_395 = arith.constant 0 : i32
    %dma_wait3A_396 = arith.constant 0 : i32
    %dma_wait3A_397 = tpu.memref_slice %arg6[%dma_wait3A_395, %dma_wait3A_396] : memref<10112x128xf32, #tpu.memory_space<vmem_shared>> -> memref<10112x128xf32, #tpu.memory_space<vmem_shared>>
    tpu.wait_indirect_dma semaphore(%arg11 : memref<!tpu.dma_semaphore, #tpu.memory_space<semaphore_mem>>) src(%arg8 : memref<128x128xf32, #tpu.memory_space<vmem>>) dst(%dma_wait3A_397 : memref<10112x128xf32, #tpu.memory_space<vmem_shared>>)
    %dma_start3A_398 = arith.constant 29 : i32
    %dma_start3A_399 = arith.constant 0 : i32
    %dma_start3A_400 = tpu.memref_slice %arg7[%dma_start3A_398, %dma_start3A_399] : memref<40x128xi32, #tpu.memory_space<vmem>> -> memref<1x128xi32, #tpu.memory_space<vmem>>
    %dma_start3A_401 = tpu.memref_squeeze %dma_start3A_400 : memref<1x128xi32, #tpu.memory_space<vmem>> -> memref<128xi32, #tpu.memory_space<vmem>>
    %dma_start3A_402 = arith.constant 0 : i32
    %dma_start3A_403 = arith.constant 0 : i32
    %dma_start3A_404 = tpu.memref_slice %arg6[%dma_start3A_402, %dma_start3A_403] : memref<10112x128xf32, #tpu.memory_space<vmem_shared>> -> memref<10112x128xf32, #tpu.memory_space<vmem_shared>>
    tpu.enqueue_indirect_dma source(%arg8 : memref<128x128xf32, #tpu.memory_space<vmem>>) target(%dma_start3A_404 : memref<10112x128xf32, #tpu.memory_space<vmem_shared>>) offsets(%dma_start3A_401 : memref<128xi32, #tpu.memory_space<vmem>>) semaphore(%arg11 : memref<!tpu.dma_semaphore, #tpu.memory_space<semaphore_mem>>) {add = true}
    %dma_wait3A_405 = arith.constant 26 : i32
    %dma_wait3A_406 = arith.constant 0 : i32
    %dma_wait3A_407 = tpu.memref_slice %arg7[%dma_wait3A_405, %dma_wait3A_406] : memref<40x128xi32, #tpu.memory_space<vmem>> -> memref<1x128xi32, #tpu.memory_space<vmem>>
    %dma_wait3A_408 = tpu.memref_squeeze %dma_wait3A_407 : memref<1x128xi32, #tpu.memory_space<vmem>> -> memref<128xi32, #tpu.memory_space<vmem>>
    %dma_wait3A_409 = arith.constant 0 : i32
    %dma_wait3A_410 = arith.constant 0 : i32
    %dma_wait3A_411 = tpu.memref_slice %arg6[%dma_wait3A_409, %dma_wait3A_410] : memref<10112x128xf32, #tpu.memory_space<vmem_shared>> -> memref<10112x128xf32, #tpu.memory_space<vmem_shared>>
    tpu.wait_indirect_dma semaphore(%arg12 : memref<!tpu.dma_semaphore, #tpu.memory_space<semaphore_mem>>) src(%arg8 : memref<128x128xf32, #tpu.memory_space<vmem>>) dst(%dma_wait3A_411 : memref<10112x128xf32, #tpu.memory_space<vmem_shared>>)
    %dma_start3A_412 = arith.constant 30 : i32
    %dma_start3A_413 = arith.constant 0 : i32
    %dma_start3A_414 = tpu.memref_slice %arg7[%dma_start3A_412, %dma_start3A_413] : memref<40x128xi32, #tpu.memory_space<vmem>> -> memref<1x128xi32, #tpu.memory_space<vmem>>
    %dma_start3A_415 = tpu.memref_squeeze %dma_start3A_414 : memref<1x128xi32, #tpu.memory_space<vmem>> -> memref<128xi32, #tpu.memory_space<vmem>>
    %dma_start3A_416 = arith.constant 0 : i32
    %dma_start3A_417 = arith.constant 0 : i32
    %dma_start3A_418 = tpu.memref_slice %arg6[%dma_start3A_416, %dma_start3A_417] : memref<10112x128xf32, #tpu.memory_space<vmem_shared>> -> memref<10112x128xf32, #tpu.memory_space<vmem_shared>>
    tpu.enqueue_indirect_dma source(%arg8 : memref<128x128xf32, #tpu.memory_space<vmem>>) target(%dma_start3A_418 : memref<10112x128xf32, #tpu.memory_space<vmem_shared>>) offsets(%dma_start3A_415 : memref<128xi32, #tpu.memory_space<vmem>>) semaphore(%arg12 : memref<!tpu.dma_semaphore, #tpu.memory_space<semaphore_mem>>) {add = true}
    %dma_wait3A_419 = arith.constant 27 : i32
    %dma_wait3A_420 = arith.constant 0 : i32
    %dma_wait3A_421 = tpu.memref_slice %arg7[%dma_wait3A_419, %dma_wait3A_420] : memref<40x128xi32, #tpu.memory_space<vmem>> -> memref<1x128xi32, #tpu.memory_space<vmem>>
    %dma_wait3A_422 = tpu.memref_squeeze %dma_wait3A_421 : memref<1x128xi32, #tpu.memory_space<vmem>> -> memref<128xi32, #tpu.memory_space<vmem>>
    %dma_wait3A_423 = arith.constant 0 : i32
    %dma_wait3A_424 = arith.constant 0 : i32
    %dma_wait3A_425 = tpu.memref_slice %arg6[%dma_wait3A_423, %dma_wait3A_424] : memref<10112x128xf32, #tpu.memory_space<vmem_shared>> -> memref<10112x128xf32, #tpu.memory_space<vmem_shared>>
    tpu.wait_indirect_dma semaphore(%arg13 : memref<!tpu.dma_semaphore, #tpu.memory_space<semaphore_mem>>) src(%arg8 : memref<128x128xf32, #tpu.memory_space<vmem>>) dst(%dma_wait3A_425 : memref<10112x128xf32, #tpu.memory_space<vmem_shared>>)
    %dma_start3A_426 = arith.constant 31 : i32
    %dma_start3A_427 = arith.constant 0 : i32
    %dma_start3A_428 = tpu.memref_slice %arg7[%dma_start3A_426, %dma_start3A_427] : memref<40x128xi32, #tpu.memory_space<vmem>> -> memref<1x128xi32, #tpu.memory_space<vmem>>
    %dma_start3A_429 = tpu.memref_squeeze %dma_start3A_428 : memref<1x128xi32, #tpu.memory_space<vmem>> -> memref<128xi32, #tpu.memory_space<vmem>>
    %dma_start3A_430 = arith.constant 0 : i32
    %dma_start3A_431 = arith.constant 0 : i32
    %dma_start3A_432 = tpu.memref_slice %arg6[%dma_start3A_430, %dma_start3A_431] : memref<10112x128xf32, #tpu.memory_space<vmem_shared>> -> memref<10112x128xf32, #tpu.memory_space<vmem_shared>>
    tpu.enqueue_indirect_dma source(%arg8 : memref<128x128xf32, #tpu.memory_space<vmem>>) target(%dma_start3A_432 : memref<10112x128xf32, #tpu.memory_space<vmem_shared>>) offsets(%dma_start3A_429 : memref<128xi32, #tpu.memory_space<vmem>>) semaphore(%arg13 : memref<!tpu.dma_semaphore, #tpu.memory_space<semaphore_mem>>) {add = true}
    %dma_wait3A_433 = arith.constant 28 : i32
    %dma_wait3A_434 = arith.constant 0 : i32
    %dma_wait3A_435 = tpu.memref_slice %arg7[%dma_wait3A_433, %dma_wait3A_434] : memref<40x128xi32, #tpu.memory_space<vmem>> -> memref<1x128xi32, #tpu.memory_space<vmem>>
    %dma_wait3A_436 = tpu.memref_squeeze %dma_wait3A_435 : memref<1x128xi32, #tpu.memory_space<vmem>> -> memref<128xi32, #tpu.memory_space<vmem>>
    %dma_wait3A_437 = arith.constant 0 : i32
    %dma_wait3A_438 = arith.constant 0 : i32
    %dma_wait3A_439 = tpu.memref_slice %arg6[%dma_wait3A_437, %dma_wait3A_438] : memref<10112x128xf32, #tpu.memory_space<vmem_shared>> -> memref<10112x128xf32, #tpu.memory_space<vmem_shared>>
    tpu.wait_indirect_dma semaphore(%arg10 : memref<!tpu.dma_semaphore, #tpu.memory_space<semaphore_mem>>) src(%arg8 : memref<128x128xf32, #tpu.memory_space<vmem>>) dst(%dma_wait3A_439 : memref<10112x128xf32, #tpu.memory_space<vmem_shared>>)
    %dma_start3A_440 = arith.constant 32 : i32
    %dma_start3A_441 = arith.constant 0 : i32
    %dma_start3A_442 = tpu.memref_slice %arg7[%dma_start3A_440, %dma_start3A_441] : memref<40x128xi32, #tpu.memory_space<vmem>> -> memref<1x128xi32, #tpu.memory_space<vmem>>
    %dma_start3A_443 = tpu.memref_squeeze %dma_start3A_442 : memref<1x128xi32, #tpu.memory_space<vmem>> -> memref<128xi32, #tpu.memory_space<vmem>>
    %dma_start3A_444 = arith.constant 0 : i32
    %dma_start3A_445 = arith.constant 0 : i32
    %dma_start3A_446 = tpu.memref_slice %arg6[%dma_start3A_444, %dma_start3A_445] : memref<10112x128xf32, #tpu.memory_space<vmem_shared>> -> memref<10112x128xf32, #tpu.memory_space<vmem_shared>>
    tpu.enqueue_indirect_dma source(%arg8 : memref<128x128xf32, #tpu.memory_space<vmem>>) target(%dma_start3A_446 : memref<10112x128xf32, #tpu.memory_space<vmem_shared>>) offsets(%dma_start3A_443 : memref<128xi32, #tpu.memory_space<vmem>>) semaphore(%arg10 : memref<!tpu.dma_semaphore, #tpu.memory_space<semaphore_mem>>) {add = true}
    %dma_wait3A_447 = arith.constant 29 : i32
    %dma_wait3A_448 = arith.constant 0 : i32
    %dma_wait3A_449 = tpu.memref_slice %arg7[%dma_wait3A_447, %dma_wait3A_448] : memref<40x128xi32, #tpu.memory_space<vmem>> -> memref<1x128xi32, #tpu.memory_space<vmem>>
    %dma_wait3A_450 = tpu.memref_squeeze %dma_wait3A_449 : memref<1x128xi32, #tpu.memory_space<vmem>> -> memref<128xi32, #tpu.memory_space<vmem>>
    %dma_wait3A_451 = arith.constant 0 : i32
    %dma_wait3A_452 = arith.constant 0 : i32
    %dma_wait3A_453 = tpu.memref_slice %arg6[%dma_wait3A_451, %dma_wait3A_452] : memref<10112x128xf32, #tpu.memory_space<vmem_shared>> -> memref<10112x128xf32, #tpu.memory_space<vmem_shared>>
    tpu.wait_indirect_dma semaphore(%arg11 : memref<!tpu.dma_semaphore, #tpu.memory_space<semaphore_mem>>) src(%arg8 : memref<128x128xf32, #tpu.memory_space<vmem>>) dst(%dma_wait3A_453 : memref<10112x128xf32, #tpu.memory_space<vmem_shared>>)
    %dma_start3A_454 = arith.constant 33 : i32
    %dma_start3A_455 = arith.constant 0 : i32
    %dma_start3A_456 = tpu.memref_slice %arg7[%dma_start3A_454, %dma_start3A_455] : memref<40x128xi32, #tpu.memory_space<vmem>> -> memref<1x128xi32, #tpu.memory_space<vmem>>
    %dma_start3A_457 = tpu.memref_squeeze %dma_start3A_456 : memref<1x128xi32, #tpu.memory_space<vmem>> -> memref<128xi32, #tpu.memory_space<vmem>>
    %dma_start3A_458 = arith.constant 0 : i32
    %dma_start3A_459 = arith.constant 0 : i32
    %dma_start3A_460 = tpu.memref_slice %arg6[%dma_start3A_458, %dma_start3A_459] : memref<10112x128xf32, #tpu.memory_space<vmem_shared>> -> memref<10112x128xf32, #tpu.memory_space<vmem_shared>>
    tpu.enqueue_indirect_dma source(%arg8 : memref<128x128xf32, #tpu.memory_space<vmem>>) target(%dma_start3A_460 : memref<10112x128xf32, #tpu.memory_space<vmem_shared>>) offsets(%dma_start3A_457 : memref<128xi32, #tpu.memory_space<vmem>>) semaphore(%arg11 : memref<!tpu.dma_semaphore, #tpu.memory_space<semaphore_mem>>) {add = true}
    %dma_wait3A_461 = arith.constant 30 : i32
    %dma_wait3A_462 = arith.constant 0 : i32
    %dma_wait3A_463 = tpu.memref_slice %arg7[%dma_wait3A_461, %dma_wait3A_462] : memref<40x128xi32, #tpu.memory_space<vmem>> -> memref<1x128xi32, #tpu.memory_space<vmem>>
    %dma_wait3A_464 = tpu.memref_squeeze %dma_wait3A_463 : memref<1x128xi32, #tpu.memory_space<vmem>> -> memref<128xi32, #tpu.memory_space<vmem>>
    %dma_wait3A_465 = arith.constant 0 : i32
    %dma_wait3A_466 = arith.constant 0 : i32
    %dma_wait3A_467 = tpu.memref_slice %arg6[%dma_wait3A_465, %dma_wait3A_466] : memref<10112x128xf32, #tpu.memory_space<vmem_shared>> -> memref<10112x128xf32, #tpu.memory_space<vmem_shared>>
    tpu.wait_indirect_dma semaphore(%arg12 : memref<!tpu.dma_semaphore, #tpu.memory_space<semaphore_mem>>) src(%arg8 : memref<128x128xf32, #tpu.memory_space<vmem>>) dst(%dma_wait3A_467 : memref<10112x128xf32, #tpu.memory_space<vmem_shared>>)
    %dma_start3A_468 = arith.constant 34 : i32
    %dma_start3A_469 = arith.constant 0 : i32
    %dma_start3A_470 = tpu.memref_slice %arg7[%dma_start3A_468, %dma_start3A_469] : memref<40x128xi32, #tpu.memory_space<vmem>> -> memref<1x128xi32, #tpu.memory_space<vmem>>
    %dma_start3A_471 = tpu.memref_squeeze %dma_start3A_470 : memref<1x128xi32, #tpu.memory_space<vmem>> -> memref<128xi32, #tpu.memory_space<vmem>>
    %dma_start3A_472 = arith.constant 0 : i32
    %dma_start3A_473 = arith.constant 0 : i32
    %dma_start3A_474 = tpu.memref_slice %arg6[%dma_start3A_472, %dma_start3A_473] : memref<10112x128xf32, #tpu.memory_space<vmem_shared>> -> memref<10112x128xf32, #tpu.memory_space<vmem_shared>>
    tpu.enqueue_indirect_dma source(%arg8 : memref<128x128xf32, #tpu.memory_space<vmem>>) target(%dma_start3A_474 : memref<10112x128xf32, #tpu.memory_space<vmem_shared>>) offsets(%dma_start3A_471 : memref<128xi32, #tpu.memory_space<vmem>>) semaphore(%arg12 : memref<!tpu.dma_semaphore, #tpu.memory_space<semaphore_mem>>) {add = true}
    %dma_wait3A_475 = arith.constant 31 : i32
    %dma_wait3A_476 = arith.constant 0 : i32
    %dma_wait3A_477 = tpu.memref_slice %arg7[%dma_wait3A_475, %dma_wait3A_476] : memref<40x128xi32, #tpu.memory_space<vmem>> -> memref<1x128xi32, #tpu.memory_space<vmem>>
    %dma_wait3A_478 = tpu.memref_squeeze %dma_wait3A_477 : memref<1x128xi32, #tpu.memory_space<vmem>> -> memref<128xi32, #tpu.memory_space<vmem>>
    %dma_wait3A_479 = arith.constant 0 : i32
    %dma_wait3A_480 = arith.constant 0 : i32
    %dma_wait3A_481 = tpu.memref_slice %arg6[%dma_wait3A_479, %dma_wait3A_480] : memref<10112x128xf32, #tpu.memory_space<vmem_shared>> -> memref<10112x128xf32, #tpu.memory_space<vmem_shared>>
    tpu.wait_indirect_dma semaphore(%arg13 : memref<!tpu.dma_semaphore, #tpu.memory_space<semaphore_mem>>) src(%arg8 : memref<128x128xf32, #tpu.memory_space<vmem>>) dst(%dma_wait3A_481 : memref<10112x128xf32, #tpu.memory_space<vmem_shared>>)
    %dma_start3A_482 = arith.constant 35 : i32
    %dma_start3A_483 = arith.constant 0 : i32
    %dma_start3A_484 = tpu.memref_slice %arg7[%dma_start3A_482, %dma_start3A_483] : memref<40x128xi32, #tpu.memory_space<vmem>> -> memref<1x128xi32, #tpu.memory_space<vmem>>
    %dma_start3A_485 = tpu.memref_squeeze %dma_start3A_484 : memref<1x128xi32, #tpu.memory_space<vmem>> -> memref<128xi32, #tpu.memory_space<vmem>>
    %dma_start3A_486 = arith.constant 0 : i32
    %dma_start3A_487 = arith.constant 0 : i32
    %dma_start3A_488 = tpu.memref_slice %arg6[%dma_start3A_486, %dma_start3A_487] : memref<10112x128xf32, #tpu.memory_space<vmem_shared>> -> memref<10112x128xf32, #tpu.memory_space<vmem_shared>>
    tpu.enqueue_indirect_dma source(%arg8 : memref<128x128xf32, #tpu.memory_space<vmem>>) target(%dma_start3A_488 : memref<10112x128xf32, #tpu.memory_space<vmem_shared>>) offsets(%dma_start3A_485 : memref<128xi32, #tpu.memory_space<vmem>>) semaphore(%arg13 : memref<!tpu.dma_semaphore, #tpu.memory_space<semaphore_mem>>) {add = true}
    %dma_wait3A_489 = arith.constant 32 : i32
    %dma_wait3A_490 = arith.constant 0 : i32
    %dma_wait3A_491 = tpu.memref_slice %arg7[%dma_wait3A_489, %dma_wait3A_490] : memref<40x128xi32, #tpu.memory_space<vmem>> -> memref<1x128xi32, #tpu.memory_space<vmem>>
    %dma_wait3A_492 = tpu.memref_squeeze %dma_wait3A_491 : memref<1x128xi32, #tpu.memory_space<vmem>> -> memref<128xi32, #tpu.memory_space<vmem>>
    %dma_wait3A_493 = arith.constant 0 : i32
    %dma_wait3A_494 = arith.constant 0 : i32
    %dma_wait3A_495 = tpu.memref_slice %arg6[%dma_wait3A_493, %dma_wait3A_494] : memref<10112x128xf32, #tpu.memory_space<vmem_shared>> -> memref<10112x128xf32, #tpu.memory_space<vmem_shared>>
    tpu.wait_indirect_dma semaphore(%arg10 : memref<!tpu.dma_semaphore, #tpu.memory_space<semaphore_mem>>) src(%arg8 : memref<128x128xf32, #tpu.memory_space<vmem>>) dst(%dma_wait3A_495 : memref<10112x128xf32, #tpu.memory_space<vmem_shared>>)
    %dma_start3A_496 = arith.constant 36 : i32
    %dma_start3A_497 = arith.constant 0 : i32
    %dma_start3A_498 = tpu.memref_slice %arg7[%dma_start3A_496, %dma_start3A_497] : memref<40x128xi32, #tpu.memory_space<vmem>> -> memref<1x128xi32, #tpu.memory_space<vmem>>
    %dma_start3A_499 = tpu.memref_squeeze %dma_start3A_498 : memref<1x128xi32, #tpu.memory_space<vmem>> -> memref<128xi32, #tpu.memory_space<vmem>>
    %dma_start3A_500 = arith.constant 0 : i32
    %dma_start3A_501 = arith.constant 0 : i32
    %dma_start3A_502 = tpu.memref_slice %arg6[%dma_start3A_500, %dma_start3A_501] : memref<10112x128xf32, #tpu.memory_space<vmem_shared>> -> memref<10112x128xf32, #tpu.memory_space<vmem_shared>>
    tpu.enqueue_indirect_dma source(%arg8 : memref<128x128xf32, #tpu.memory_space<vmem>>) target(%dma_start3A_502 : memref<10112x128xf32, #tpu.memory_space<vmem_shared>>) offsets(%dma_start3A_499 : memref<128xi32, #tpu.memory_space<vmem>>) semaphore(%arg10 : memref<!tpu.dma_semaphore, #tpu.memory_space<semaphore_mem>>) {add = true}
    %dma_wait3A_503 = arith.constant 33 : i32
    %dma_wait3A_504 = arith.constant 0 : i32
    %dma_wait3A_505 = tpu.memref_slice %arg7[%dma_wait3A_503, %dma_wait3A_504] : memref<40x128xi32, #tpu.memory_space<vmem>> -> memref<1x128xi32, #tpu.memory_space<vmem>>
    %dma_wait3A_506 = tpu.memref_squeeze %dma_wait3A_505 : memref<1x128xi32, #tpu.memory_space<vmem>> -> memref<128xi32, #tpu.memory_space<vmem>>
    %dma_wait3A_507 = arith.constant 0 : i32
    %dma_wait3A_508 = arith.constant 0 : i32
    %dma_wait3A_509 = tpu.memref_slice %arg6[%dma_wait3A_507, %dma_wait3A_508] : memref<10112x128xf32, #tpu.memory_space<vmem_shared>> -> memref<10112x128xf32, #tpu.memory_space<vmem_shared>>
    tpu.wait_indirect_dma semaphore(%arg11 : memref<!tpu.dma_semaphore, #tpu.memory_space<semaphore_mem>>) src(%arg8 : memref<128x128xf32, #tpu.memory_space<vmem>>) dst(%dma_wait3A_509 : memref<10112x128xf32, #tpu.memory_space<vmem_shared>>)
    %dma_start3A_510 = arith.constant 37 : i32
    %dma_start3A_511 = arith.constant 0 : i32
    %dma_start3A_512 = tpu.memref_slice %arg7[%dma_start3A_510, %dma_start3A_511] : memref<40x128xi32, #tpu.memory_space<vmem>> -> memref<1x128xi32, #tpu.memory_space<vmem>>
    %dma_start3A_513 = tpu.memref_squeeze %dma_start3A_512 : memref<1x128xi32, #tpu.memory_space<vmem>> -> memref<128xi32, #tpu.memory_space<vmem>>
    %dma_start3A_514 = arith.constant 0 : i32
    %dma_start3A_515 = arith.constant 0 : i32
    %dma_start3A_516 = tpu.memref_slice %arg6[%dma_start3A_514, %dma_start3A_515] : memref<10112x128xf32, #tpu.memory_space<vmem_shared>> -> memref<10112x128xf32, #tpu.memory_space<vmem_shared>>
    tpu.enqueue_indirect_dma source(%arg8 : memref<128x128xf32, #tpu.memory_space<vmem>>) target(%dma_start3A_516 : memref<10112x128xf32, #tpu.memory_space<vmem_shared>>) offsets(%dma_start3A_513 : memref<128xi32, #tpu.memory_space<vmem>>) semaphore(%arg11 : memref<!tpu.dma_semaphore, #tpu.memory_space<semaphore_mem>>) {add = true}
    %dma_wait3A_517 = arith.constant 34 : i32
    %dma_wait3A_518 = arith.constant 0 : i32
    %dma_wait3A_519 = tpu.memref_slice %arg7[%dma_wait3A_517, %dma_wait3A_518] : memref<40x128xi32, #tpu.memory_space<vmem>> -> memref<1x128xi32, #tpu.memory_space<vmem>>
    %dma_wait3A_520 = tpu.memref_squeeze %dma_wait3A_519 : memref<1x128xi32, #tpu.memory_space<vmem>> -> memref<128xi32, #tpu.memory_space<vmem>>
    %dma_wait3A_521 = arith.constant 0 : i32
    %dma_wait3A_522 = arith.constant 0 : i32
    %dma_wait3A_523 = tpu.memref_slice %arg6[%dma_wait3A_521, %dma_wait3A_522] : memref<10112x128xf32, #tpu.memory_space<vmem_shared>> -> memref<10112x128xf32, #tpu.memory_space<vmem_shared>>
    tpu.wait_indirect_dma semaphore(%arg12 : memref<!tpu.dma_semaphore, #tpu.memory_space<semaphore_mem>>) src(%arg8 : memref<128x128xf32, #tpu.memory_space<vmem>>) dst(%dma_wait3A_523 : memref<10112x128xf32, #tpu.memory_space<vmem_shared>>)
    %dma_start3A_524 = arith.constant 38 : i32
    %dma_start3A_525 = arith.constant 0 : i32
    %dma_start3A_526 = tpu.memref_slice %arg7[%dma_start3A_524, %dma_start3A_525] : memref<40x128xi32, #tpu.memory_space<vmem>> -> memref<1x128xi32, #tpu.memory_space<vmem>>
    %dma_start3A_527 = tpu.memref_squeeze %dma_start3A_526 : memref<1x128xi32, #tpu.memory_space<vmem>> -> memref<128xi32, #tpu.memory_space<vmem>>
    %dma_start3A_528 = arith.constant 0 : i32
    %dma_start3A_529 = arith.constant 0 : i32
    %dma_start3A_530 = tpu.memref_slice %arg6[%dma_start3A_528, %dma_start3A_529] : memref<10112x128xf32, #tpu.memory_space<vmem_shared>> -> memref<10112x128xf32, #tpu.memory_space<vmem_shared>>
    tpu.enqueue_indirect_dma source(%arg8 : memref<128x128xf32, #tpu.memory_space<vmem>>) target(%dma_start3A_530 : memref<10112x128xf32, #tpu.memory_space<vmem_shared>>) offsets(%dma_start3A_527 : memref<128xi32, #tpu.memory_space<vmem>>) semaphore(%arg12 : memref<!tpu.dma_semaphore, #tpu.memory_space<semaphore_mem>>) {add = true}
    %dma_wait3A_531 = arith.constant 35 : i32
    %dma_wait3A_532 = arith.constant 0 : i32
    %dma_wait3A_533 = tpu.memref_slice %arg7[%dma_wait3A_531, %dma_wait3A_532] : memref<40x128xi32, #tpu.memory_space<vmem>> -> memref<1x128xi32, #tpu.memory_space<vmem>>
    %dma_wait3A_534 = tpu.memref_squeeze %dma_wait3A_533 : memref<1x128xi32, #tpu.memory_space<vmem>> -> memref<128xi32, #tpu.memory_space<vmem>>
    %dma_wait3A_535 = arith.constant 0 : i32
    %dma_wait3A_536 = arith.constant 0 : i32
    %dma_wait3A_537 = tpu.memref_slice %arg6[%dma_wait3A_535, %dma_wait3A_536] : memref<10112x128xf32, #tpu.memory_space<vmem_shared>> -> memref<10112x128xf32, #tpu.memory_space<vmem_shared>>
    tpu.wait_indirect_dma semaphore(%arg13 : memref<!tpu.dma_semaphore, #tpu.memory_space<semaphore_mem>>) src(%arg8 : memref<128x128xf32, #tpu.memory_space<vmem>>) dst(%dma_wait3A_537 : memref<10112x128xf32, #tpu.memory_space<vmem_shared>>)
    %dma_start3A_538 = arith.constant 39 : i32
    %dma_start3A_539 = arith.constant 0 : i32
    %dma_start3A_540 = tpu.memref_slice %arg7[%dma_start3A_538, %dma_start3A_539] : memref<40x128xi32, #tpu.memory_space<vmem>> -> memref<1x128xi32, #tpu.memory_space<vmem>>
    %dma_start3A_541 = tpu.memref_squeeze %dma_start3A_540 : memref<1x128xi32, #tpu.memory_space<vmem>> -> memref<128xi32, #tpu.memory_space<vmem>>
    %dma_start3A_542 = arith.constant 0 : i32
    %dma_start3A_543 = arith.constant 0 : i32
    %dma_start3A_544 = tpu.memref_slice %arg6[%dma_start3A_542, %dma_start3A_543] : memref<10112x128xf32, #tpu.memory_space<vmem_shared>> -> memref<10112x128xf32, #tpu.memory_space<vmem_shared>>
    tpu.enqueue_indirect_dma source(%arg8 : memref<128x128xf32, #tpu.memory_space<vmem>>) target(%dma_start3A_544 : memref<10112x128xf32, #tpu.memory_space<vmem_shared>>) offsets(%dma_start3A_541 : memref<128xi32, #tpu.memory_space<vmem>>) semaphore(%arg13 : memref<!tpu.dma_semaphore, #tpu.memory_space<semaphore_mem>>) {add = true}
    %dma_wait3A_545 = arith.constant 36 : i32
    %dma_wait3A_546 = arith.constant 0 : i32
    %dma_wait3A_547 = tpu.memref_slice %arg7[%dma_wait3A_545, %dma_wait3A_546] : memref<40x128xi32, #tpu.memory_space<vmem>> -> memref<1x128xi32, #tpu.memory_space<vmem>>
    %dma_wait3A_548 = tpu.memref_squeeze %dma_wait3A_547 : memref<1x128xi32, #tpu.memory_space<vmem>> -> memref<128xi32, #tpu.memory_space<vmem>>
    %dma_wait3A_549 = arith.constant 0 : i32
    %dma_wait3A_550 = arith.constant 0 : i32
    %dma_wait3A_551 = tpu.memref_slice %arg6[%dma_wait3A_549, %dma_wait3A_550] : memref<10112x128xf32, #tpu.memory_space<vmem_shared>> -> memref<10112x128xf32, #tpu.memory_space<vmem_shared>>
    tpu.wait_indirect_dma semaphore(%arg10 : memref<!tpu.dma_semaphore, #tpu.memory_space<semaphore_mem>>) src(%arg8 : memref<128x128xf32, #tpu.memory_space<vmem>>) dst(%dma_wait3A_551 : memref<10112x128xf32, #tpu.memory_space<vmem_shared>>)
    %dma_wait3A_552 = arith.constant 37 : i32
    %dma_wait3A_553 = arith.constant 0 : i32
    %dma_wait3A_554 = tpu.memref_slice %arg7[%dma_wait3A_552, %dma_wait3A_553] : memref<40x128xi32, #tpu.memory_space<vmem>> -> memref<1x128xi32, #tpu.memory_space<vmem>>
    %dma_wait3A_555 = tpu.memref_squeeze %dma_wait3A_554 : memref<1x128xi32, #tpu.memory_space<vmem>> -> memref<128xi32, #tpu.memory_space<vmem>>
    %dma_wait3A_556 = arith.constant 0 : i32
    %dma_wait3A_557 = arith.constant 0 : i32
    %dma_wait3A_558 = tpu.memref_slice %arg6[%dma_wait3A_556, %dma_wait3A_557] : memref<10112x128xf32, #tpu.memory_space<vmem_shared>> -> memref<10112x128xf32, #tpu.memory_space<vmem_shared>>
    tpu.wait_indirect_dma semaphore(%arg11 : memref<!tpu.dma_semaphore, #tpu.memory_space<semaphore_mem>>) src(%arg8 : memref<128x128xf32, #tpu.memory_space<vmem>>) dst(%dma_wait3A_558 : memref<10112x128xf32, #tpu.memory_space<vmem_shared>>)
    %dma_wait3A_559 = arith.constant 38 : i32
    %dma_wait3A_560 = arith.constant 0 : i32
    %dma_wait3A_561 = tpu.memref_slice %arg7[%dma_wait3A_559, %dma_wait3A_560] : memref<40x128xi32, #tpu.memory_space<vmem>> -> memref<1x128xi32, #tpu.memory_space<vmem>>
    %dma_wait3A_562 = tpu.memref_squeeze %dma_wait3A_561 : memref<1x128xi32, #tpu.memory_space<vmem>> -> memref<128xi32, #tpu.memory_space<vmem>>
    %dma_wait3A_563 = arith.constant 0 : i32
    %dma_wait3A_564 = arith.constant 0 : i32
    %dma_wait3A_565 = tpu.memref_slice %arg6[%dma_wait3A_563, %dma_wait3A_564] : memref<10112x128xf32, #tpu.memory_space<vmem_shared>> -> memref<10112x128xf32, #tpu.memory_space<vmem_shared>>
    tpu.wait_indirect_dma semaphore(%arg12 : memref<!tpu.dma_semaphore, #tpu.memory_space<semaphore_mem>>) src(%arg8 : memref<128x128xf32, #tpu.memory_space<vmem>>) dst(%dma_wait3A_565 : memref<10112x128xf32, #tpu.memory_space<vmem_shared>>)
    %dma_wait3A_566 = arith.constant 39 : i32
    %dma_wait3A_567 = arith.constant 0 : i32
    %dma_wait3A_568 = tpu.memref_slice %arg7[%dma_wait3A_566, %dma_wait3A_567] : memref<40x128xi32, #tpu.memory_space<vmem>> -> memref<1x128xi32, #tpu.memory_space<vmem>>
    %dma_wait3A_569 = tpu.memref_squeeze %dma_wait3A_568 : memref<1x128xi32, #tpu.memory_space<vmem>> -> memref<128xi32, #tpu.memory_space<vmem>>
    %dma_wait3A_570 = arith.constant 0 : i32
    %dma_wait3A_571 = arith.constant 0 : i32
    %dma_wait3A_572 = tpu.memref_slice %arg6[%dma_wait3A_570, %dma_wait3A_571] : memref<10112x128xf32, #tpu.memory_space<vmem_shared>> -> memref<10112x128xf32, #tpu.memory_space<vmem_shared>>
    tpu.wait_indirect_dma semaphore(%arg13 : memref<!tpu.dma_semaphore, #tpu.memory_space<semaphore_mem>>) src(%arg8 : memref<128x128xf32, #tpu.memory_space<vmem>>) dst(%dma_wait3A_572 : memref<10112x128xf32, #tpu.memory_space<vmem_shared>>)
    %barrier3A_573 = arith.constant 0 : index
    tpu.barrier barrier_id(%barrier3A_573)
    %mul3A_574 = arith.constant 632 : i32
    %mul3A_575 = arith.muli %arg1, %mul3A_574 : i32
    "tpu.region"() ({
      %run_scoped3A = tpu.sem_alloc : memref<!tpu.dma_semaphore, #tpu.memory_space<semaphore_mem>>
      %dma_start3A_576 = arith.constant 0 : i32
      %dma_start3A_577 = tpu.memref_slice %arg5[%arg0, %mul3A_575, %dma_start3A_576] : memref<2x10112x128xf32, #tpu.memory_space<hbm>> -> memref<1x632x128xf32, #tpu.memory_space<hbm>>
      %dma_start3A_578 = tpu.memref_squeeze %dma_start3A_577 : memref<1x632x128xf32, #tpu.memory_space<hbm>> -> memref<632x128xf32, #tpu.memory_space<hbm>>
      %dma_start3A_579 = arith.constant 0 : i32
      %dma_start3A_580 = tpu.memref_slice %arg6[%mul3A_575, %dma_start3A_579] : memref<10112x128xf32, #tpu.memory_space<vmem_shared>> -> memref<632x128xf32, #tpu.memory_space<vmem_shared>>
      tpu.enqueue_dma source(%dma_start3A_580 : memref<632x128xf32, #tpu.memory_space<vmem_shared>>) target(%dma_start3A_578 : memref<632x128xf32, #tpu.memory_space<hbm>>) target_semaphore(%run_scoped3A : memref<!tpu.dma_semaphore, #tpu.memory_space<semaphore_mem>>)
      %dma_wait3A_581 = arith.constant 0 : i32
      %dma_wait3A_582 = tpu.memref_slice %arg5[%arg0, %mul3A_575, %dma_wait3A_581] : memref<2x10112x128xf32, #tpu.memory_space<hbm>> -> memref<1x632x128xf32, #tpu.memory_space<hbm>>
      %dma_wait3A_583 = tpu.memref_squeeze %dma_wait3A_582 : memref<1x632x128xf32, #tpu.memory_space<hbm>> -> memref<632x128xf32, #tpu.memory_space<hbm>>
      %dma_wait3A_584 = arith.constant 0 : i32
      %dma_wait3A_585 = tpu.memref_slice %arg6[%mul3A_575, %dma_wait3A_584] : memref<10112x128xf32, #tpu.memory_space<vmem_shared>> -> memref<632x128xf32, #tpu.memory_space<vmem_shared>>
      tpu.wait_dma2 semaphore(%run_scoped3A : memref<!tpu.dma_semaphore, #tpu.memory_space<semaphore_mem>>) src(%dma_wait3A_585 : memref<632x128xf32, #tpu.memory_space<vmem_shared>>) dst(%dma_wait3A_583 : memref<632x128xf32, #tpu.memory_space<hbm>>)
      tpu.yield
    }) : () -> ()
    return
  }
}

module attributes {stable_mosaic.version = 14 : i64} {
  func.func @_mm1_body(%arg0: i32, %arg1: memref<1000x386xf32, #tpu.memory_space<vmem>>, %arg2: memref<386x128xf32, #tpu.memory_space<vmem>>, %arg3: memref<2x1000x128xf32, #tpu.memory_space<vmem>>, %arg4: memref<1000x128xf32, #tpu.memory_space<vmem>>, %arg5: memref<1000x128xf32, #tpu.memory_space<vmem>>) attributes {dimension_semantics = [#tpu.dimension_semantics<arbitrary>], iteration_bounds = array<i64: 10>, scalar_prefetch = 0 : i64, scratch_operands = 0 : i64, tpu.core_type = #tpu.core_type<tc>, window_params = [{transform_indices = @transform_0, window_bounds = array<i64: 1000, 386>}, {pipeline_mode = #tpu.pipeline_mode<synchronous>, transform_indices = @transform_1, window_bounds = array<i64: 386, 128>}, {transform_indices = @transform_2, window_bounds = array<i64: 2, 1000, 128>}, {transform_indices = @transform_3, window_bounds = array<i64: 1000, 128>}, {transform_indices = @transform_4, window_bounds = array<i64: 1000, 128>}]} {
    %get3A = arith.constant 0 : index
    %get3A_0 = arith.constant 0 : index
    %get3A_1 = vector.load %arg1[%get3A, %get3A_0] : memref<1000x386xf32, #tpu.memory_space<vmem>>, vector<1000x386xf32>
    %get3A_2 = arith.constant 0 : index
    %get3A_3 = arith.constant 0 : index
    %get3A_4 = vector.load %arg2[%get3A_2, %get3A_3] : memref<386x128xf32, #tpu.memory_space<vmem>>, vector<386x128xf32>
    %dot_general3A = arith.constant dense<0.000000e+00> : vector<1000x128xf32>
    %dot_general3A_5 = tpu.matmul %get3A_1, %get3A_4, %dot_general3A {dimension_numbers = #tpu.dot_dimension_numbers<[1], [0], [0], [1], [0, 0, 1, 1], [], []>, transpose_lhs_hint = false} : vector<1000x386xf32>, vector<386x128xf32>, vector<1000x128xf32> -> vector<1000x128xf32>
    %get3A_6 = arith.constant 0 : index
    %get3A_7 = arith.constant 0 : index
    %get3A_8 = arith.constant 0 : index
    %get3A_9 = vector.load %arg3[%get3A_6, %get3A_7, %get3A_8] : memref<2x1000x128xf32, #tpu.memory_space<vmem>>, vector<1x1000x1xf32>
    %get3A_10 = vector.shape_cast %get3A_9 : vector<1x1000x1xf32> to vector<1000x1xf32>
    %add3A = arith.constant 1.000000e+00 : f32
    %add3A_11 = vector.broadcast %add3A : f32 to vector<1000x1xf32>
    %add3A_12 = arith.addf %add3A_11, %get3A_10 : vector<1000x1xf32>
    %get3A_13 = arith.constant 1 : index
    %get3A_14 = arith.constant 0 : index
    %get3A_15 = arith.constant 0 : index
    %get3A_16 = vector.load %arg3[%get3A_13, %get3A_14, %get3A_15] : memref<2x1000x128xf32, #tpu.memory_space<vmem>>, vector<1x1000x1xf32>
    %get3A_17 = vector.shape_cast %get3A_16 : vector<1x1000x1xf32> to vector<1000x1xf32>
    %add3A_18 = arith.addf %add3A_12, %get3A_17 : vector<1000x1xf32>
    %rsqrt3A = math.rsqrt %add3A_18 : vector<1000x1xf32>
    %swap3A = arith.constant 0 : index
    %swap3A_19 = arith.constant 0 : index
    %swap3A_20 = vector.load %arg4[%swap3A, %swap3A_19] : memref<1000x128xf32, #tpu.memory_space<vmem>>, vector<1000x128xf32>
    tpu.vector_store %arg4[%swap3A, %swap3A_19], %dot_general3A_5 {strides = array<i32>} : memref<1000x128xf32, #tpu.memory_space<vmem>>, vector<1000x128xf32>,
    %mul3A = vector.broadcast %rsqrt3A : vector<1000x1xf32> to vector<1000x128xf32>
    %mul3A_21 = arith.mulf %dot_general3A_5, %mul3A : vector<1000x128xf32>
    %swap3A_22 = arith.constant 0 : index
    %swap3A_23 = arith.constant 0 : index
    %swap3A_24 = vector.load %arg5[%swap3A_22, %swap3A_23] : memref<1000x128xf32, #tpu.memory_space<vmem>>, vector<1000x128xf32>
    tpu.vector_store %arg5[%swap3A_22, %swap3A_23], %mul3A_21 {strides = array<i32>} : memref<1000x128xf32, #tpu.memory_space<vmem>>, vector<1000x128xf32>,
    return
  }
  func.func @transform_0(%arg0: i32) -> (i32, i32) {
    %c0_i32 = arith.constant 0 : i32
    %c0_i32_0 = arith.constant 0 : i32
    return %arg0, %c0_i32 : i32, i32
  }
  func.func @transform_1(%arg0: i32) -> (i32, i32) {
    %c0_i32 = arith.constant 0 : i32
    %c0_i32_0 = arith.constant 0 : i32
    %c0_i32_1 = arith.constant 0 : i32
    return %c0_i32, %c0_i32_0 : i32, i32
  }
  func.func @transform_2(%arg0: i32) -> (i32, i32, i32) {
    %c0_i32 = arith.constant 0 : i32
    %c0_i32_0 = arith.constant 0 : i32
    %c0_i32_1 = arith.constant 0 : i32
    return %c0_i32, %arg0, %c0_i32_0 : i32, i32, i32
  }
  func.func @transform_3(%arg0: i32) -> (i32, i32) {
    %c0_i32 = arith.constant 0 : i32
    %c0_i32_0 = arith.constant 0 : i32
    return %arg0, %c0_i32 : i32, i32
  }
  func.func @transform_4(%arg0: i32) -> (i32, i32) {
    %c0_i32 = arith.constant 0 : i32
    %c0_i32_0 = arith.constant 0 : i32
    return %arg0, %c0_i32 : i32, i32
  }
}

module attributes {stable_mosaic.version = 14 : i64} {
  func.func @_mm2_body(%arg0: i32, %arg1: memref<2x1000x128xf32, #tpu.memory_space<vmem>>, %arg2: memref<1000x128xf32, #tpu.memory_space<vmem>>, %arg3: memref<2x1000x128xf32, #tpu.memory_space<vmem>>, %arg4: memref<128x128xf32, #tpu.memory_space<vmem>>, %arg5: memref<1x128xf32, #tpu.memory_space<vmem>>, %arg6: memref<1000x128xf32, #tpu.memory_space<vmem>>, %arg7: memref<1000x128xf32, #tpu.memory_space<vmem>>) attributes {dimension_semantics = [#tpu.dimension_semantics<arbitrary>], iteration_bounds = array<i64: 10>, scalar_prefetch = 0 : i64, scratch_operands = 0 : i64, tpu.core_type = #tpu.core_type<tc>, window_params = [{transform_indices = @transform_0, window_bounds = array<i64: 2, 1000, 128>}, {transform_indices = @transform_1, window_bounds = array<i64: 1000, 128>}, {transform_indices = @transform_2, window_bounds = array<i64: 2, 1000, 128>}, {pipeline_mode = #tpu.pipeline_mode<synchronous>, transform_indices = @transform_3, window_bounds = array<i64: 128, 128>}, {pipeline_mode = #tpu.pipeline_mode<synchronous>, transform_indices = @transform_4, window_bounds = array<i64: 1, 128>}, {transform_indices = @transform_5, window_bounds = array<i64: 1000, 128>}, {transform_indices = @transform_6, window_bounds = array<i64: 1000, 128>}]} {
    %get3A = arith.constant 0 : index
    %get3A_0 = arith.constant 0 : index
    %get3A_1 = arith.constant 0 : index
    %get3A_2 = vector.load %arg3[%get3A, %get3A_0, %get3A_1] : memref<2x1000x128xf32, #tpu.memory_space<vmem>>, vector<1x1000x1xf32>
    %get3A_3 = vector.shape_cast %get3A_2 : vector<1x1000x1xf32> to vector<1000x1xf32>
    %add3A = arith.constant 1.000000e+00 : f32
    %add3A_4 = vector.broadcast %add3A : f32 to vector<1000x1xf32>
    %add3A_5 = arith.addf %add3A_4, %get3A_3 : vector<1000x1xf32>
    %get3A_6 = arith.constant 1 : index
    %get3A_7 = arith.constant 0 : index
    %get3A_8 = arith.constant 0 : index
    %get3A_9 = vector.load %arg3[%get3A_6, %get3A_7, %get3A_8] : memref<2x1000x128xf32, #tpu.memory_space<vmem>>, vector<1x1000x1xf32>
    %get3A_10 = vector.shape_cast %get3A_9 : vector<1x1000x1xf32> to vector<1000x1xf32>
    %add3A_11 = arith.addf %add3A_5, %get3A_10 : vector<1000x1xf32>
    %rsqrt3A = math.rsqrt %add3A_11 : vector<1000x1xf32>
    %get3A_12 = arith.constant 0 : index
    %get3A_13 = arith.constant 0 : index
    %get3A_14 = arith.constant 0 : index
    %get3A_15 = vector.load %arg1[%get3A_12, %get3A_13, %get3A_14] : memref<2x1000x128xf32, #tpu.memory_space<vmem>>, vector<1x1000x128xf32>
    %get3A_16 = vector.shape_cast %get3A_15 : vector<1x1000x128xf32> to vector<1000x128xf32>
    %get3A_17 = arith.constant 1 : index
    %get3A_18 = arith.constant 0 : index
    %get3A_19 = arith.constant 0 : index
    %get3A_20 = vector.load %arg1[%get3A_17, %get3A_18, %get3A_19] : memref<2x1000x128xf32, #tpu.memory_space<vmem>>, vector<1x1000x128xf32>
    %get3A_21 = vector.shape_cast %get3A_20 : vector<1x1000x128xf32> to vector<1000x128xf32>
    %add3A_22 = arith.addf %get3A_16, %get3A_21 : vector<1000x128xf32>
    %mul3A = vector.broadcast %rsqrt3A : vector<1000x1xf32> to vector<1000x128xf32>
    %mul3A_23 = arith.mulf %mul3A, %add3A_22 : vector<1000x128xf32>
    %get3A_24 = arith.constant 0 : index
    %get3A_25 = arith.constant 0 : index
    %get3A_26 = vector.load %arg2[%get3A_24, %get3A_25] : memref<1000x128xf32, #tpu.memory_space<vmem>>, vector<1000x128xf32>
    %div3A = vector.broadcast %add3A_11 : vector<1000x1xf32> to vector<1000x128xf32>
    %div3A_27 = arith.divf %get3A_26, %div3A : vector<1000x128xf32>
    %add3A_28 = arith.addf %mul3A_23, %div3A_27 : vector<1000x128xf32>
    %get3A_29 = arith.constant 0 : index
    %get3A_30 = arith.constant 0 : index
    %get3A_31 = vector.load %arg5[%get3A_29, %get3A_30] : memref<1x128xf32, #tpu.memory_space<vmem>>, vector<1x128xf32>
    %add3A_32 = vector.broadcast %get3A_31 : vector<1x128xf32> to vector<1000x128xf32>
    %add3A_33 = arith.addf %add3A_28, %add3A_32 : vector<1000x128xf32>
    %max3A = arith.constant 0.000000e+00 : f32
    %max3A_34 = vector.broadcast %max3A : f32 to vector<1000x128xf32>
    %max3A_35 = arith.maximumf %add3A_33, %max3A_34 : vector<1000x128xf32>
    %get3A_36 = arith.constant 0 : index
    %get3A_37 = arith.constant 0 : index
    %get3A_38 = vector.load %arg4[%get3A_36, %get3A_37] : memref<128x128xf32, #tpu.memory_space<vmem>>, vector<128x128xf32>
    %dot_general3A = arith.constant dense<0.000000e+00> : vector<1000x128xf32>
    %dot_general3A_39 = tpu.matmul %max3A_35, %get3A_38, %dot_general3A {dimension_numbers = #tpu.dot_dimension_numbers<[1], [0], [0], [1], [0, 0, 1, 1], [], []>, transpose_lhs_hint = false} : vector<1000x128xf32>, vector<128x128xf32>, vector<1000x128xf32> -> vector<1000x128xf32>
    %swap3A = arith.constant 0 : index
    %swap3A_40 = arith.constant 0 : index
    %swap3A_41 = vector.load %arg6[%swap3A, %swap3A_40] : memref<1000x128xf32, #tpu.memory_space<vmem>>, vector<1000x128xf32>
    tpu.vector_store %arg6[%swap3A, %swap3A_40], %dot_general3A_39 {strides = array<i32>} : memref<1000x128xf32, #tpu.memory_space<vmem>>, vector<1000x128xf32>,
    %mul3A_42 = vector.broadcast %rsqrt3A : vector<1000x1xf32> to vector<1000x128xf32>
    %mul3A_43 = arith.mulf %dot_general3A_39, %mul3A_42 : vector<1000x128xf32>
    %swap3A_44 = arith.constant 0 : index
    %swap3A_45 = arith.constant 0 : index
    %swap3A_46 = vector.load %arg7[%swap3A_44, %swap3A_45] : memref<1000x128xf32, #tpu.memory_space<vmem>>, vector<1000x128xf32>
    tpu.vector_store %arg7[%swap3A_44, %swap3A_45], %mul3A_43 {strides = array<i32>} : memref<1000x128xf32, #tpu.memory_space<vmem>>, vector<1000x128xf32>,
    return
  }
  func.func @transform_0(%arg0: i32) -> (i32, i32, i32) {
    %c0_i32 = arith.constant 0 : i32
    %c0_i32_0 = arith.constant 0 : i32
    %c0_i32_1 = arith.constant 0 : i32
    return %c0_i32, %arg0, %c0_i32_0 : i32, i32, i32
  }
  func.func @transform_1(%arg0: i32) -> (i32, i32) {
    %c0_i32 = arith.constant 0 : i32
    %c0_i32_0 = arith.constant 0 : i32
    return %arg0, %c0_i32 : i32, i32
  }
  func.func @transform_2(%arg0: i32) -> (i32, i32, i32) {
    %c0_i32 = arith.constant 0 : i32
    %c0_i32_0 = arith.constant 0 : i32
    %c0_i32_1 = arith.constant 0 : i32
    return %c0_i32, %arg0, %c0_i32_0 : i32, i32, i32
  }
  func.func @transform_3(%arg0: i32) -> (i32, i32) {
    %c0_i32 = arith.constant 0 : i32
    %c0_i32_0 = arith.constant 0 : i32
    %c0_i32_1 = arith.constant 0 : i32
    return %c0_i32, %c0_i32_0 : i32, i32
  }
  func.func @transform_4(%arg0: i32) -> (i32, i32) {
    %c0_i32 = arith.constant 0 : i32
    %c0_i32_0 = arith.constant 0 : i32
    %c0_i32_1 = arith.constant 0 : i32
    return %c0_i32, %c0_i32_0 : i32, i32
  }
  func.func @transform_5(%arg0: i32) -> (i32, i32) {
    %c0_i32 = arith.constant 0 : i32
    %c0_i32_0 = arith.constant 0 : i32
    return %arg0, %c0_i32 : i32, i32
  }
  func.func @transform_6(%arg0: i32) -> (i32, i32) {
    %c0_i32 = arith.constant 0 : i32
    %c0_i32_0 = arith.constant 0 : i32
    return %arg0, %c0_i32 : i32, i32
  }
}

module attributes {stable_mosaic.version = 14 : i64} {
  func.func @_final_body(%arg0: i32, %arg1: memref<2x1000x128xf32, #tpu.memory_space<vmem>>, %arg2: memref<1000x128xf32, #tpu.memory_space<vmem>>, %arg3: memref<2x1000x128xf32, #tpu.memory_space<vmem>>, %arg4: memref<1x128xf32, #tpu.memory_space<vmem>>, %arg5: memref<1x1x1000xi32, #tpu.memory_space<vmem>>, %arg6: memref<128x128xf32, #tpu.memory_space<vmem>>, %arg7: memref<1x128xf32, #tpu.memory_space<vmem>>, %arg8: memref<128x128xf32, #tpu.memory_space<vmem>>, %arg9: memref<1x128xf32, #tpu.memory_space<vmem>>, %arg10: memref<64x128xf32, #tpu.memory_space<vmem>>, %arg11: memref<64x128xf32, #tpu.memory_space<vmem>>, %arg12: memref<64x128xf32, #tpu.memory_space<vmem>>) attributes {dimension_semantics = [#tpu.dimension_semantics<arbitrary>], iteration_bounds = array<i64: 10>, scalar_prefetch = 0 : i64, scratch_operands = 2 : i64, tpu.core_type = #tpu.core_type<tc>, window_params = [{transform_indices = @transform_0, window_bounds = array<i64: 2, 1000, 128>}, {transform_indices = @transform_1, window_bounds = array<i64: 1000, 128>}, {transform_indices = @transform_2, window_bounds = array<i64: 2, 1000, 128>}, {pipeline_mode = #tpu.pipeline_mode<synchronous>, transform_indices = @transform_3, window_bounds = array<i64: 1, 128>}, {transform_indices = @transform_4, window_bounds = array<i64: 1, 1, 1000>}, {pipeline_mode = #tpu.pipeline_mode<synchronous>, transform_indices = @transform_5, window_bounds = array<i64: 128, 128>}, {pipeline_mode = #tpu.pipeline_mode<synchronous>, transform_indices = @transform_6, window_bounds = array<i64: 1, 128>}, {pipeline_mode = #tpu.pipeline_mode<synchronous>, transform_indices = @transform_7, window_bounds = array<i64: 128, 128>}, {pipeline_mode = #tpu.pipeline_mode<synchronous>, transform_indices = @transform_8, window_bounds = array<i64: 1, 128>}, {pipeline_mode = #tpu.pipeline_mode<synchronous>, transform_indices = @transform_9, window_bounds = array<i64: 64, 128>}]} {
    %eq3A = arith.constant 0 : i32
    %eq3A_0 = arith.cmpi eq, %arg0, %eq3A : i32
    %convert_element_type3A = arith.extui %eq3A_0 : i1 to i32
    %cond3A = arith.constant 0 : i32
    %cond3A_1 = arith.cmpi ne, %convert_element_type3A, %cond3A : i32
    scf.if %cond3A_1 {
      %broadcast_in_dim3A_70 = arith.constant 0.000000e+00 : f32
      %broadcast_in_dim3A_71 = vector.broadcast %broadcast_in_dim3A_70 : f32 to vector<64x128xf32>
      %swap3A_72 = arith.constant 0 : index
      %swap3A_73 = arith.constant 0 : index
      %swap3A_74 = vector.load %arg11[%swap3A_72, %swap3A_73] : memref<64x128xf32, #tpu.memory_space<vmem>>, vector<64x128xf32>
      tpu.vector_store %arg11[%swap3A_72, %swap3A_73], %broadcast_in_dim3A_71 {strides = array<i32>} : memref<64x128xf32, #tpu.memory_space<vmem>>, vector<64x128xf32>,
      %broadcast_in_dim3A_75 = arith.constant 0.000000e+00 : f32
      %broadcast_in_dim3A_76 = vector.broadcast %broadcast_in_dim3A_75 : f32 to vector<64x128xf32>
      %swap3A_77 = arith.constant 0 : index
      %swap3A_78 = arith.constant 0 : index
      %swap3A_79 = vector.load %arg12[%swap3A_77, %swap3A_78] : memref<64x128xf32, #tpu.memory_space<vmem>>, vector<64x128xf32>
      tpu.vector_store %arg12[%swap3A_77, %swap3A_78], %broadcast_in_dim3A_76 {strides = array<i32>} : memref<64x128xf32, #tpu.memory_space<vmem>>, vector<64x128xf32>,
    } else {
    }
    %get3A = arith.constant 0 : index
    %get3A_2 = arith.constant 0 : index
    %get3A_3 = arith.constant 0 : index
    %get3A_4 = vector.load %arg3[%get3A, %get3A_2, %get3A_3] : memref<2x1000x128xf32, #tpu.memory_space<vmem>>, vector<1x1000x1xf32>
    %get3A_5 = vector.shape_cast %get3A_4 : vector<1x1000x1xf32> to vector<1000x1xf32>
    %add3A = arith.constant 1.000000e+00 : f32
    %add3A_6 = vector.broadcast %add3A : f32 to vector<1000x1xf32>
    %add3A_7 = arith.addf %add3A_6, %get3A_5 : vector<1000x1xf32>
    %get3A_8 = arith.constant 1 : index
    %get3A_9 = arith.constant 0 : index
    %get3A_10 = arith.constant 0 : index
    %get3A_11 = vector.load %arg3[%get3A_8, %get3A_9, %get3A_10] : memref<2x1000x128xf32, #tpu.memory_space<vmem>>, vector<1x1000x1xf32>
    %get3A_12 = vector.shape_cast %get3A_11 : vector<1x1000x1xf32> to vector<1000x1xf32>
    %add3A_13 = arith.addf %add3A_7, %get3A_12 : vector<1000x1xf32>
    %rsqrt3A = math.rsqrt %add3A_13 : vector<1000x1xf32>
    %get3A_14 = arith.constant 0 : index
    %get3A_15 = arith.constant 0 : index
    %get3A_16 = arith.constant 0 : index
    %get3A_17 = vector.load %arg1[%get3A_14, %get3A_15, %get3A_16] : memref<2x1000x128xf32, #tpu.memory_space<vmem>>, vector<1x1000x128xf32>
    %get3A_18 = vector.shape_cast %get3A_17 : vector<1x1000x128xf32> to vector<1000x128xf32>
    %get3A_19 = arith.constant 1 : index
    %get3A_20 = arith.constant 0 : index
    %get3A_21 = arith.constant 0 : index
    %get3A_22 = vector.load %arg1[%get3A_19, %get3A_20, %get3A_21] : memref<2x1000x128xf32, #tpu.memory_space<vmem>>, vector<1x1000x128xf32>
    %get3A_23 = vector.shape_cast %get3A_22 : vector<1x1000x128xf32> to vector<1000x128xf32>
    %add3A_24 = arith.addf %get3A_18, %get3A_23 : vector<1000x128xf32>
    %mul3A = vector.broadcast %rsqrt3A : vector<1000x1xf32> to vector<1000x128xf32>
    %mul3A_25 = arith.mulf %mul3A, %add3A_24 : vector<1000x128xf32>
    %get3A_26 = arith.constant 0 : index
    %get3A_27 = arith.constant 0 : index
    %get3A_28 = vector.load %arg2[%get3A_26, %get3A_27] : memref<1000x128xf32, #tpu.memory_space<vmem>>, vector<1000x128xf32>
    %div3A = vector.broadcast %add3A_13 : vector<1000x1xf32> to vector<1000x128xf32>
    %div3A_29 = arith.divf %get3A_28, %div3A : vector<1000x128xf32>
    %add3A_30 = arith.addf %mul3A_25, %div3A_29 : vector<1000x128xf32>
    %get3A_31 = arith.constant 0 : index
    %get3A_32 = arith.constant 0 : index
    %get3A_33 = vector.load %arg4[%get3A_31, %get3A_32] : memref<1x128xf32, #tpu.memory_space<vmem>>, vector<1x128xf32>
    %add3A_34 = vector.broadcast %get3A_33 : vector<1x128xf32> to vector<1000x128xf32>
    %add3A_35 = arith.addf %add3A_30, %add3A_34 : vector<1000x128xf32>
    %max3A = arith.constant 0.000000e+00 : f32
    %max3A_36 = vector.broadcast %max3A : f32 to vector<1000x128xf32>
    %max3A_37 = arith.maximumf %add3A_35, %max3A_36 : vector<1000x128xf32>
    %get3A_38 = arith.constant 0 : index
    %get3A_39 = arith.constant 0 : index
    %get3A_40 = arith.constant 0 : index
    %get3A_41 = vector.load %arg5[%get3A_38, %get3A_39, %get3A_40] : memref<1x1x1000xi32, #tpu.memory_space<vmem>>, vector<1x1x1000xi32>
    %get3A_42 = vector.shape_cast %get3A_41 : vector<1x1x1000xi32> to vector<1000xi32>
    %iota3A = tpu.iota {dimensions = array<i32: 0>} : vector<64x1000xi32>
    %broadcast_in_dim3A = vector.shape_cast %get3A_42 : vector<1000xi32> to vector<1x1000xi32>
    %eq3A_43 = vector.broadcast %broadcast_in_dim3A : vector<1x1000xi32> to vector<64x1000xi32>
    %eq3A_44 = arith.cmpi eq, %iota3A, %eq3A_43 : vector<64x1000xi32>
    %convert_element_type3A_45 = arith.extui %eq3A_44 : vector<64x1000xi1> to vector<64x1000xi32>
    %convert_element_type3A_46 = arith.sitofp %convert_element_type3A_45 : vector<64x1000xi32> to vector<64x1000xf32>
    %get3A_47 = arith.constant 0 : index
    %get3A_48 = arith.constant 0 : index
    %get3A_49 = vector.load %arg11[%get3A_47, %get3A_48] : memref<64x128xf32, #tpu.memory_space<vmem>>, vector<64x128xf32>
    %dot_general3A = arith.constant dense<0.000000e+00> : vector<64x128xf32>
    %dot_general3A_50 = tpu.matmul %convert_element_type3A_46, %max3A_37, %dot_general3A {dimension_numbers = #tpu.dot_dimension_numbers<[1], [0], [0], [1], [0, 0, 1, 1], [], []>, transpose_lhs_hint = false} : vector<64x1000xf32>, vector<1000x128xf32>, vector<64x128xf32> -> vector<64x128xf32>
    %add3A_51 = arith.addf %get3A_49, %dot_general3A_50 : vector<64x128xf32>
    %swap3A = arith.constant 0 : index
    %swap3A_52 = arith.constant 0 : index
    %swap3A_53 = vector.load %arg11[%swap3A, %swap3A_52] : memref<64x128xf32, #tpu.memory_space<vmem>>, vector<64x128xf32>
    tpu.vector_store %arg11[%swap3A, %swap3A_52], %add3A_51 {strides = array<i32>} : memref<64x128xf32, #tpu.memory_space<vmem>>, vector<64x128xf32>,
    %get3A_54 = arith.constant 0 : index
    %get3A_55 = arith.constant 0 : index
    %get3A_56 = vector.load %arg12[%get3A_54, %get3A_55] : memref<64x128xf32, #tpu.memory_space<vmem>>, vector<64x128xf32>
    %reduce_sum3A = arith.constant dense<0.000000e+00> : vector<64xf32>
    %reduce_sum3A_57 = vector.multi_reduction <add>, %convert_element_type3A_46, %reduce_sum3A [1] : vector<64x1000xf32> to vector<64xf32>
    %broadcast_in_dim3A_58 = vector.shape_cast %reduce_sum3A_57 : vector<64xf32> to vector<64x1xf32>
    %broadcast_in_dim3A_59 = vector.shape_cast %broadcast_in_dim3A_58 : vector<64x1xf32> to vector<64x1xf32>
    %broadcast_in_dim3A_60 = vector.broadcast %broadcast_in_dim3A_59 : vector<64x1xf32> to vector<64x128xf32>
    %add3A_61 = arith.addf %get3A_56, %broadcast_in_dim3A_60 : vector<64x128xf32>
    %swap3A_62 = arith.constant 0 : index
    %swap3A_63 = arith.constant 0 : index
    %swap3A_64 = vector.load %arg12[%swap3A_62, %swap3A_63] : memref<64x128xf32, #tpu.memory_space<vmem>>, vector<64x128xf32>
    tpu.vector_store %arg12[%swap3A_62, %swap3A_63], %add3A_61 {strides = array<i32>} : memref<64x128xf32, #tpu.memory_space<vmem>>, vector<64x128xf32>,
    %eq3A_65 = arith.constant 9 : i32
    %eq3A_66 = arith.cmpi eq, %arg0, %eq3A_65 : i32
    %convert_element_type3A_67 = arith.extui %eq3A_66 : i1 to i32
    %cond3A_68 = arith.constant 0 : i32
    %cond3A_69 = arith.cmpi ne, %convert_element_type3A_67, %cond3A_68 : i32
    scf.if %cond3A_69 {
      %get3A_70 = arith.constant 0 : index
      %get3A_71 = arith.constant 0 : index
      %get3A_72 = vector.load %arg11[%get3A_70, %get3A_71] : memref<64x128xf32, #tpu.memory_space<vmem>>, vector<64x128xf32>
      %get3A_73 = arith.constant 0 : index
      %get3A_74 = arith.constant 0 : index
      %get3A_75 = vector.load %arg12[%get3A_73, %get3A_74] : memref<64x128xf32, #tpu.memory_space<vmem>>, vector<64x128xf32>
      %max3A_76 = arith.constant 1.000000e+00 : f32
      %max3A_77 = vector.broadcast %max3A_76 : f32 to vector<64x128xf32>
      %max3A_78 = arith.maximumf %get3A_75, %max3A_77 : vector<64x128xf32>
      %div3A_79 = arith.divf %get3A_72, %max3A_78 : vector<64x128xf32>
      %get3A_80 = arith.constant 0 : index
      %get3A_81 = arith.constant 0 : index
      %get3A_82 = vector.load %arg6[%get3A_80, %get3A_81] : memref<128x128xf32, #tpu.memory_space<vmem>>, vector<128x128xf32>
      %dot_general3A_83 = arith.constant dense<0.000000e+00> : vector<64x128xf32>
      %dot_general3A_84 = tpu.matmul %div3A_79, %get3A_82, %dot_general3A_83 {dimension_numbers = #tpu.dot_dimension_numbers<[1], [0], [0], [1], [0, 0, 1, 1], [], []>, transpose_lhs_hint = false} : vector<64x128xf32>, vector<128x128xf32>, vector<64x128xf32> -> vector<64x128xf32>
      %get3A_85 = arith.constant 0 : index
      %get3A_86 = arith.constant 0 : index
      %get3A_87 = vector.load %arg7[%get3A_85, %get3A_86] : memref<1x128xf32, #tpu.memory_space<vmem>>, vector<1x128xf32>
      %add3A_88 = vector.broadcast %get3A_87 : vector<1x128xf32> to vector<64x128xf32>
      %add3A_89 = arith.addf %dot_general3A_84, %add3A_88 : vector<64x128xf32>
      %max3A_90 = arith.constant 0.000000e+00 : f32
      %max3A_91 = vector.broadcast %max3A_90 : f32 to vector<64x128xf32>
      %max3A_92 = arith.maximumf %add3A_89, %max3A_91 : vector<64x128xf32>
      %get3A_93 = arith.constant 0 : index
      %get3A_94 = arith.constant 0 : index
      %get3A_95 = vector.load %arg8[%get3A_93, %get3A_94] : memref<128x128xf32, #tpu.memory_space<vmem>>, vector<128x128xf32>
      %dot_general3A_96 = arith.constant dense<0.000000e+00> : vector<64x128xf32>
      %dot_general3A_97 = tpu.matmul %max3A_92, %get3A_95, %dot_general3A_96 {dimension_numbers = #tpu.dot_dimension_numbers<[1], [0], [0], [1], [0, 0, 1, 1], [], []>, transpose_lhs_hint = false} : vector<64x128xf32>, vector<128x128xf32>, vector<64x128xf32> -> vector<64x128xf32>
      %get3A_98 = arith.constant 0 : index
      %get3A_99 = arith.constant 0 : index
      %get3A_100 = vector.load %arg9[%get3A_98, %get3A_99] : memref<1x128xf32, #tpu.memory_space<vmem>>, vector<1x128xf32>
      %add3A_101 = vector.broadcast %get3A_100 : vector<1x128xf32> to vector<64x128xf32>
      %add3A_102 = arith.addf %dot_general3A_97, %add3A_101 : vector<64x128xf32>
      %neg3A = arith.constant 0.000000e+00 : f32
      %neg3A_103 = vector.broadcast %neg3A : f32 to vector<64x128xf32>
      %neg3A_104 = arith.subf %neg3A_103, %add3A_102 : vector<64x128xf32>
      %exp3A = math.exp %neg3A_104 : vector<64x128xf32>
      %add3A_105 = arith.constant 1.000000e+00 : f32
      %add3A_106 = vector.broadcast %add3A_105 : f32 to vector<64x128xf32>
      %add3A_107 = arith.addf %add3A_106, %exp3A : vector<64x128xf32>
      %div3A_108 = arith.constant 1.000000e+00 : f32
      %div3A_109 = vector.broadcast %div3A_108 : f32 to vector<64x128xf32>
      %div3A_110 = arith.divf %div3A_109, %add3A_107 : vector<64x128xf32>
      %swap3A_111 = arith.constant 0 : index
      %swap3A_112 = arith.constant 0 : index
      %swap3A_113 = vector.load %arg10[%swap3A_111, %swap3A_112] : memref<64x128xf32, #tpu.memory_space<vmem>>, vector<64x128xf32>
      tpu.vector_store %arg10[%swap3A_111, %swap3A_112], %div3A_110 {strides = array<i32>} : memref<64x128xf32, #tpu.memory_space<vmem>>, vector<64x128xf32>,
    } else {
    }
    return
  }
  func.func @transform_0(%arg0: i32) -> (i32, i32, i32) {
    %c0_i32 = arith.constant 0 : i32
    %c0_i32_0 = arith.constant 0 : i32
    %c0_i32_1 = arith.constant 0 : i32
    return %c0_i32, %arg0, %c0_i32_0 : i32, i32, i32
  }
  func.func @transform_1(%arg0: i32) -> (i32, i32) {
    %c0_i32 = arith.constant 0 : i32
    %c0_i32_0 = arith.constant 0 : i32
    return %arg0, %c0_i32 : i32, i32
  }
  func.func @transform_2(%arg0: i32) -> (i32, i32, i32) {
    %c0_i32 = arith.constant 0 : i32
    %c0_i32_0 = arith.constant 0 : i32
    %c0_i32_1 = arith.constant 0 : i32
    return %c0_i32, %arg0, %c0_i32_0 : i32, i32, i32
  }
  func.func @transform_3(%arg0: i32) -> (i32, i32) {
    %c0_i32 = arith.constant 0 : i32
    %c0_i32_0 = arith.constant 0 : i32
    %c0_i32_1 = arith.constant 0 : i32
    return %c0_i32, %c0_i32_0 : i32, i32
  }
  func.func @transform_4(%arg0: i32) -> (i32, i32, i32) {
    %c0_i32 = arith.constant 0 : i32
    %c0_i32_0 = arith.constant 0 : i32
    %c0_i32_1 = arith.constant 0 : i32
    return %arg0, %c0_i32, %c0_i32_0 : i32, i32, i32
  }
  func.func @transform_5(%arg0: i32) -> (i32, i32) {
    %c0_i32 = arith.constant 0 : i32
    %c0_i32_0 = arith.constant 0 : i32
    %c0_i32_1 = arith.constant 0 : i32
    return %c0_i32, %c0_i32_0 : i32, i32
  }
  func.func @transform_6(%arg0: i32) -> (i32, i32) {
    %c0_i32 = arith.constant 0 : i32
    %c0_i32_0 = arith.constant 0 : i32
    %c0_i32_1 = arith.constant 0 : i32
    return %c0_i32, %c0_i32_0 : i32, i32
  }
  func.func @transform_7(%arg0: i32) -> (i32, i32) {
    %c0_i32 = arith.constant 0 : i32
    %c0_i32_0 = arith.constant 0 : i32
    %c0_i32_1 = arith.constant 0 : i32
    return %c0_i32, %c0_i32_0 : i32, i32
  }
  func.func @transform_8(%arg0: i32) -> (i32, i32) {
    %c0_i32 = arith.constant 0 : i32
    %c0_i32_0 = arith.constant 0 : i32
    %c0_i32_1 = arith.constant 0 : i32
    return %c0_i32, %c0_i32_0 : i32, i32
  }
  func.func @transform_9(%arg0: i32) -> (i32, i32) {
    %c0_i32 = arith.constant 0 : i32
    %c0_i32_0 = arith.constant 0 : i32
    %c0_i32_1 = arith.constant 0 : i32
    return %c0_i32, %c0_i32_0 : i32, i32
  }
}

</mosaic_0001>

<sc_bundles>
// kernel: kernel.11.cloned.1.call-start
scs
__scs_entry_jumppad:
0x0: {  	(pc) =	sbr.rel $0x88, $3  }
0x1: {  	(tag) =	ssettag $0x0;
	lr =	simm.s32 $0x1  }
0x2: {  	[smem:$0x3F96] =	sst lr;
	_ =	strace $0xD0000000  }
0x3: {  	_ = 	snop  }
0x4: {  	_ = 	snop  }
0x5: {  	_ = 	snop  }
0x6: {  	_ = 	snop  }
0x7: {  	_ = 	snop  }
__scs_overlays_trampoline_lowered:
0x8: {  	[smem:$0x3FA5] =	sst s0  }
0x9: {  	[smem:$0x3FA6] =	sst s1  }
0xa: {  	[smem:$0x3FA7] =	sst s2  }
0xb: {  	[smem:$0x3FA8] =	sst s3  }
0xc: {  	[smem:$0x3FA9] =	sst s4  }
0xd: {  	[smem:$0x3FAA] =	sst s5  }
0xe: {  	[smem:$0x3FAB] =	sst s6  }
0xf: {  	[smem:$0x3FAC] =	sst s7  }
0x10: {  	[smem:$0x3FAD] =	sst s8  }
0x11: {  	[smem:$0x3FAE] =	sst s9;
	s0 =	simm.s32 @!p0 $0x0  }
0x12: {  	s1 =	sld [smem:$0x3F94];
	s0 =	simm.s32 @p0 $0x1  }
0x13: {  	[smem:$0x3FAF] =	sst s0;
	s0 =	simm.s32 @!p1 $0x0  }
0x14: {  	s2 =	sld [smem:$0x3F93];
	s0 =	simm.s32 @p1 $0x1  }
0x15: {  	[smem:$0x3FB0] =	sst s0;
	s0 =	simm.s32 @!p2 $0x0  }
0x16: {  	s3 =	sld [smem:$0x3FDB];
	s0 =	simm.s32 @p2 $0x1  }
0x17: {  	s4 =	simm.s32 $0x1BF5;
	[smem:$0x3FB2] =	sst s0  }
0x18: {  	s0 =	sld [smem:$0x3F95];
	_ =	swait.ge [sflag:s4], $0x0  }
0x19: {  	s7 =	sld [smem:$0x3F96]  }
0x1a: {  	s8 =	sadd.s32 $0xFFFFE003, lr  }
0x1b: {  	s9 =	sadd.s32 $0xFFFFFEF7, lr;
	s5 =	simm.s32 $0xFFFFFFFF;
	p2 =	slt.u32 s8, $0xFFFFF086  }
0x1c: {  	p1 =	slt.u32 s9, $0xF7A;
	s5 =	simm.s32 @!p2 $0x0  }
0x1d: {  	s5 =	simm.s32 @p1 $0x1;
	p0 =	seq.s32 s7, s2  }
0x1e: {  	s7 =	smul.u32 @!p0 $0xF7A, s2;
	p2 =	seq.s32 @!p0 s5, $0x0  }
0x1f: {  	s9 =	smul.u32 $0xF7A, s1;
	s8 =	simm.s32 @!p0 $0x1BF5;
	p2 =	por !p2, p0  }
0x20: {  	[sflag:s8] =	ssyncset.s32 @!p0 $0xFFFFF086;
	s6 =	sadd.s32 @!p0 s3, s7;
	s7 =	simm.s32 @!p0 $0x108  }
0x21: {  	s3 =	sadd.s32 s3, s9;
	s6 =	sadd.s32 @!p0 $0x88, s6;
	s7 =	simm.s32 @p2 $0x1082  }
0x22: {  	[simem:s7], [sflag:s8] =	dma.local @!p0 [hbm:s6], $0xF7A  }
0x23: {  	s9 =	sor.u32 $0xD0000000, s2;
	s6 =	simm.s32 $0x108;
	_ =	swait.ge @!p0 [sflag:s8], $0x0  }
0x24: {  	s3 =	sadd.s32 $0x88, s3;
	s6 =	simm.s32 @!p1 $0x1082;
	[sflag:s4] =	ssyncset.s32 $0xFFFFF086  }
0x25: {  	[simem:s6], [sflag:s4] =	dma.local [hbm:s3], $0xF7A  }
0x26: {  	[smem:$0x3F96] =	sst s1;
	(tag) =	ssettag s2;
	_ =	strace s9  }
0x27: {  	s1 =	sld [smem:$0x3FA6]  }
0x28: {  	s2 =	sld [smem:$0x3FA7]  }
0x29: {  	s4 =	sld [smem:$0x3FA9]  }
0x2a: {  	p0 =	seq.s32 s5, $0x0;
	s5 =	sld [smem:$0x3FAA]  }
0x2b: {  	s6 =	sld [smem:$0x3FAB]  }
0x2c: {  	s7 =	sld [smem:$0x3FAC]  }
0x2d: {  	s3 =	simm.s32 $0x108;
	s8 =	sld [smem:$0x3FAD]  }
0x2e: {  	s3 =	simm.s32 @!p0 $0x1082;
	s9 =	sld [smem:$0x3FAE]  }
0x2f: {  	lr =	sadd.s32 s0, s3;
	s0 =	sld [smem:$0x3FA5]  }
0x30: {  	s3 =	sld [smem:$0x3FA8]  }
0x31: {  	[smem:$0x3FB1] =	sst s10  }
0x32: {  	s10 =	sld [smem:$0x3FAF];
	_ =	sdelay $0x3  }
0x33: {  	p0 =	seq.s32 s10, $0x1;
	s10 =	sld [smem:$0x3FB1];
	_ =	sdelay $0x3  }
0x34: {  	[smem:$0x3FB1] =	sst s10  }
0x35: {  	s10 =	sld [smem:$0x3FB0];
	_ =	sdelay $0x3  }
0x36: {  	p1 =	seq.s32 s10, $0x1;
	s10 =	sld [smem:$0x3FB1];
	_ =	sdelay $0x3  }
0x37: {  	[smem:$0x3FB1] =	sst s10  }
0x38: {  	s10 =	sld [smem:$0x3FB2]  }
0x39: {  	_ = 	snop;
	(pc) =	sbr.ind lr, $3  }
0x3a: {  	_ = 	snop  }
0x3b: {  	_ = 	snop  }
0x3c: {  	p2 =	seq.s32 s10, $0x1;
	s10 =	sld [smem:$0x3FB1]  }
0x3d: {  	_ =	shalt  }
0x3e: {  	_ =	shalt  }
0x3f: {  	_ =	shalt  }
0x40: {  	_ =	shalt  }
0x41: {  	_ =	shalt  }
0x42: {  	_ =	shalt  }
0x43: {  	_ =	shalt  }
0x44: {  	_ =	shalt  }
0x45: {  	_ =	shalt  }
0x46: {  	_ =	shalt  }
0x47: {  	_ =	shalt  }
0x48: {  	_ =	shalt  }
0x49: {  	_ =	shalt  }
0x4a: {  	_ =	shalt  }
0x4b: {  	_ =	shalt  }
0x4c: {  	_ =	shalt  }
0x4d: {  	_ =	shalt  }
0x4e: {  	_ =	shalt  }
0x4f: {  	_ =	shalt  }
0x50: {  	_ =	shalt  }
0x51: {  	_ =	shalt  }
0x52: {  	_ =	shalt  }
0x53: {  	_ =	shalt  }
0x54: {  	_ =	shalt  }
0x55: {  	_ =	shalt  }
0x56: {  	_ =	shalt  }
0x57: {  	_ =	shalt  }
0x58: {  	_ =	shalt  }
0x59: {  	_ =	shalt  }
0x5a: {  	_ =	shalt  }
0x5b: {  	_ =	shalt  }
0x5c: {  	_ =	shalt  }
0x5d: {  	_ =	shalt  }
0x5e: {  	_ =	shalt  }
0x5f: {  	_ =	shalt  }
0x60: {  	_ =	shalt  }
0x61: {  	_ =	shalt  }
0x62: {  	_ =	shalt  }
0x63: {  	_ =	shalt  }
0x64: {  	_ =	shalt  }
0x65: {  	_ =	shalt  }
0x66: {  	_ =	shalt  }
0x67: {  	_ =	shalt  }
0x68: {  	_ =	shalt  }
0x69: {  	_ =	shalt  }
0x6a: {  	_ =	shalt  }
0x6b: {  	_ =	shalt  }
0x6c: {  	_ =	shalt  }
0x6d: {  	_ =	shalt  }
0x6e: {  	_ =	shalt  }
0x6f: {  	_ =	shalt  }
0x70: {  	_ =	shalt  }
0x71: {  	_ =	shalt  }
0x72: {  	_ =	shalt  }
0x73: {  	_ =	shalt  }
0x74: {  	_ =	shalt  }
0x75: {  	_ =	shalt  }
0x76: {  	_ =	shalt  }
0x77: {  	_ =	shalt  }
0x78: {  	_ =	shalt  }
0x79: {  	_ =	shalt  }
0x7a: {  	_ =	shalt  }
0x7b: {  	_ =	shalt  }
0x7c: {  	_ =	shalt  }
0x7d: {  	_ =	shalt  }
0x7e: {  	_ =	shalt  }
0x7f: {  	_ =	shalt  }
0x80: {  	_ =	shalt  }
0x81: {  	_ =	shalt  }
0x82: {  	_ =	shalt  }
0x83: {  	_ =	shalt  }
0x84: {  	_ =	shalt  }
0x85: {  	_ =	shalt  }
0x86: {  	_ =	shalt  }
0x87: {  	_ =	shalt  }
.Lfunc_end0:
.L_simem_size_0:
called_computation.1_lowered:
.L_overlay_start_0:
0x88: {  	s2 =	sld [smem:$0x3FD9]  }
0x89: {  	s3 =	sld [smem:$0x3FFE];
	_ =	sdelay $0x1  }
0x8a: {  	s1 =	srdreg.scid  }
0x8b: {  	s0 =	sand.u32 $0x1, s1  }
0x8c: {  	s16 =	sshll.u32 s0, $0xA;
	s2 =	sadd.s32 s3, s2  }
0x8d: {  	s2 =	sadd.s32 s2, s16  }
0x8e: {  	[smem:$0x3FBD] =	sst s2  }
0x8f: {  	_ = 	snop  }
0x90: {  	(tm) =	ssettm $0x1  }
0x91: {  	s17 =	sld [smem:$0x3FFB];
	_ =	sdelay $0x3  }
0x92: {  	_ =	strace s17  }
0x93: {  	s2 =	sld [smem:$0x3FFC];
	_ =	sdelay $0x3  }
0x94: {  	_ =	strace s2  }
0x95: {  	s2 =	sld [smem:$0x3FFD];
	_ =	sdelay $0x3  }
0x96: {  	_ =	strace s2  }
0x97: {  	_ =	strace $0x8FFFFFFF  }
0x98: {  	s18 =	sld [smem:$0x3FDB];
	_ =	sdelay $0x1  }
0x99: {  	s19 =	simm.s32 $_scs_section_size  }
0x9a: {  	s4 =	simm.s32 $_size__tile_overlayer_lowered;
	s5 =	simm.s32 $_tile_overlayer_lowered  }
0x9b: {  	s22 =	simm.s32 $0x1BFF;
	s21 =	sshll.u32 s5, $0x1;
	s2 =	sadd.s32 s19, s18  }
0x9c: {  	s6 =	simm.s32 $0x0;
	s20 =	sshll.u32 s4, $0x1;
	s4 =	sadd.s32 s21, s2  }
0x9d: {  	[timem:s6], [sflag:s22] =	dma.local [hbm:s4], s20  }
0x9e: {  	_ =	swait.ge [sflag:s22], s20  }
0x9f: {  	s3 =	ssub.s32 $0x0, s20;
	[sflag:s22] =	ssyncset.done $0x0  }
0xa0: {  	[sflag:s22] =	ssyncadd.s32 s3;
	_ =	sdelay $0x1  }
0xa1: {  	s23 =	simm.s32 $0x1B8B  }
0xa2: {  	_ =	swait.ge [sflag:s23], $0x1  }
0xa3: {  	[sflag:s23] =	ssyncset.done $0x0  }
0xa4: {  	s25 =	simm.s32 $0x1B8E;
	s24 =	sld [smem:$0x3FFE];
	[sflag:s23] =	ssyncadd.s32 $0xFFFFFFFF  }
0xa5: {  	s26 =	simm.s32 $execute0_lowered;
	[smem:$0x3FD2] =	sst s25  }
0xa6: {  	s4 =	sshll.u32 s26, $0x1;
	_ =	strace $0x80000049;
	[dreg:$0x1] =	wrdreg $0xFFFFFFFF  }
0xa7: {  	s28 =	simm.s32 $_size_execute0_lowered;
	s2 =	sadd.s32 s2, s4;
	[dreg:$0x0] =	wrdreg $0x0  }
0xa8: {  	s4 =	sshll.u32 s28, $0x1;
	[dreg:$0x2] =	wrdreg s2  }
0xa9: {  	[dreg:$0x3] =	wrdreg s4  }
0xaa: {  	[dreg:$0x4] =	wrdreg $0xC0  }
0xab: {  	_ =	task [dreg:s6], $0x5FFFF  }
0xac: {  	[dreg:$0x1] =	wrdreg $0xFFFFFFFF  }
0xad: {  	[dreg:$0x0] =	wrdreg $0x60  }
0xae: {  	[dreg:$0x2] =	wrdreg s24  }
0xaf: {  	[dreg:$0x3] =	wrdreg $0x0  }
0xb0: {  	[dreg:$0x4] =	wrdreg $0x9  }
0xb1: {  	_ =	task.clear_ibuf [dreg:s6], $0x5FFFF;
	_ =	strace $0x90000049  }
0xb2: {  	s29 =	simm.s32 $0x9;
	_ =	strace $0x8000004B  }
0xb3: {  	_ =	swait.ge [sflag:s29], $0x1  }
0xb4: {  	[sflag:s29] =	ssyncadd.s32 $0xFFFFFFFF  }
0xb5: {  	_ =	strace $0x9000004B  }
0xb6: {  	_ =	sfence  }
0xb7: {  	s30 =	sld [smem:$0x0];
	_ =	sdelay $0x2  }
0xb8: {  	s31 =	sshll.u32 s1, $0xD;
	s1 =	sshrl.u32 s1, $0x2  }
0xb9: {  	s3 =	sand.u32 $0x4000, s31;
	s1 =	sadd.s32 s1, s30  }
0xba: {  	s0 =	sor.u32 s3, s0;
	s1 =	sshll.u32 s1, $0x11  }
0xbb: {  	s0 =	sor.u32 s1, s0  }
0xbc: {  	s0 =	sadd.s32 $0x8F2B, s0  }
0xbd: {  	[sflag:s0] =	ssyncadd.remote.s32 $0x1  }
0xbe: {  	_ =	sfence.sel $0xFFFF  }
0xbf: {  	[dreg:$0x0] =	wrdreg $0xFFFFFFFF;
	(pc) =	sbr.abs _section_cstart, $3  }
0xc0: {  	[dreg:$0x1] =	wrdreg $0xFFFFFFFF  }
0xc1: {  	_ =	task.clear_ibuf [dreg:s6], $0x2FFFF;
	_ =	strace $0x9FFFFFFF  }
0xc2: {  	(tm) =	ssettm $0x7FFFFFFF  }
0xc3: {  	_ =	shalt  }
tec
execute0_lowered:
.L_overlay_start_1:
0x0: {  	(tag) =	ssettag $0x1  }
0x1: {  	s0 =	srdreg.scid;
	s7 =	rddreg [dreg:$0x0]  }
0x2: {  	s2 =	rddreg [dreg:$0x1];
	s3 =	simm.s32 $0x0;
	s15 =	simm.s32 $0x13C00  }
0x3: {  	s16 =	simm.s32 $0x5;
	s17 =	simm.s32 $0x15000;
	s18 =	simm.s32 $0x16400  }
0x4: {  	s19 =	simm.s32 $0x80;
	s20 =	simm.s32 $0x13C80;
	s21 =	simm.s32 $0x1A400  }
0x5: {  	s22 =	simm.s32 $0x1;
	s23 =	simm.s32 $0x2;
	s24 =	simm.s32 $0x3  }
0x6: {  	s25 =	simm.s32 $0x4;
	s28 =	simm.s32 $0x16380;
	s6 =	sand.u32 $0x1, s0  }
0x7: {  	s29 =	simm.s32 $0x0;
	s0 =	stileid.u32;
	s8 =	smul.u32 $0x13C000, s6  }
0x8: {  	[smem:$0x7FF] =	sst s3;
	s4 =	sadd.s32 $0x5D600, s7;
	s9 =	smul.u32 $0x13C00, s0  }
0x9: {  	s1 =	sshll.u32 s6, $0x4;
	s26 =	smul.u32 $0x4F000, s0;
	s6 =	ssub.s32 $0x2, s6  }
0xa: {  	_ =	strace $0x8000004A;
	s1 =	sor.u32 s0, s1;
	s30 =	sshrl.u32 s6, $0x1  }
0xb: {  	s5 =	smul.u32 $0x280, s1;
	s8 =	sadd.s32 s9, s8;
	s31 =	sshrl.u32 s26, $0x2  }
0xc: {  	s14 =	ssub.s32 s6, s30;
	s26 =	simm.s32 $0x16300;
	s8 =	sshrl.u32 s8, $0x3  }
0xd: {  	s14 =	smax.u32 s14, $0x1;
	s10 =	sadd.s32 s5, s7;
	s5 =	sadd.s32 $0xD600, s7  }
0xe: {  	s13 =	sadd.s32 s8, s7;
	s7 =	sadd.s32 s31, s2;
	s6 =	sadd.s32 $0x3600, s10  }
0xf: {  	s8 =	sadd.s32 $0x8600, s10;
	s9 =	sadd.s32 $0x4000, s7;
	s10 =	sadd.s32 $0x8000, s7  }
0x10: {  	s11 =	sadd.s32 $0xC000, s7;
	s12 =	sadd.s32 $0x10000, s7;
	s13 =	sadd.s32 $0x84800, s13  }
.LBB2_1:
0x11: {  	[tilespmem:s15], [sflag:$0x5] =	stream.linear.gather [hbm4b:s6+s3], $0x1400, $0x38;
	[tilespmem:$0x1E400] =	vst v63  }
0x12: {  	_ =	swait.ge [sflag:s16], $0x1400  }
0x13: {  	[sflag:s16] =	ssyncset.done $0x0  }
0x14: {  	[sflag:s16] =	ssyncadd.s32 $0xFFFFEC00  }
0x15: {  	[tilespmem:s17], [sflag:$0x5] =	stream.linear.gather [hbm4b:s8+s3], $0x1400, $0x38;
	[tilespmem:$0x1E400] =	vst v63  }
0x16: {  	_ =	swait.ge [sflag:s16], $0x1400  }
0x17: {  	[sflag:s16] =	ssyncset.done $0x0  }
0x18: {  	[sflag:s16] =	ssyncadd.s32 $0xFFFFEC00  }
0x19: {  	[tilespmem:s18], [sflag:$0x5] =	stream.linear.gather [hbm4b:s5+s3], $0x4000, $0x38;
	[tilespmem:$0x1E400] =	vst v63  }
0x1a: {  	_ =	swait.ge [sflag:s16], $0x4000  }
0x1b: {  	[sflag:s16] =	ssyncset.done $0x0  }
0x1c: {  	[sflag:s16] =	ssyncadd.s32 $0xFFFFC000  }
0x1d: {  	[spmem:s7] =	stream.linear.scatter [tilespmem:s18], [sflag:$0x5], $0x4000, $0x38;
	[tilespmem:$0x1E400] =	vst v63  }
0x1e: {  	_ =	swait.ge [sflag:s16], $0x4000  }
0x1f: {  	[sflag:s16] =	ssyncset.done $0x0  }
0x20: {  	[sflag:s16] =	ssyncadd.s32 $0xFFFFC000  }
0x21: {  	[spmem:s9] =	stream.linear.scatter [tilespmem:s18], [sflag:$0x5], $0x4000, $0x38;
	[tilespmem:$0x1E400] =	vst v63  }
0x22: {  	_ =	swait.ge [sflag:s16], $0x4000  }
0x23: {  	[sflag:s16] =	ssyncset.done $0x0  }
0x24: {  	[sflag:s16] =	ssyncadd.s32 $0xFFFFC000  }
0x25: {  	[spmem:s10] =	stream.linear.scatter [tilespmem:s18], [sflag:$0x5], $0x4000, $0x38;
	[tilespmem:$0x1E400] =	vst v63  }
0x26: {  	_ =	swait.ge [sflag:s16], $0x4000  }
0x27: {  	[sflag:s16] =	ssyncset.done $0x0  }
0x28: {  	[sflag:s16] =	ssyncadd.s32 $0xFFFFC000  }
0x29: {  	[spmem:s11] =	stream.linear.scatter [tilespmem:s18], [sflag:$0x5], $0x4000, $0x38;
	[tilespmem:$0x1E400] =	vst v63  }
0x2a: {  	_ =	swait.ge [sflag:s16], $0x4000  }
0x2b: {  	[sflag:s16] =	ssyncset.done $0x0  }
0x2c: {  	[sflag:s16] =	ssyncadd.s32 $0xFFFFC000  }
0x2d: {  	[spmem:s12] =	stream.linear.scatter [tilespmem:s18], [sflag:$0x5], $0x3C00, $0x38;
	[tilespmem:$0x1E400] =	vst v63  }
0x2e: {  	_ =	swait.ge [sflag:s16], $0x3C00  }
0x2f: {  	[sflag:s16] =	ssyncset.done $0x0  }
0x30: {  	[sflag:s16] =	ssyncadd.s32 $0xFFFFC400  }
0x31: {  	[bflag:$0x0] =	sbarrier.arrive $0xFFFF  }
0x32: {  	[tilespmem:s18], [sflag:$0x1] =	stream.indirect.gather [hbm4b:s4+s19], $0x80, s15, s19, $0xb8;
	[tilespmem:$0x1E400] =	vst v63  }
0x33: {  	_ = 	snop  }
0x34: {  	[tilespmem:s21], [sflag:$0x2] =	stream.indirect.gather [hbm4b:s4+s19], $0x80, s20, s19, $0xb8;
	[tilespmem:$0x1E400] =	vst v63  }
0x35: {  	_ =	swait.ge [sflag:s22], $0x4000  }
0x36: {  	[sflag:s22] =	ssyncset.done $0x0  }
0x37: {  	s30 =	simm.s32 $0x15000;
	[sflag:s22] =	ssyncadd.s32 $0xFFFFC000  }
0x38: {  	[spmem:s2] =	stream.indirect.scatter.add.f32 [tilespmem:s18], [sflag:$0x3], $0x80, s30, s19, $0xb8;
	[tilespmem:$0x1E400] =	vst v63  }
0x39: {  	_ =	swait.ge [sflag:s23], $0x4000  }
0x3a: {  	[sflag:s23] =	ssyncset.done $0x0  }
0x3b: {  	s30 =	simm.s32 $0x15080;
	[sflag:s23] =	ssyncadd.s32 $0xFFFFC000  }
0x3c: {  	[spmem:s2] =	stream.indirect.scatter.add.f32 [tilespmem:s21], [sflag:$0x4], $0x80, s30, s19, $0xb8;
	[tilespmem:$0x1E400] =	vst v63  }
0x3d: {  	_ =	swait.ge [sflag:s24], $0x4000  }
0x3e: {  	[sflag:s24] =	ssyncset.done $0x0  }
0x3f: {  	s30 =	simm.s32 $0x13D00;
	[sflag:s24] =	ssyncadd.s32 $0xFFFFC000  }
0x40: {  	[tilespmem:s18], [sflag:$0x1] =	stream.indirect.gather [hbm4b:s4+s19], $0x80, s30, s19, $0xb8;
	[tilespmem:$0x1E400] =	vst v63  }
0x41: {  	_ =	swait.ge [sflag:s25], $0x4000  }
0x42: {  	[sflag:s25] =	ssyncset.done $0x0  }
0x43: {  	s31 =	simm.s32 $0x13D80;
	s30 =	simm.s32 $0x400;
	[sflag:s25] =	ssyncadd.s32 $0xFFFFC000  }
.LBB2_2:
0x44: {  	[tilespmem:s21], [sflag:$0x2] =	stream.indirect.gather [hbm4b:s4+s19], $0x80, s31, s19, $0xb8;
	[tilespmem:$0x1E400] =	vst v63  }
0x45: {  	s31 =	smov.u32 s30  }
0x46: {  	p0 =	sne.s32 s30, $0x4800;
	s30 =	sadd.s32 $0x400, s30;
	_ =	swait.ge [sflag:s22], $0x4000  }
0x47: {  	s31 =	sshra.s32 s31, $0x2;
	[sflag:s22] =	ssyncset.done $0x0  }
0x48: {  	s1 =	sadd.s32 $0x15000, s31;
	[sflag:s22] =	ssyncadd.s32 $0xFFFFC000  }
0x49: {  	[spmem:s2] =	stream.indirect.scatter.add.f32 [tilespmem:s18], [sflag:$0x3], $0x80, s1, s19, $0xb8;
	[tilespmem:$0x1E400] =	vst v63  }
0x4a: {  	_ =	swait.ge [sflag:s23], $0x4000  }
0x4b: {  	[sflag:s23] =	ssyncset.done $0x0  }
0x4c: {  	s1 =	sadd.s32 $0x15080, s31;
	[sflag:s23] =	ssyncadd.s32 $0xFFFFC000  }
0x4d: {  	[spmem:s2] =	stream.indirect.scatter.add.f32 [tilespmem:s21], [sflag:$0x4], $0x80, s1, s19, $0xb8;
	[tilespmem:$0x1E400] =	vst v63  }
0x4e: {  	_ =	swait.ge [sflag:s24], $0x4000  }
0x4f: {  	[sflag:s24] =	ssyncset.done $0x0  }
.Ltmp0:
0x50: {  	s1 =	sadd.s32 $0x13D00, s31;
	[sflag:s24] =	ssyncadd.s32 $0xFFFFC000;
	(pc) =	sbr.rel @p0 .LBB2_2-.Ltmp0, $4  }
0x51: {  	[tilespmem:s18], [sflag:$0x1] =	stream.indirect.gather [hbm4b:s4+s19], $0x80, s1, s19, $0xb8;
	[tilespmem:$0x1E400] =	vst v63  }
0x52: {  	_ =	swait.ge [sflag:s25], $0x4000  }
0x53: {  	[sflag:s25] =	ssyncset.done $0x0  }
0x54: {  	s31 =	sadd.s32 $0x13D80, s31;
	[sflag:s25] =	ssyncadd.s32 $0xFFFFC000  }
0x55: {  	[tilespmem:s21], [sflag:$0x2] =	stream.indirect.gather [hbm4b:s4+s19], $0x80, s31, s19, $0xb8;
	[tilespmem:$0x1E400] =	vst v63  }
0x56: {  	_ =	swait.ge [sflag:s22], $0x4000  }
0x57: {  	[sflag:s22] =	ssyncset.done $0x0  }
0x58: {  	[sflag:s22] =	ssyncadd.s32 $0xFFFFC000  }
0x59: {  	[spmem:s2] =	stream.indirect.scatter.add.f32 [tilespmem:s18], [sflag:$0x3], $0x80, s26, s19, $0xb8;
	[tilespmem:$0x1E400] =	vst v63  }
0x5a: {  	_ =	swait.ge [sflag:s23], $0x4000  }
0x5b: {  	[sflag:s23] =	ssyncset.done $0x0  }
0x5c: {  	[sflag:s23] =	ssyncadd.s32 $0xFFFFC000  }
0x5d: {  	[spmem:s2] =	stream.indirect.scatter.add.f32 [tilespmem:s21], [sflag:$0x4], $0x80, s28, s19, $0xb8;
	[tilespmem:$0x1E400] =	vst v63  }
0x5e: {  	_ =	swait.ge [sflag:s24], $0x4000  }
0x5f: {  	[sflag:s24] =	ssyncset.done $0x0  }
0x60: {  	[sflag:s24] =	ssyncadd.s32 $0xFFFFC000  }
0x61: {  	_ =	swait.ge [sflag:s25], $0x4000  }
0x62: {  	s1 =	sshll.u32 s0, $0x6;
	s29 =	sadd.s32 $0x1, s29;
	[sflag:s25] =	ssyncset.done $0x0  }
0x63: {  	s30 =	sshrl.u32 s7, $0x3;
	p0 =	sne.s32 s29, s14;
	[sflag:s25] =	ssyncadd.s32 $0xFFFFC000  }
.Ltmp1:
0x64: {  	s1 =	sor.u32 $0x1C05, s1;
	[bflag:$0x0] =	sbarrier.arrive $0xFFFF;
	(pc) =	sbr.rel @p0 .LBB2_1-.Ltmp1, $4  }
0x65: {  	[hbm:s13], [sflag:s1] =	dma.local [spmem:s30], $0x2780  }
0x66: {  	_ =	swait.ge [sflag:s16], $0x2780  }
0x67: {  	[sflag:s16] =	ssyncset.done $0x0  }
0x68: {  	[sflag:s16] =	ssyncadd.s32 $0xFFFFD880  }
0x69: {  	_ =	sfence.sel $0x180000  }
0x6a: {  	[bflag:$0x0] =	sbarrier.arrive $0xFFFF  }
0x6b: {  	_ =	strace $0x9000004A  }
0x6c: {  	[bflag:$0x2] =	sbarrier.arrive $0xFFFF  }
0x6d: {  	p0 =	sne.s32 s0, $0x0;
	s0 =	rddreg [dreg:$0x2]  }
0x6e: {  	s0 =	sadd.s32 @!p0 $0x100000, s0  }
0x6f: {  	[sflag:s0] =	ssyncadd.tile.s32 @!p0 $0x1;
	_ =	shalt  }
.Lfunc_end2:
_tile_overlayer_lowered:
.L_overlay_start_2:
0x70: {  	(tag) =	ssettag $0x2  }
0x71: {  	s0 =	rddreg [dreg:$0x0];
	s2 =	stileid.u32  }
0x72: {  	s1 =	rddreg [dreg:$0x1];
	p0 =	sne.s32 s2, $0x0  }
0x73: {  	s3 =	rddreg [dreg:$0x2];
	[bflag:$0x3] =	sbarrier.arrive $0xFFFF;
	s2 =	simm.s32 @!p0 $0x1C05  }
0x74: {  	[timem:s3], [sflag:s2] =	dma.local @!p0 [hbm:s0], s1  }
0x75: {  	s0 =	simm.s32 @!p0 $0x5  }
0x76: {  	_ =	swait.ge @!p0 [sflag:s0], s1  }
0x77: {  	s1 =	ssub.s32 @!p0 $0x0, s1;
	[sflag:s0] =	ssyncset.done @!p0 $0x0  }
0x78: {  	[sflag:s0] =	ssyncadd.s32 @!p0 s1  }
0x79: {  	[bflag:$0x3] =	sbarrier.arrive $0xFFFF  }
0x7a: {  	_ =	shalt  }

// kernel: kernel.14.cloned.1.call-start
scs
__scs_entry_jumppad:
0x0: {  	(pc) =	sbr.rel $0x88, $3  }
0x1: {  	(tag) =	ssettag $0x0;
	lr =	simm.s32 $0x1  }
0x2: {  	[smem:$0x3F96] =	sst lr;
	_ =	strace $0xD0000000  }
0x3: {  	_ = 	snop  }
0x4: {  	_ = 	snop  }
0x5: {  	_ = 	snop  }
0x6: {  	_ = 	snop  }
0x7: {  	_ = 	snop  }
__scs_overlays_trampoline_lowered:
0x8: {  	[smem:$0x3FA5] =	sst s0  }
0x9: {  	[smem:$0x3FA6] =	sst s1  }
0xa: {  	[smem:$0x3FA7] =	sst s2  }
0xb: {  	[smem:$0x3FA8] =	sst s3  }
0xc: {  	[smem:$0x3FA9] =	sst s4  }
0xd: {  	[smem:$0x3FAA] =	sst s5  }
0xe: {  	[smem:$0x3FAB] =	sst s6  }
0xf: {  	[smem:$0x3FAC] =	sst s7  }
0x10: {  	[smem:$0x3FAD] =	sst s8  }
0x11: {  	[smem:$0x3FAE] =	sst s9;
	s0 =	simm.s32 @!p0 $0x0  }
0x12: {  	s1 =	sld [smem:$0x3F94];
	s0 =	simm.s32 @p0 $0x1  }
0x13: {  	[smem:$0x3FAF] =	sst s0;
	s0 =	simm.s32 @!p1 $0x0  }
0x14: {  	s2 =	sld [smem:$0x3F93];
	s0 =	simm.s32 @p1 $0x1  }
0x15: {  	[smem:$0x3FB0] =	sst s0;
	s0 =	simm.s32 @!p2 $0x0  }
0x16: {  	s3 =	sld [smem:$0x3FDB];
	s0 =	simm.s32 @p2 $0x1  }
0x17: {  	s4 =	simm.s32 $0x1BF5;
	[smem:$0x3FB2] =	sst s0  }
0x18: {  	s0 =	sld [smem:$0x3F95];
	_ =	swait.ge [sflag:s4], $0x0  }
0x19: {  	s7 =	sld [smem:$0x3F96]  }
0x1a: {  	s8 =	sadd.s32 $0xFFFFE003, lr  }
0x1b: {  	s9 =	sadd.s32 $0xFFFFFEF7, lr;
	s5 =	simm.s32 $0xFFFFFFFF;
	p2 =	slt.u32 s8, $0xFFFFF086  }
0x1c: {  	p1 =	slt.u32 s9, $0xF7A;
	s5 =	simm.s32 @!p2 $0x0  }
0x1d: {  	s5 =	simm.s32 @p1 $0x1;
	p0 =	seq.s32 s7, s2  }
0x1e: {  	s7 =	smul.u32 @!p0 $0xF7A, s2;
	p2 =	seq.s32 @!p0 s5, $0x0  }
0x1f: {  	s9 =	smul.u32 $0xF7A, s1;
	s8 =	simm.s32 @!p0 $0x1BF5;
	p2 =	por !p2, p0  }
0x20: {  	[sflag:s8] =	ssyncset.s32 @!p0 $0xFFFFF086;
	s6 =	sadd.s32 @!p0 s3, s7;
	s7 =	simm.s32 @!p0 $0x108  }
0x21: {  	s3 =	sadd.s32 s3, s9;
	s6 =	sadd.s32 @!p0 $0x88, s6;
	s7 =	simm.s32 @p2 $0x1082  }
0x22: {  	[simem:s7], [sflag:s8] =	dma.local @!p0 [hbm:s6], $0xF7A  }
0x23: {  	s9 =	sor.u32 $0xD0000000, s2;
	s6 =	simm.s32 $0x108;
	_ =	swait.ge @!p0 [sflag:s8], $0x0  }
0x24: {  	s3 =	sadd.s32 $0x88, s3;
	s6 =	simm.s32 @!p1 $0x1082;
	[sflag:s4] =	ssyncset.s32 $0xFFFFF086  }
0x25: {  	[simem:s6], [sflag:s4] =	dma.local [hbm:s3], $0xF7A  }
0x26: {  	[smem:$0x3F96] =	sst s1;
	(tag) =	ssettag s2;
	_ =	strace s9  }
0x27: {  	s1 =	sld [smem:$0x3FA6]  }
0x28: {  	s2 =	sld [smem:$0x3FA7]  }
0x29: {  	s4 =	sld [smem:$0x3FA9]  }
0x2a: {  	p0 =	seq.s32 s5, $0x0;
	s5 =	sld [smem:$0x3FAA]  }
0x2b: {  	s6 =	sld [smem:$0x3FAB]  }
0x2c: {  	s7 =	sld [smem:$0x3FAC]  }
0x2d: {  	s3 =	simm.s32 $0x108;
	s8 =	sld [smem:$0x3FAD]  }
0x2e: {  	s3 =	simm.s32 @!p0 $0x1082;
	s9 =	sld [smem:$0x3FAE]  }
0x2f: {  	lr =	sadd.s32 s0, s3;
	s0 =	sld [smem:$0x3FA5]  }
0x30: {  	s3 =	sld [smem:$0x3FA8]  }
0x31: {  	[smem:$0x3FB1] =	sst s10  }
0x32: {  	s10 =	sld [smem:$0x3FAF];
	_ =	sdelay $0x3  }
0x33: {  	p0 =	seq.s32 s10, $0x1;
	s10 =	sld [smem:$0x3FB1];
	_ =	sdelay $0x3  }
0x34: {  	[smem:$0x3FB1] =	sst s10  }
0x35: {  	s10 =	sld [smem:$0x3FB0];
	_ =	sdelay $0x3  }
0x36: {  	p1 =	seq.s32 s10, $0x1;
	s10 =	sld [smem:$0x3FB1];
	_ =	sdelay $0x3  }
0x37: {  	[smem:$0x3FB1] =	sst s10  }
0x38: {  	s10 =	sld [smem:$0x3FB2]  }
0x39: {  	_ = 	snop;
	(pc) =	sbr.ind lr, $3  }
0x3a: {  	_ = 	snop  }
0x3b: {  	_ = 	snop  }
0x3c: {  	p2 =	seq.s32 s10, $0x1;
	s10 =	sld [smem:$0x3FB1]  }
0x3d: {  	_ =	shalt  }
0x3e: {  	_ =	shalt  }
0x3f: {  	_ =	shalt  }
0x40: {  	_ =	shalt  }
0x41: {  	_ =	shalt  }
0x42: {  	_ =	shalt  }
0x43: {  	_ =	shalt  }
0x44: {  	_ =	shalt  }
0x45: {  	_ =	shalt  }
0x46: {  	_ =	shalt  }
0x47: {  	_ =	shalt  }
0x48: {  	_ =	shalt  }
0x49: {  	_ =	shalt  }
0x4a: {  	_ =	shalt  }
0x4b: {  	_ =	shalt  }
0x4c: {  	_ =	shalt  }
0x4d: {  	_ =	shalt  }
0x4e: {  	_ =	shalt  }
0x4f: {  	_ =	shalt  }
0x50: {  	_ =	shalt  }
0x51: {  	_ =	shalt  }
0x52: {  	_ =	shalt  }
0x53: {  	_ =	shalt  }
0x54: {  	_ =	shalt  }
0x55: {  	_ =	shalt  }
0x56: {  	_ =	shalt  }
0x57: {  	_ =	shalt  }
0x58: {  	_ =	shalt  }
0x59: {  	_ =	shalt  }
0x5a: {  	_ =	shalt  }
0x5b: {  	_ =	shalt  }
0x5c: {  	_ =	shalt  }
0x5d: {  	_ =	shalt  }
0x5e: {  	_ =	shalt  }
0x5f: {  	_ =	shalt  }
0x60: {  	_ =	shalt  }
0x61: {  	_ =	shalt  }
0x62: {  	_ =	shalt  }
0x63: {  	_ =	shalt  }
0x64: {  	_ =	shalt  }
0x65: {  	_ =	shalt  }
0x66: {  	_ =	shalt  }
0x67: {  	_ =	shalt  }
0x68: {  	_ =	shalt  }
0x69: {  	_ =	shalt  }
0x6a: {  	_ =	shalt  }
0x6b: {  	_ =	shalt  }
0x6c: {  	_ =	shalt  }
0x6d: {  	_ =	shalt  }
0x6e: {  	_ =	shalt  }
0x6f: {  	_ =	shalt  }
0x70: {  	_ =	shalt  }
0x71: {  	_ =	shalt  }
0x72: {  	_ =	shalt  }
0x73: {  	_ =	shalt  }
0x74: {  	_ =	shalt  }
0x75: {  	_ =	shalt  }
0x76: {  	_ =	shalt  }
0x77: {  	_ =	shalt  }
0x78: {  	_ =	shalt  }
0x79: {  	_ =	shalt  }
0x7a: {  	_ =	shalt  }
0x7b: {  	_ =	shalt  }
0x7c: {  	_ =	shalt  }
0x7d: {  	_ =	shalt  }
0x7e: {  	_ =	shalt  }
0x7f: {  	_ =	shalt  }
0x80: {  	_ =	shalt  }
0x81: {  	_ =	shalt  }
0x82: {  	_ =	shalt  }
0x83: {  	_ =	shalt  }
0x84: {  	_ =	shalt  }
0x85: {  	_ =	shalt  }
0x86: {  	_ =	shalt  }
0x87: {  	_ =	shalt  }
.Lfunc_end0:
.L_simem_size_0:
called_computation.2_lowered:
.L_overlay_start_0:
0x88: {  	s2 =	sld [smem:$0x3FD9]  }
0x89: {  	s3 =	sld [smem:$0x3FFE];
	_ =	sdelay $0x1  }
0x8a: {  	s1 =	srdreg.scid  }
0x8b: {  	s0 =	sand.u32 $0x1, s1  }
0x8c: {  	s16 =	sshll.u32 s0, $0xA;
	s2 =	sadd.s32 s3, s2  }
0x8d: {  	s2 =	sadd.s32 s2, s16  }
0x8e: {  	[smem:$0x3FBD] =	sst s2  }
0x8f: {  	_ = 	snop  }
0x90: {  	(tm) =	ssettm $0x1  }
0x91: {  	s17 =	sld [smem:$0x3FFB];
	_ =	sdelay $0x3  }
0x92: {  	_ =	strace s17  }
0x93: {  	s2 =	sld [smem:$0x3FFC];
	_ =	sdelay $0x3  }
0x94: {  	_ =	strace s2  }
0x95: {  	s2 =	sld [smem:$0x3FFD];
	_ =	sdelay $0x3  }
0x96: {  	_ =	strace s2  }
0x97: {  	_ =	strace $0x8FFFFFFF  }
0x98: {  	s18 =	sld [smem:$0x3FDB];
	_ =	sdelay $0x1  }
0x99: {  	s19 =	simm.s32 $_scs_section_size  }
0x9a: {  	s4 =	simm.s32 $_size__tile_overlayer_lowered;
	s5 =	simm.s32 $_tile_overlayer_lowered  }
0x9b: {  	s22 =	simm.s32 $0x1BFF;
	s21 =	sshll.u32 s5, $0x1;
	s2 =	sadd.s32 s19, s18  }
0x9c: {  	s6 =	simm.s32 $0x0;
	s20 =	sshll.u32 s4, $0x1;
	s4 =	sadd.s32 s21, s2  }
0x9d: {  	[timem:s6], [sflag:s22] =	dma.local [hbm:s4], s20  }
0x9e: {  	_ =	swait.ge [sflag:s22], s20  }
0x9f: {  	s3 =	ssub.s32 $0x0, s20;
	[sflag:s22] =	ssyncset.done $0x0  }
0xa0: {  	[sflag:s22] =	ssyncadd.s32 s3;
	_ =	sdelay $0x1  }
0xa1: {  	s23 =	simm.s32 $0x1B8B  }
0xa2: {  	_ =	swait.ge [sflag:s23], $0x1  }
0xa3: {  	[sflag:s23] =	ssyncset.done $0x0  }
0xa4: {  	s25 =	simm.s32 $0x1B8E;
	s24 =	sld [smem:$0x3FFE];
	[sflag:s23] =	ssyncadd.s32 $0xFFFFFFFF  }
0xa5: {  	s26 =	simm.s32 $execute0_lowered;
	[smem:$0x3FD2] =	sst s25  }
0xa6: {  	s4 =	sshll.u32 s26, $0x1;
	_ =	strace $0x8000004C;
	[dreg:$0x1] =	wrdreg $0xFFFFFFFF  }
0xa7: {  	s28 =	simm.s32 $_size_execute0_lowered;
	s2 =	sadd.s32 s2, s4;
	[dreg:$0x0] =	wrdreg $0x0  }
0xa8: {  	s4 =	sshll.u32 s28, $0x1;
	[dreg:$0x2] =	wrdreg s2  }
0xa9: {  	[dreg:$0x3] =	wrdreg s4  }
0xaa: {  	[dreg:$0x4] =	wrdreg $0xC0  }
0xab: {  	_ =	task [dreg:s6], $0x5FFFF  }
0xac: {  	[dreg:$0x1] =	wrdreg $0xFFFFFFFF  }
0xad: {  	[dreg:$0x0] =	wrdreg $0x60  }
0xae: {  	[dreg:$0x2] =	wrdreg s24  }
0xaf: {  	[dreg:$0x3] =	wrdreg $0x0  }
0xb0: {  	[dreg:$0x4] =	wrdreg $0x9  }
0xb1: {  	_ =	task.clear_ibuf [dreg:s6], $0x5FFFF;
	_ =	strace $0x9000004C  }
0xb2: {  	s29 =	simm.s32 $0x9;
	_ =	strace $0x8000004E  }
0xb3: {  	_ =	swait.ge [sflag:s29], $0x1  }
0xb4: {  	[sflag:s29] =	ssyncadd.s32 $0xFFFFFFFF  }
0xb5: {  	_ =	strace $0x9000004E  }
0xb6: {  	_ =	sfence  }
0xb7: {  	s30 =	sld [smem:$0x0];
	_ =	sdelay $0x2  }
0xb8: {  	s31 =	sshll.u32 s1, $0xD;
	s1 =	sshrl.u32 s1, $0x2  }
0xb9: {  	s3 =	sand.u32 $0x4000, s31;
	s1 =	sadd.s32 s1, s30  }
0xba: {  	s0 =	sor.u32 s3, s0;
	s1 =	sshll.u32 s1, $0x11  }
0xbb: {  	s0 =	sor.u32 s1, s0  }
0xbc: {  	s0 =	sadd.s32 $0x8F2B, s0  }
0xbd: {  	[sflag:s0] =	ssyncadd.remote.s32 $0x1  }
0xbe: {  	_ =	sfence.sel $0xFFFF  }
0xbf: {  	[dreg:$0x0] =	wrdreg $0xFFFFFFFF;
	(pc) =	sbr.abs _section_cstart, $3  }
0xc0: {  	[dreg:$0x1] =	wrdreg $0xFFFFFFFF  }
0xc1: {  	_ =	task.clear_ibuf [dreg:s6], $0x2FFFF;
	_ =	strace $0x9FFFFFFF  }
0xc2: {  	(tm) =	ssettm $0x7FFFFFFF  }
0xc3: {  	_ =	shalt  }
tec
execute0_lowered:
.L_overlay_start_1:
0x0: {  	(tag) =	ssettag $0x1  }
0x1: {  	s0 =	srdreg.scid;
	s7 =	rddreg [dreg:$0x0]  }
0x2: {  	s2 =	rddreg [dreg:$0x1];
	s3 =	simm.s32 $0x0;
	s15 =	simm.s32 $0x13C00  }
0x3: {  	s16 =	simm.s32 $0x5;
	s17 =	simm.s32 $0x15000;
	s18 =	simm.s32 $0x16400  }
0x4: {  	s19 =	simm.s32 $0x80;
	s20 =	simm.s32 $0x13C80;
	s21 =	simm.s32 $0x1A400  }
0x5: {  	s22 =	simm.s32 $0x1;
	s23 =	simm.s32 $0x2;
	s24 =	simm.s32 $0x3  }
0x6: {  	s25 =	simm.s32 $0x4;
	s28 =	simm.s32 $0x16380;
	s6 =	sand.u32 $0x1, s0  }
0x7: {  	s29 =	simm.s32 $0x0;
	s0 =	stileid.u32;
	s8 =	smul.u32 $0x13C000, s6  }
0x8: {  	[smem:$0x7FF] =	sst s3;
	s4 =	sadd.s32 $0x5D600, s7;
	s9 =	smul.u32 $0x13C00, s0  }
0x9: {  	s1 =	sshll.u32 s6, $0x4;
	s26 =	smul.u32 $0x4F000, s0;
	s6 =	ssub.s32 $0x2, s6  }
0xa: {  	_ =	strace $0x8000004D;
	s1 =	sor.u32 s0, s1;
	s30 =	sshrl.u32 s6, $0x1  }
0xb: {  	s5 =	smul.u32 $0x280, s1;
	s8 =	sadd.s32 s9, s8;
	s31 =	sshrl.u32 s26, $0x2  }
0xc: {  	s14 =	ssub.s32 s6, s30;
	s26 =	simm.s32 $0x16300;
	s8 =	sshrl.u32 s8, $0x3  }
0xd: {  	s14 =	smax.u32 s14, $0x1;
	s10 =	sadd.s32 s5, s7;
	s5 =	sadd.s32 $0xD600, s7  }
0xe: {  	s13 =	sadd.s32 s8, s7;
	s7 =	sadd.s32 s31, s2;
	s6 =	sadd.s32 $0x3600, s10  }
0xf: {  	s8 =	sadd.s32 $0x8600, s10;
	s9 =	sadd.s32 $0x4000, s7;
	s10 =	sadd.s32 $0x8000, s7  }
0x10: {  	s11 =	sadd.s32 $0xC000, s7;
	s12 =	sadd.s32 $0x10000, s7;
	s13 =	sadd.s32 $0x84800, s13  }
.LBB2_1:
0x11: {  	[tilespmem:s15], [sflag:$0x5] =	stream.linear.gather [hbm4b:s6+s3], $0x1400, $0x38;
	[tilespmem:$0x1E400] =	vst v63  }
0x12: {  	_ =	swait.ge [sflag:s16], $0x1400  }
0x13: {  	[sflag:s16] =	ssyncset.done $0x0  }
0x14: {  	[sflag:s16] =	ssyncadd.s32 $0xFFFFEC00  }
0x15: {  	[tilespmem:s17], [sflag:$0x5] =	stream.linear.gather [hbm4b:s8+s3], $0x1400, $0x38;
	[tilespmem:$0x1E400] =	vst v63  }
0x16: {  	_ =	swait.ge [sflag:s16], $0x1400  }
0x17: {  	[sflag:s16] =	ssyncset.done $0x0  }
0x18: {  	[sflag:s16] =	ssyncadd.s32 $0xFFFFEC00  }
0x19: {  	[tilespmem:s18], [sflag:$0x5] =	stream.linear.gather [hbm4b:s5+s3], $0x4000, $0x38;
	[tilespmem:$0x1E400] =	vst v63  }
0x1a: {  	_ =	swait.ge [sflag:s16], $0x4000  }
0x1b: {  	[sflag:s16] =	ssyncset.done $0x0  }
0x1c: {  	[sflag:s16] =	ssyncadd.s32 $0xFFFFC000  }
0x1d: {  	[spmem:s7] =	stream.linear.scatter [tilespmem:s18], [sflag:$0x5], $0x4000, $0x38;
	[tilespmem:$0x1E400] =	vst v63  }
0x1e: {  	_ =	swait.ge [sflag:s16], $0x4000  }
0x1f: {  	[sflag:s16] =	ssyncset.done $0x0  }
0x20: {  	[sflag:s16] =	ssyncadd.s32 $0xFFFFC000  }
0x21: {  	[spmem:s9] =	stream.linear.scatter [tilespmem:s18], [sflag:$0x5], $0x4000, $0x38;
	[tilespmem:$0x1E400] =	vst v63  }
0x22: {  	_ =	swait.ge [sflag:s16], $0x4000  }
0x23: {  	[sflag:s16] =	ssyncset.done $0x0  }
0x24: {  	[sflag:s16] =	ssyncadd.s32 $0xFFFFC000  }
0x25: {  	[spmem:s10] =	stream.linear.scatter [tilespmem:s18], [sflag:$0x5], $0x4000, $0x38;
	[tilespmem:$0x1E400] =	vst v63  }
0x26: {  	_ =	swait.ge [sflag:s16], $0x4000  }
0x27: {  	[sflag:s16] =	ssyncset.done $0x0  }
0x28: {  	[sflag:s16] =	ssyncadd.s32 $0xFFFFC000  }
0x29: {  	[spmem:s11] =	stream.linear.scatter [tilespmem:s18], [sflag:$0x5], $0x4000, $0x38;
	[tilespmem:$0x1E400] =	vst v63  }
0x2a: {  	_ =	swait.ge [sflag:s16], $0x4000  }
0x2b: {  	[sflag:s16] =	ssyncset.done $0x0  }
0x2c: {  	[sflag:s16] =	ssyncadd.s32 $0xFFFFC000  }
0x2d: {  	[spmem:s12] =	stream.linear.scatter [tilespmem:s18], [sflag:$0x5], $0x3C00, $0x38;
	[tilespmem:$0x1E400] =	vst v63  }
0x2e: {  	_ =	swait.ge [sflag:s16], $0x3C00  }
0x2f: {  	[sflag:s16] =	ssyncset.done $0x0  }
0x30: {  	[sflag:s16] =	ssyncadd.s32 $0xFFFFC400  }
0x31: {  	[bflag:$0x0] =	sbarrier.arrive $0xFFFF  }
0x32: {  	[tilespmem:s18], [sflag:$0x1] =	stream.indirect.gather [hbm4b:s4+s19], $0x80, s15, s19, $0xb8;
	[tilespmem:$0x1E400] =	vst v63  }
0x33: {  	_ = 	snop  }
0x34: {  	[tilespmem:s21], [sflag:$0x2] =	stream.indirect.gather [hbm4b:s4+s19], $0x80, s20, s19, $0xb8;
	[tilespmem:$0x1E400] =	vst v63  }
0x35: {  	_ =	swait.ge [sflag:s22], $0x4000  }
0x36: {  	[sflag:s22] =	ssyncset.done $0x0  }
0x37: {  	s30 =	simm.s32 $0x15000;
	[sflag:s22] =	ssyncadd.s32 $0xFFFFC000  }
0x38: {  	[spmem:s2] =	stream.indirect.scatter.add.f32 [tilespmem:s18], [sflag:$0x3], $0x80, s30, s19, $0xb8;
	[tilespmem:$0x1E400] =	vst v63  }
0x39: {  	_ =	swait.ge [sflag:s23], $0x4000  }
0x3a: {  	[sflag:s23] =	ssyncset.done $0x0  }
0x3b: {  	s30 =	simm.s32 $0x15080;
	[sflag:s23] =	ssyncadd.s32 $0xFFFFC000  }
0x3c: {  	[spmem:s2] =	stream.indirect.scatter.add.f32 [tilespmem:s21], [sflag:$0x4], $0x80, s30, s19, $0xb8;
	[tilespmem:$0x1E400] =	vst v63  }
0x3d: {  	_ =	swait.ge [sflag:s24], $0x4000  }
0x3e: {  	[sflag:s24] =	ssyncset.done $0x0  }
0x3f: {  	s30 =	simm.s32 $0x13D00;
	[sflag:s24] =	ssyncadd.s32 $0xFFFFC000  }
0x40: {  	[tilespmem:s18], [sflag:$0x1] =	stream.indirect.gather [hbm4b:s4+s19], $0x80, s30, s19, $0xb8;
	[tilespmem:$0x1E400] =	vst v63  }
0x41: {  	_ =	swait.ge [sflag:s25], $0x4000  }
0x42: {  	[sflag:s25] =	ssyncset.done $0x0  }
0x43: {  	s31 =	simm.s32 $0x13D80;
	s30 =	simm.s32 $0x400;
	[sflag:s25] =	ssyncadd.s32 $0xFFFFC000  }
.LBB2_2:
0x44: {  	[tilespmem:s21], [sflag:$0x2] =	stream.indirect.gather [hbm4b:s4+s19], $0x80, s31, s19, $0xb8;
	[tilespmem:$0x1E400] =	vst v63  }
0x45: {  	s31 =	smov.u32 s30  }
0x46: {  	p0 =	sne.s32 s30, $0x4800;
	s30 =	sadd.s32 $0x400, s30;
	_ =	swait.ge [sflag:s22], $0x4000  }
0x47: {  	s31 =	sshra.s32 s31, $0x2;
	[sflag:s22] =	ssyncset.done $0x0  }
0x48: {  	s1 =	sadd.s32 $0x15000, s31;
	[sflag:s22] =	ssyncadd.s32 $0xFFFFC000  }
0x49: {  	[spmem:s2] =	stream.indirect.scatter.add.f32 [tilespmem:s18], [sflag:$0x3], $0x80, s1, s19, $0xb8;
	[tilespmem:$0x1E400] =	vst v63  }
0x4a: {  	_ =	swait.ge [sflag:s23], $0x4000  }
0x4b: {  	[sflag:s23] =	ssyncset.done $0x0  }
0x4c: {  	s1 =	sadd.s32 $0x15080, s31;
	[sflag:s23] =	ssyncadd.s32 $0xFFFFC000  }
0x4d: {  	[spmem:s2] =	stream.indirect.scatter.add.f32 [tilespmem:s21], [sflag:$0x4], $0x80, s1, s19, $0xb8;
	[tilespmem:$0x1E400] =	vst v63  }
0x4e: {  	_ =	swait.ge [sflag:s24], $0x4000  }
0x4f: {  	[sflag:s24] =	ssyncset.done $0x0  }
.Ltmp0:
0x50: {  	s1 =	sadd.s32 $0x13D00, s31;
	[sflag:s24] =	ssyncadd.s32 $0xFFFFC000;
	(pc) =	sbr.rel @p0 .LBB2_2-.Ltmp0, $4  }
0x51: {  	[tilespmem:s18], [sflag:$0x1] =	stream.indirect.gather [hbm4b:s4+s19], $0x80, s1, s19, $0xb8;
	[tilespmem:$0x1E400] =	vst v63  }
0x52: {  	_ =	swait.ge [sflag:s25], $0x4000  }
0x53: {  	[sflag:s25] =	ssyncset.done $0x0  }
0x54: {  	s31 =	sadd.s32 $0x13D80, s31;
	[sflag:s25] =	ssyncadd.s32 $0xFFFFC000  }
0x55: {  	[tilespmem:s21], [sflag:$0x2] =	stream.indirect.gather [hbm4b:s4+s19], $0x80, s31, s19, $0xb8;
	[tilespmem:$0x1E400] =	vst v63  }
0x56: {  	_ =	swait.ge [sflag:s22], $0x4000  }
0x57: {  	[sflag:s22] =	ssyncset.done $0x0  }
0x58: {  	[sflag:s22] =	ssyncadd.s32 $0xFFFFC000  }
0x59: {  	[spmem:s2] =	stream.indirect.scatter.add.f32 [tilespmem:s18], [sflag:$0x3], $0x80, s26, s19, $0xb8;
	[tilespmem:$0x1E400] =	vst v63  }
0x5a: {  	_ =	swait.ge [sflag:s23], $0x4000  }
0x5b: {  	[sflag:s23] =	ssyncset.done $0x0  }
0x5c: {  	[sflag:s23] =	ssyncadd.s32 $0xFFFFC000  }
0x5d: {  	[spmem:s2] =	stream.indirect.scatter.add.f32 [tilespmem:s21], [sflag:$0x4], $0x80, s28, s19, $0xb8;
	[tilespmem:$0x1E400] =	vst v63  }
0x5e: {  	_ =	swait.ge [sflag:s24], $0x4000  }
0x5f: {  	[sflag:s24] =	ssyncset.done $0x0  }
0x60: {  	[sflag:s24] =	ssyncadd.s32 $0xFFFFC000  }
0x61: {  	_ =	swait.ge [sflag:s25], $0x4000  }
0x62: {  	s1 =	sshll.u32 s0, $0x6;
	s29 =	sadd.s32 $0x1, s29;
	[sflag:s25] =	ssyncset.done $0x0  }
0x63: {  	s30 =	sshrl.u32 s7, $0x3;
	p0 =	sne.s32 s29, s14;
	[sflag:s25] =	ssyncadd.s32 $0xFFFFC000  }
.Ltmp1:
0x64: {  	s1 =	sor.u32 $0x1C05, s1;
	[bflag:$0x0] =	sbarrier.arrive $0xFFFF;
	(pc) =	sbr.rel @p0 .LBB2_1-.Ltmp1, $4  }
0x65: {  	[hbm:s13], [sflag:s1] =	dma.local [spmem:s30], $0x2780  }
0x66: {  	_ =	swait.ge [sflag:s16], $0x2780  }
0x67: {  	[sflag:s16] =	ssyncset.done $0x0  }
0x68: {  	[sflag:s16] =	ssyncadd.s32 $0xFFFFD880  }
0x69: {  	_ =	sfence.sel $0x180000  }
0x6a: {  	[bflag:$0x0] =	sbarrier.arrive $0xFFFF  }
0x6b: {  	_ =	strace $0x9000004D  }
0x6c: {  	[bflag:$0x2] =	sbarrier.arrive $0xFFFF  }
0x6d: {  	p0 =	sne.s32 s0, $0x0;
	s0 =	rddreg [dreg:$0x2]  }
0x6e: {  	s0 =	sadd.s32 @!p0 $0x100000, s0  }
0x6f: {  	[sflag:s0] =	ssyncadd.tile.s32 @!p0 $0x1;
	_ =	shalt  }
.Lfunc_end2:
_tile_overlayer_lowered:
.L_overlay_start_2:
0x70: {  	(tag) =	ssettag $0x2  }
0x71: {  	s0 =	rddreg [dreg:$0x0];
	s2 =	stileid.u32  }
0x72: {  	s1 =	rddreg [dreg:$0x1];
	p0 =	sne.s32 s2, $0x0  }
0x73: {  	s3 =	rddreg [dreg:$0x2];
	[bflag:$0x3] =	sbarrier.arrive $0xFFFF;
	s2 =	simm.s32 @!p0 $0x1C05  }
0x74: {  	[timem:s3], [sflag:s2] =	dma.local @!p0 [hbm:s0], s1  }
0x75: {  	s0 =	simm.s32 @!p0 $0x5  }
0x76: {  	_ =	swait.ge @!p0 [sflag:s0], s1  }
0x77: {  	s1 =	ssub.s32 @!p0 $0x0, s1;
	[sflag:s0] =	ssyncset.done @!p0 $0x0  }
0x78: {  	[sflag:s0] =	ssyncadd.s32 @!p0 s1  }
0x79: {  	[bflag:$0x3] =	sbarrier.arrive $0xFFFF  }
0x7a: {  	_ =	shalt  }

// kernel: kernel.8.cloned.1.call-start
scs
__scs_entry_jumppad:
0x0: {  	(pc) =	sbr.rel $0x88, $3  }
0x1: {  	(tag) =	ssettag $0x0;
	lr =	simm.s32 $0x1  }
0x2: {  	[smem:$0x3F96] =	sst lr;
	_ =	strace $0xD0000000  }
0x3: {  	_ = 	snop  }
0x4: {  	_ = 	snop  }
0x5: {  	_ = 	snop  }
0x6: {  	_ = 	snop  }
0x7: {  	_ = 	snop  }
__scs_overlays_trampoline_lowered:
0x8: {  	[smem:$0x3FA5] =	sst s0  }
0x9: {  	[smem:$0x3FA6] =	sst s1  }
0xa: {  	[smem:$0x3FA7] =	sst s2  }
0xb: {  	[smem:$0x3FA8] =	sst s3  }
0xc: {  	[smem:$0x3FA9] =	sst s4  }
0xd: {  	[smem:$0x3FAA] =	sst s5  }
0xe: {  	[smem:$0x3FAB] =	sst s6  }
0xf: {  	[smem:$0x3FAC] =	sst s7  }
0x10: {  	[smem:$0x3FAD] =	sst s8  }
0x11: {  	[smem:$0x3FAE] =	sst s9;
	s0 =	simm.s32 @!p0 $0x0  }
0x12: {  	s1 =	sld [smem:$0x3F94];
	s0 =	simm.s32 @p0 $0x1  }
0x13: {  	[smem:$0x3FAF] =	sst s0;
	s0 =	simm.s32 @!p1 $0x0  }
0x14: {  	s2 =	sld [smem:$0x3F93];
	s0 =	simm.s32 @p1 $0x1  }
0x15: {  	[smem:$0x3FB0] =	sst s0;
	s0 =	simm.s32 @!p2 $0x0  }
0x16: {  	s3 =	sld [smem:$0x3FDB];
	s0 =	simm.s32 @p2 $0x1  }
0x17: {  	s4 =	simm.s32 $0x1BF5;
	[smem:$0x3FB2] =	sst s0  }
0x18: {  	s0 =	sld [smem:$0x3F95];
	_ =	swait.ge [sflag:s4], $0x0  }
0x19: {  	s7 =	sld [smem:$0x3F96]  }
0x1a: {  	s8 =	sadd.s32 $0xFFFFE003, lr  }
0x1b: {  	s9 =	sadd.s32 $0xFFFFFEF7, lr;
	s5 =	simm.s32 $0xFFFFFFFF;
	p2 =	slt.u32 s8, $0xFFFFF086  }
0x1c: {  	p1 =	slt.u32 s9, $0xF7A;
	s5 =	simm.s32 @!p2 $0x0  }
0x1d: {  	s5 =	simm.s32 @p1 $0x1;
	p0 =	seq.s32 s7, s2  }
0x1e: {  	s7 =	smul.u32 @!p0 $0xF7A, s2;
	p2 =	seq.s32 @!p0 s5, $0x0  }
0x1f: {  	s9 =	smul.u32 $0xF7A, s1;
	s8 =	simm.s32 @!p0 $0x1BF5;
	p2 =	por !p2, p0  }
0x20: {  	[sflag:s8] =	ssyncset.s32 @!p0 $0xFFFFF086;
	s6 =	sadd.s32 @!p0 s3, s7;
	s7 =	simm.s32 @!p0 $0x108  }
0x21: {  	s3 =	sadd.s32 s3, s9;
	s6 =	sadd.s32 @!p0 $0x88, s6;
	s7 =	simm.s32 @p2 $0x1082  }
0x22: {  	[simem:s7], [sflag:s8] =	dma.local @!p0 [hbm:s6], $0xF7A  }
0x23: {  	s9 =	sor.u32 $0xD0000000, s2;
	s6 =	simm.s32 $0x108;
	_ =	swait.ge @!p0 [sflag:s8], $0x0  }
0x24: {  	s3 =	sadd.s32 $0x88, s3;
	s6 =	simm.s32 @!p1 $0x1082;
	[sflag:s4] =	ssyncset.s32 $0xFFFFF086  }
0x25: {  	[simem:s6], [sflag:s4] =	dma.local [hbm:s3], $0xF7A  }
0x26: {  	[smem:$0x3F96] =	sst s1;
	(tag) =	ssettag s2;
	_ =	strace s9  }
0x27: {  	s1 =	sld [smem:$0x3FA6]  }
0x28: {  	s2 =	sld [smem:$0x3FA7]  }
0x29: {  	s4 =	sld [smem:$0x3FA9]  }
0x2a: {  	p0 =	seq.s32 s5, $0x0;
	s5 =	sld [smem:$0x3FAA]  }
0x2b: {  	s6 =	sld [smem:$0x3FAB]  }
0x2c: {  	s7 =	sld [smem:$0x3FAC]  }
0x2d: {  	s3 =	simm.s32 $0x108;
	s8 =	sld [smem:$0x3FAD]  }
0x2e: {  	s3 =	simm.s32 @!p0 $0x1082;
	s9 =	sld [smem:$0x3FAE]  }
0x2f: {  	lr =	sadd.s32 s0, s3;
	s0 =	sld [smem:$0x3FA5]  }
0x30: {  	s3 =	sld [smem:$0x3FA8]  }
0x31: {  	[smem:$0x3FB1] =	sst s10  }
0x32: {  	s10 =	sld [smem:$0x3FAF];
	_ =	sdelay $0x3  }
0x33: {  	p0 =	seq.s32 s10, $0x1;
	s10 =	sld [smem:$0x3FB1];
	_ =	sdelay $0x3  }
0x34: {  	[smem:$0x3FB1] =	sst s10  }
0x35: {  	s10 =	sld [smem:$0x3FB0];
	_ =	sdelay $0x3  }
0x36: {  	p1 =	seq.s32 s10, $0x1;
	s10 =	sld [smem:$0x3FB1];
	_ =	sdelay $0x3  }
0x37: {  	[smem:$0x3FB1] =	sst s10  }
0x38: {  	s10 =	sld [smem:$0x3FB2]  }
0x39: {  	_ = 	snop;
	(pc) =	sbr.ind lr, $3  }
0x3a: {  	_ = 	snop  }
0x3b: {  	_ = 	snop  }
0x3c: {  	p2 =	seq.s32 s10, $0x1;
	s10 =	sld [smem:$0x3FB1]  }
0x3d: {  	_ =	shalt  }
0x3e: {  	_ =	shalt  }
0x3f: {  	_ =	shalt  }
0x40: {  	_ =	shalt  }
0x41: {  	_ =	shalt  }
0x42: {  	_ =	shalt  }
0x43: {  	_ =	shalt  }
0x44: {  	_ =	shalt  }
0x45: {  	_ =	shalt  }
0x46: {  	_ =	shalt  }
0x47: {  	_ =	shalt  }
0x48: {  	_ =	shalt  }
0x49: {  	_ =	shalt  }
0x4a: {  	_ =	shalt  }
0x4b: {  	_ =	shalt  }
0x4c: {  	_ =	shalt  }
0x4d: {  	_ =	shalt  }
0x4e: {  	_ =	shalt  }
0x4f: {  	_ =	shalt  }
0x50: {  	_ =	shalt  }
0x51: {  	_ =	shalt  }
0x52: {  	_ =	shalt  }
0x53: {  	_ =	shalt  }
0x54: {  	_ =	shalt  }
0x55: {  	_ =	shalt  }
0x56: {  	_ =	shalt  }
0x57: {  	_ =	shalt  }
0x58: {  	_ =	shalt  }
0x59: {  	_ =	shalt  }
0x5a: {  	_ =	shalt  }
0x5b: {  	_ =	shalt  }
0x5c: {  	_ =	shalt  }
0x5d: {  	_ =	shalt  }
0x5e: {  	_ =	shalt  }
0x5f: {  	_ =	shalt  }
0x60: {  	_ =	shalt  }
0x61: {  	_ =	shalt  }
0x62: {  	_ =	shalt  }
0x63: {  	_ =	shalt  }
0x64: {  	_ =	shalt  }
0x65: {  	_ =	shalt  }
0x66: {  	_ =	shalt  }
0x67: {  	_ =	shalt  }
0x68: {  	_ =	shalt  }
0x69: {  	_ =	shalt  }
0x6a: {  	_ =	shalt  }
0x6b: {  	_ =	shalt  }
0x6c: {  	_ =	shalt  }
0x6d: {  	_ =	shalt  }
0x6e: {  	_ =	shalt  }
0x6f: {  	_ =	shalt  }
0x70: {  	_ =	shalt  }
0x71: {  	_ =	shalt  }
0x72: {  	_ =	shalt  }
0x73: {  	_ =	shalt  }
0x74: {  	_ =	shalt  }
0x75: {  	_ =	shalt  }
0x76: {  	_ =	shalt  }
0x77: {  	_ =	shalt  }
0x78: {  	_ =	shalt  }
0x79: {  	_ =	shalt  }
0x7a: {  	_ =	shalt  }
0x7b: {  	_ =	shalt  }
0x7c: {  	_ =	shalt  }
0x7d: {  	_ =	shalt  }
0x7e: {  	_ =	shalt  }
0x7f: {  	_ =	shalt  }
0x80: {  	_ =	shalt  }
0x81: {  	_ =	shalt  }
0x82: {  	_ =	shalt  }
0x83: {  	_ =	shalt  }
0x84: {  	_ =	shalt  }
0x85: {  	_ =	shalt  }
0x86: {  	_ =	shalt  }
0x87: {  	_ =	shalt  }
.Lfunc_end0:
.L_simem_size_0:
called_computation_lowered:
.L_overlay_start_0:
0x88: {  	s2 =	sld [smem:$0x3FD9]  }
0x89: {  	s3 =	sld [smem:$0x3FFE];
	_ =	sdelay $0x1  }
0x8a: {  	s1 =	srdreg.scid  }
0x8b: {  	s0 =	sand.u32 $0x1, s1  }
0x8c: {  	s16 =	sshll.u32 s0, $0xA;
	s2 =	sadd.s32 s3, s2  }
0x8d: {  	s2 =	sadd.s32 s2, s16  }
0x8e: {  	[smem:$0x3FBD] =	sst s2  }
0x8f: {  	_ = 	snop  }
0x90: {  	(tm) =	ssettm $0x1  }
0x91: {  	s17 =	sld [smem:$0x3FFB];
	_ =	sdelay $0x3  }
0x92: {  	_ =	strace s17  }
0x93: {  	s2 =	sld [smem:$0x3FFC];
	_ =	sdelay $0x3  }
0x94: {  	_ =	strace s2  }
0x95: {  	s2 =	sld [smem:$0x3FFD];
	_ =	sdelay $0x3  }
0x96: {  	_ =	strace s2  }
0x97: {  	_ =	strace $0x8FFFFFFF  }
0x98: {  	s18 =	sld [smem:$0x3FDB];
	_ =	sdelay $0x1  }
0x99: {  	s19 =	simm.s32 $_scs_section_size  }
0x9a: {  	s4 =	simm.s32 $_size__tile_overlayer_lowered;
	s5 =	simm.s32 $_tile_overlayer_lowered  }
0x9b: {  	s22 =	simm.s32 $0x1BFF;
	s21 =	sshll.u32 s5, $0x1;
	s2 =	sadd.s32 s19, s18  }
0x9c: {  	s6 =	simm.s32 $0x0;
	s20 =	sshll.u32 s4, $0x1;
	s4 =	sadd.s32 s21, s2  }
0x9d: {  	[timem:s6], [sflag:s22] =	dma.local [hbm:s4], s20  }
0x9e: {  	_ =	swait.ge [sflag:s22], s20  }
0x9f: {  	s3 =	ssub.s32 $0x0, s20;
	[sflag:s22] =	ssyncset.done $0x0  }
0xa0: {  	[sflag:s22] =	ssyncadd.s32 s3;
	_ =	sdelay $0x1  }
0xa1: {  	s23 =	simm.s32 $0x1B8B  }
0xa2: {  	_ =	swait.ge [sflag:s23], $0x1  }
0xa3: {  	[sflag:s23] =	ssyncset.done $0x0  }
0xa4: {  	s25 =	simm.s32 $0x1B8E;
	s24 =	sld [smem:$0x3FFE];
	[sflag:s23] =	ssyncadd.s32 $0xFFFFFFFF  }
0xa5: {  	s26 =	simm.s32 $execute0_lowered;
	[smem:$0x3FD2] =	sst s25  }
0xa6: {  	s4 =	sshll.u32 s26, $0x1;
	_ =	strace $0x80000046;
	[dreg:$0x1] =	wrdreg $0xFFFFFFFF  }
0xa7: {  	s28 =	simm.s32 $_size_execute0_lowered;
	s2 =	sadd.s32 s2, s4;
	[dreg:$0x0] =	wrdreg $0x0  }
0xa8: {  	s4 =	sshll.u32 s28, $0x1;
	[dreg:$0x2] =	wrdreg s2  }
0xa9: {  	[dreg:$0x3] =	wrdreg s4  }
0xaa: {  	[dreg:$0x4] =	wrdreg $0xC0  }
0xab: {  	_ =	task [dreg:s6], $0x5FFFF  }
0xac: {  	[dreg:$0x1] =	wrdreg $0xFFFFFFFF  }
0xad: {  	[dreg:$0x0] =	wrdreg $0x60  }
0xae: {  	[dreg:$0x2] =	wrdreg s24  }
0xaf: {  	[dreg:$0x3] =	wrdreg $0x0  }
0xb0: {  	[dreg:$0x4] =	wrdreg $0x9  }
0xb1: {  	_ =	task.clear_ibuf [dreg:s6], $0x5FFFF;
	_ =	strace $0x90000046  }
0xb2: {  	s29 =	simm.s32 $0x9;
	_ =	strace $0x80000048  }
0xb3: {  	_ =	swait.ge [sflag:s29], $0x1  }
0xb4: {  	[sflag:s29] =	ssyncadd.s32 $0xFFFFFFFF  }
0xb5: {  	_ =	strace $0x90000048  }
0xb6: {  	_ =	sfence  }
0xb7: {  	s30 =	sld [smem:$0x0];
	_ =	sdelay $0x2  }
0xb8: {  	s31 =	sshll.u32 s1, $0xD;
	s1 =	sshrl.u32 s1, $0x2  }
0xb9: {  	s3 =	sand.u32 $0x4000, s31;
	s1 =	sadd.s32 s1, s30  }
0xba: {  	s0 =	sor.u32 s3, s0;
	s1 =	sshll.u32 s1, $0x11  }
0xbb: {  	s0 =	sor.u32 s1, s0  }
0xbc: {  	s0 =	sadd.s32 $0x8F2B, s0  }
0xbd: {  	[sflag:s0] =	ssyncadd.remote.s32 $0x1  }
0xbe: {  	_ =	sfence.sel $0xFFFF  }
0xbf: {  	[dreg:$0x0] =	wrdreg $0xFFFFFFFF;
	(pc) =	sbr.abs _section_cstart, $3  }
0xc0: {  	[dreg:$0x1] =	wrdreg $0xFFFFFFFF  }
0xc1: {  	_ =	task.clear_ibuf [dreg:s6], $0x2FFFF;
	_ =	strace $0x9FFFFFFF  }
0xc2: {  	(tm) =	ssettm $0x7FFFFFFF  }
0xc3: {  	_ =	shalt  }
tec
execute0_lowered:
.L_overlay_start_1:
0x0: {  	(tag) =	ssettag $0x1  }
0x1: {  	s4 =	rddreg [dreg:$0x0]  }
0x2: {  	s2 =	rddreg [dreg:$0x1]  }
0x3: {  	s28 =	rddreg [dreg:$0x2];
	s24 =	simm.s32 $0x0  }
0x4: {  	[smem:$0x7FF] =	sst s24;
	s6 =	sadd.s32 $0xDE00, s4  }
0x5: {  	s17 =	sadd.s32 $0xD600, s4;
	_ =	strace $0x80000047;
	[dreg:$0x3] =	wrdreg s6  }
0x6: {  	s22 =	simm.s32 $0x13C80;
	[dreg:$0x4] =	wrdreg s17  }
0x7: {  	s23 =	simm.s32 $0x13D00;
	[dreg:$0xb] =	wrdreg s22  }
0x8: {  	s25 =	simm.s32 $0x13D80;
	[dreg:$0xc] =	wrdreg s23  }
0x9: {  	s0 =	srdreg.scid;
	s26 =	simm.s32 $0x13E00;
	[dreg:$0xd] =	wrdreg s25  }
0xa: {  	s1 =	stileid.u32;
	s29 =	simm.s32 $0x13E80;
	[dreg:$0xe] =	wrdreg s26  }
0xb: {  	s5 =	sand.u32 $0x1, s0;
	s0 =	simm.s32 $0x13F00;
	[dreg:$0xf] =	wrdreg s29  }
0xc: {  	s10 =	simm.s32 $0x14180;
	s11 =	simm.s32 $0x14200;
	[dreg:$0x10] =	wrdreg s0  }
0xd: {  	s12 =	simm.s32 $0x14280;
	s13 =	simm.s32 $0x14300;
	[dreg:$0x15] =	wrdreg s10  }
0xe: {  	s15 =	simm.s32 $0x14380;
	s16 =	simm.s32 $0x14400;
	[dreg:$0x16] =	wrdreg s11  }
0xf: {  	p0 =	por $0x0, $0x0;
	s7 =	smul.u32 $0x4F000, s1;
	[dreg:$0x17] =	wrdreg s12  }
0x10: {  	s8 =	smul.u32 $0x13C00, s1;
	s3 =	sshll.u32 s5, $0x4;
	[dreg:$0x18] =	wrdreg s13  }
0x11: {  	s18 =	smul.u32 $0x13C000, s5;
	s5 =	ssub.s32 $0x2, s5;
	[dreg:$0x19] =	wrdreg s15  }
0x12: {  	[dreg:$0x1a] =	wrdreg s16;
	s17 =	simm.s32 $0x14480;
	s25 =	simm.s32 $0x13C00  }
0x13: {  	s26 =	simm.s32 $0x19000;
	s22 =	simm.s32 $0x14700;
	s23 =	simm.s32 $0x14780  }
0x14: {  	s10 =	simm.s32 $0x14800;
	s12 =	simm.s32 $0x14880;
	[dreg:$0x1b] =	wrdreg s17  }
0x15: {  	s29 =	simm.s32 $0x14900;
	s16 =	simm.s32 $0x14D00;
	[smem:$0x7F9] =	sst s22  }
0x16: {  	s15 =	simm.s32 $0x14D80;
	s13 =	simm.s32 $0x14F00;
	[smem:$0x7FA] =	sst s23  }
0x17: {  	s3 =	sor.u32 s1, s3;
	s7 =	sshrl.u32 s7, $0x2;
	[smem:$0x7FB] =	sst s10  }
0x18: {  	s14 =	sshrl.u32 s5, $0x1;
	s10 =	simm.s32 $0x4;
	[smem:$0x7FC] =	sst s12  }
0x19: {  	[smem:$0x7FD] =	sst s29;
	s23 =	simm.s32 $0x14980;
	s22 =	simm.s32 $0x14A00  }
0x1a: {  	s17 =	simm.s32 $0x14C80;
	s6 =	sadd.s32 s8, s18;
	s8 =	simm.s32 $0x14080  }
0x1b: {  	s3 =	smul.u32 $0x280, s3;
	s18 =	simm.s32 $0x14500;
	[dreg:$0x13] =	wrdreg s8  }
0x1c: {  	s12 =	simm.s32 $0x14E80;
	s6 =	sshrl.u32 s6, $0x3;
	[dreg:$0x1c] =	wrdreg s18  }
0x1d: {  	s3 =	sadd.s32 s3, s4;
	s4 =	sadd.s32 s6, s4;
	s6 =	simm.s32 $0x13F80  }
0x1e: {  	s5 =	ssub.s32 s5, s14;
	s9 =	sadd.s32 $0x8600, s3;
	[dreg:$0x11] =	wrdreg s6  }
0x1f: {  	s3 =	sadd.s32 s7, s2;
	s4 =	sadd.s32 $0xE600, s4;
	[dreg:$0x5] =	wrdreg s9  }
0x20: {  	s14 =	simm.s32 $0x14E00;
	s7 =	sadd.s32 $0x4000, s3;
	[dreg:$0xa] =	wrdreg s4  }
0x21: {  	s11 =	smax.u32 s5, $0x1;
	s19 =	sadd.s32 $0x8000, s3;
	[dreg:$0x6] =	wrdreg s7  }
0x22: {  	s5 =	simm.s32 $0x15000;
	s20 =	sadd.s32 $0xC000, s3;
	[dreg:$0x7] =	wrdreg s19  }
0x23: {  	s8 =	simm.s32 $0x2;
	s21 =	sadd.s32 $0x10000, s3;
	[dreg:$0x8] =	wrdreg s20  }
0x24: {  	s18 =	simm.s32 $0x14C00;
	s9 =	simm.s32 $0x14100;
	[dreg:$0x9] =	wrdreg s21  }
0x25: {  	p1 =	sne.s32 s11, $0x1;
	s30 =	sadd.s32 $0xFFFFFFFF, s11;
	[dreg:$0x14] =	wrdreg s9  }
0x26: {  	s11 =	simm.s32 $0x14F80;
	s7 =	simm.s32 $0x14000;
	s31 =	rddreg [dreg:$0x5]  }
.Ltmp0:
0x27: {  	s19 =	simm.s32 $0x14580;
	[dreg:$0x12] =	wrdreg s7;
	(pc) =	sbr.rel @!p1 .LBB2_5-.Ltmp0, $4  }
0x28: {  	s6 =	simm.s32 $0x80;
	s20 =	simm.s32 $0x14600;
	[dreg:$0x1d] =	wrdreg s19  }
0x29: {  	s4 =	simm.s32 $0x5;
	s21 =	simm.s32 $0x14680;
	[dreg:$0x1e] =	wrdreg s20  }
0x2a: {  	s9 =	simm.s32 $0x3;
	[dreg:$0x1f] =	wrdreg s21;
	s7 =	simm.s32 $0x1  }
0x2b: {  	s21 =	simm.s32 $0x14A80;
	s20 =	simm.s32 $0x14B00;
	s19 =	simm.s32 $0x14B80  }
0x2c: {  	[tilespmem:s25], [sflag:$0x5] =	stream.linear.gather [hbm4b:s31+s24], $0x1400, $0x38;
	[tilespmem:$0x1D000] =	vst v63  }
0x2d: {  	_ =	swait.ge [sflag:s4], $0x1400  }
0x2e: {  	[sflag:s4] =	ssyncset.done $0x0  }
0x2f: {  	s28 =	rddreg [dreg:$0x3];
	[sflag:s4] =	ssyncadd.s32 $0xFFFFEC00  }
0x30: {  	[tilespmem:s5], [sflag:$0x5] =	stream.linear.gather [hbm4b:s28+s24], $0x4000, $0x38;
	[tilespmem:$0x1D000] =	vst v63  }
0x31: {  	_ =	swait.ge [sflag:s4], $0x4000  }
0x32: {  	[sflag:s4] =	ssyncset.done $0x0  }
0x33: {  	s28 =	rddreg [dreg:$0x4];
	[sflag:s4] =	ssyncadd.s32 $0xFFFFC000  }
0x34: {  	[tilespmem:s26], [sflag:$0x5] =	stream.linear.gather [hbm4b:s28+s24], $0x4000, $0x38;
	[tilespmem:$0x1D000] =	vst v63  }
0x35: {  	_ =	swait.ge [sflag:s4], $0x4000  }
0x36: {  	[sflag:s4] =	ssyncset.done $0x0  }
0x37: {  	[sflag:s4] =	ssyncadd.s32 $0xFFFFC000  }
0x38: {  	[spmem:s3] =	stream.linear.scatter [tilespmem:s26], [sflag:$0x5], $0x4000, $0x38;
	[tilespmem:$0x1D000] =	vst v63  }
0x39: {  	_ =	swait.ge [sflag:s4], $0x4000  }
0x3a: {  	[sflag:s4] =	ssyncset.done $0x0  }
0x3b: {  	s28 =	rddreg [dreg:$0x6];
	[sflag:s4] =	ssyncadd.s32 $0xFFFFC000  }
0x3c: {  	[spmem:s28] =	stream.linear.scatter [tilespmem:s26], [sflag:$0x5], $0x4000, $0x38;
	[tilespmem:$0x1D000] =	vst v63  }
0x3d: {  	_ =	swait.ge [sflag:s4], $0x4000  }
0x3e: {  	[sflag:s4] =	ssyncset.done $0x0  }
0x3f: {  	s28 =	rddreg [dreg:$0x7];
	[sflag:s4] =	ssyncadd.s32 $0xFFFFC000  }
0x40: {  	[spmem:s28] =	stream.linear.scatter [tilespmem:s26], [sflag:$0x5], $0x4000, $0x38;
	[tilespmem:$0x1D000] =	vst v63  }
0x41: {  	_ =	swait.ge [sflag:s4], $0x4000  }
0x42: {  	[sflag:s4] =	ssyncset.done $0x0  }
0x43: {  	s28 =	rddreg [dreg:$0x8];
	[sflag:s4] =	ssyncadd.s32 $0xFFFFC000  }
0x44: {  	[spmem:s28] =	stream.linear.scatter [tilespmem:s26], [sflag:$0x5], $0x4000, $0x38;
	[tilespmem:$0x1D000] =	vst v63  }
0x45: {  	_ =	swait.ge [sflag:s4], $0x4000  }
0x46: {  	[sflag:s4] =	ssyncset.done $0x0  }
0x47: {  	s28 =	rddreg [dreg:$0x9];
	[sflag:s4] =	ssyncadd.s32 $0xFFFFC000  }
0x48: {  	[spmem:s28] =	stream.linear.scatter [tilespmem:s26], [sflag:$0x5], $0x3C00, $0x38;
	[tilespmem:$0x1D000] =	vst v63  }
0x49: {  	_ =	swait.ge [sflag:s4], $0x3C00  }
0x4a: {  	[sflag:s4] =	ssyncset.done $0x0  }
0x4b: {  	[sflag:s4] =	ssyncadd.s32 $0xFFFFC400  }
0x4c: {  	[bflag:$0x0] =	sbarrier.arrive $0xFFFF  }
0x4d: {  	[spmem:s2] =	stream.indirect.scatter.add.f32 [tilespmem:s5], [sflag:$0x1], $0x80, s25, s6, $0xb8;
	[tilespmem:$0x1D000] =	vst v63  }
0x4e: {  	s28 =	rddreg [dreg:$0xb]  }
0x4f: {  	[spmem:s2] =	stream.indirect.scatter.add.f32 [tilespmem:s5], [sflag:$0x2], $0x80, s28, s6, $0xb8;
	[tilespmem:$0x1D000] =	vst v63  }
0x50: {  	s29 =	rddreg [dreg:$0xc]  }
0x51: {  	[spmem:s2] =	stream.indirect.scatter.add.f32 [tilespmem:s5], [sflag:$0x3], $0x80, s29, s6, $0xb8;
	[tilespmem:$0x1D000] =	vst v63  }
0x52: {  	s28 =	rddreg [dreg:$0xd]  }
0x53: {  	[spmem:s2] =	stream.indirect.scatter.add.f32 [tilespmem:s5], [sflag:$0x4], $0x80, s28, s6, $0xb8;
	[tilespmem:$0x1D000] =	vst v63  }
0x54: {  	_ =	swait.ge [sflag:s7], $0x4000  }
0x55: {  	[sflag:s7] =	ssyncset.done $0x0  }
0x56: {  	s28 =	rddreg [dreg:$0xe];
	[sflag:s7] =	ssyncadd.s32 $0xFFFFC000  }
0x57: {  	[spmem:s2] =	stream.indirect.scatter.add.f32 [tilespmem:s5], [sflag:$0x1], $0x80, s28, s6, $0xb8;
	[tilespmem:$0x1D000] =	vst v63  }
0x58: {  	_ =	swait.ge [sflag:s8], $0x4000  }
0x59: {  	[sflag:s8] =	ssyncset.done $0x0  }
0x5a: {  	s28 =	rddreg [dreg:$0xf];
	[sflag:s8] =	ssyncadd.s32 $0xFFFFC000  }
0x5b: {  	[spmem:s2] =	stream.indirect.scatter.add.f32 [tilespmem:s5], [sflag:$0x2], $0x80, s28, s6, $0xb8;
	[tilespmem:$0x1D000] =	vst v63  }
0x5c: {  	_ =	swait.ge [sflag:s9], $0x4000  }
0x5d: {  	[sflag:s9] =	ssyncset.done $0x0  }
0x5e: {  	s28 =	rddreg [dreg:$0x10];
	[sflag:s9] =	ssyncadd.s32 $0xFFFFC000  }
0x5f: {  	[spmem:s2] =	stream.indirect.scatter.add.f32 [tilespmem:s5], [sflag:$0x3], $0x80, s28, s6, $0xb8;
	[tilespmem:$0x1D000] =	vst v63  }
0x60: {  	_ =	swait.ge [sflag:s10], $0x4000  }
0x61: {  	[sflag:s10] =	ssyncset.done $0x0  }
0x62: {  	s28 =	rddreg [dreg:$0x11];
	[sflag:s10] =	ssyncadd.s32 $0xFFFFC000  }
0x63: {  	[spmem:s2] =	stream.indirect.scatter.add.f32 [tilespmem:s5], [sflag:$0x4], $0x80, s28, s6, $0xb8;
	[tilespmem:$0x1D000] =	vst v63  }
0x64: {  	_ =	swait.ge [sflag:s7], $0x4000  }
0x65: {  	[sflag:s7] =	ssyncset.done $0x0  }
0x66: {  	s28 =	rddreg [dreg:$0x12];
	[sflag:s7] =	ssyncadd.s32 $0xFFFFC000  }
0x67: {  	[spmem:s2] =	stream.indirect.scatter.add.f32 [tilespmem:s5], [sflag:$0x1], $0x80, s28, s6, $0xb8;
	[tilespmem:$0x1D000] =	vst v63  }
0x68: {  	_ =	swait.ge [sflag:s8], $0x4000  }
0x69: {  	[sflag:s8] =	ssyncset.done $0x0  }
0x6a: {  	s28 =	rddreg [dreg:$0x13];
	[sflag:s8] =	ssyncadd.s32 $0xFFFFC000  }
0x6b: {  	[spmem:s2] =	stream.indirect.scatter.add.f32 [tilespmem:s5], [sflag:$0x2], $0x80, s28, s6, $0xb8;
	[tilespmem:$0x1D000] =	vst v63  }
0x6c: {  	_ =	swait.ge [sflag:s9], $0x4000  }
0x6d: {  	[sflag:s9] =	ssyncset.done $0x0  }
0x6e: {  	s28 =	rddreg [dreg:$0x14];
	[sflag:s9] =	ssyncadd.s32 $0xFFFFC000  }
0x6f: {  	[spmem:s2] =	stream.indirect.scatter.add.f32 [tilespmem:s5], [sflag:$0x3], $0x80, s28, s6, $0xb8;
	[tilespmem:$0x1D000] =	vst v63  }
0x70: {  	_ =	swait.ge [sflag:s10], $0x4000  }
0x71: {  	[sflag:s10] =	ssyncset.done $0x0  }
0x72: {  	s28 =	rddreg [dreg:$0x15];
	[sflag:s10] =	ssyncadd.s32 $0xFFFFC000  }
0x73: {  	[spmem:s2] =	stream.indirect.scatter.add.f32 [tilespmem:s5], [sflag:$0x4], $0x80, s28, s6, $0xb8;
	[tilespmem:$0x1D000] =	vst v63  }
0x74: {  	_ =	swait.ge [sflag:s7], $0x4000  }
0x75: {  	[sflag:s7] =	ssyncset.done $0x0  }
0x76: {  	s28 =	rddreg [dreg:$0x16];
	[sflag:s7] =	ssyncadd.s32 $0xFFFFC000  }
0x77: {  	[spmem:s2] =	stream.indirect.scatter.add.f32 [tilespmem:s5], [sflag:$0x1], $0x80, s28, s6, $0xb8;
	[tilespmem:$0x1D000] =	vst v63  }
0x78: {  	_ =	swait.ge [sflag:s8], $0x4000  }
0x79: {  	[sflag:s8] =	ssyncset.done $0x0  }
0x7a: {  	s28 =	rddreg [dreg:$0x17];
	[sflag:s8] =	ssyncadd.s32 $0xFFFFC000  }
0x7b: {  	[spmem:s2] =	stream.indirect.scatter.add.f32 [tilespmem:s5], [sflag:$0x2], $0x80, s28, s6, $0xb8;
	[tilespmem:$0x1D000] =	vst v63  }
0x7c: {  	_ =	swait.ge [sflag:s9], $0x4000  }
0x7d: {  	[sflag:s9] =	ssyncset.done $0x0  }
0x7e: {  	s28 =	rddreg [dreg:$0x18];
	[sflag:s9] =	ssyncadd.s32 $0xFFFFC000  }
0x7f: {  	[spmem:s2] =	stream.indirect.scatter.add.f32 [tilespmem:s5], [sflag:$0x3], $0x80, s28, s6, $0xb8;
	[tilespmem:$0x1D000] =	vst v63  }
0x80: {  	_ =	swait.ge [sflag:s10], $0x4000  }
0x81: {  	[sflag:s10] =	ssyncset.done $0x0  }
0x82: {  	s28 =	rddreg [dreg:$0x19];
	[sflag:s10] =	ssyncadd.s32 $0xFFFFC000  }
0x83: {  	[spmem:s2] =	stream.indirect.scatter.add.f32 [tilespmem:s5], [sflag:$0x4], $0x80, s28, s6, $0xb8;
	[tilespmem:$0x1D000] =	vst v63  }
0x84: {  	_ =	swait.ge [sflag:s7], $0x4000  }
0x85: {  	[sflag:s7] =	ssyncset.done $0x0  }
0x86: {  	s28 =	rddreg [dreg:$0x1a];
	[sflag:s7] =	ssyncadd.s32 $0xFFFFC000  }
0x87: {  	[spmem:s2] =	stream.indirect.scatter.add.f32 [tilespmem:s5], [sflag:$0x1], $0x80, s28, s6, $0xb8;
	[tilespmem:$0x1D000] =	vst v63  }
0x88: {  	_ =	swait.ge [sflag:s8], $0x4000  }
0x89: {  	[sflag:s8] =	ssyncset.done $0x0  }
0x8a: {  	s28 =	rddreg [dreg:$0x1b];
	[sflag:s8] =	ssyncadd.s32 $0xFFFFC000  }
0x8b: {  	[spmem:s2] =	stream.indirect.scatter.add.f32 [tilespmem:s5], [sflag:$0x2], $0x80, s28, s6, $0xb8;
	[tilespmem:$0x1D000] =	vst v63  }
0x8c: {  	_ =	swait.ge [sflag:s9], $0x4000  }
0x8d: {  	[sflag:s9] =	ssyncset.done $0x0  }
0x8e: {  	s28 =	rddreg [dreg:$0x1c];
	[sflag:s9] =	ssyncadd.s32 $0xFFFFC000  }
0x8f: {  	[spmem:s2] =	stream.indirect.scatter.add.f32 [tilespmem:s5], [sflag:$0x3], $0x80, s28, s6, $0xb8;
	[tilespmem:$0x1D000] =	vst v63  }
0x90: {  	_ =	swait.ge [sflag:s10], $0x4000  }
0x91: {  	[sflag:s10] =	ssyncset.done $0x0  }
0x92: {  	s28 =	rddreg [dreg:$0x1d];
	[sflag:s10] =	ssyncadd.s32 $0xFFFFC000  }
0x93: {  	[spmem:s2] =	stream.indirect.scatter.add.f32 [tilespmem:s5], [sflag:$0x4], $0x80, s28, s6, $0xb8;
	[tilespmem:$0x1D000] =	vst v63  }
0x94: {  	_ =	swait.ge [sflag:s7], $0x4000  }
0x95: {  	[sflag:s7] =	ssyncset.done $0x0  }
0x96: {  	s28 =	rddreg [dreg:$0x1e];
	[sflag:s7] =	ssyncadd.s32 $0xFFFFC000  }
0x97: {  	[spmem:s2] =	stream.indirect.scatter.add.f32 [tilespmem:s5], [sflag:$0x1], $0x80, s28, s6, $0xb8;
	[tilespmem:$0x1D000] =	vst v63  }
0x98: {  	_ =	swait.ge [sflag:s8], $0x4000  }
0x99: {  	[sflag:s8] =	ssyncset.done $0x0  }
0x9a: {  	s28 =	rddreg [dreg:$0x1f];
	[sflag:s8] =	ssyncadd.s32 $0xFFFFC000  }
0x9b: {  	[spmem:s2] =	stream.indirect.scatter.add.f32 [tilespmem:s5], [sflag:$0x2], $0x80, s28, s6, $0xb8;
	[tilespmem:$0x1D000] =	vst v63  }
0x9c: {  	_ =	swait.ge [sflag:s9], $0x4000  }
0x9d: {  	s28 =	sld [smem:$0x7F9]  }
0x9e: {  	[sflag:s9] =	ssyncset.done $0x0  }
0x9f: {  	[sflag:s9] =	ssyncadd.s32 $0xFFFFC000  }
0xa0: {  	[spmem:s2] =	stream.indirect.scatter.add.f32 [tilespmem:s5], [sflag:$0x3], $0x80, s28, s6, $0xb8;
	[tilespmem:$0x1D000] =	vst v63  }
0xa1: {  	_ =	swait.ge [sflag:s10], $0x4000  }
0xa2: {  	s28 =	sld [smem:$0x7FA]  }
0xa3: {  	[sflag:s10] =	ssyncset.done $0x0  }
0xa4: {  	[sflag:s10] =	ssyncadd.s32 $0xFFFFC000  }
0xa5: {  	[spmem:s2] =	stream.indirect.scatter.add.f32 [tilespmem:s5], [sflag:$0x4], $0x80, s28, s6, $0xb8;
	[tilespmem:$0x1D000] =	vst v63  }
0xa6: {  	_ =	swait.ge [sflag:s7], $0x4000  }
0xa7: {  	s28 =	sld [smem:$0x7FB]  }
0xa8: {  	[sflag:s7] =	ssyncset.done $0x0  }
0xa9: {  	[sflag:s7] =	ssyncadd.s32 $0xFFFFC000  }
0xaa: {  	[spmem:s2] =	stream.indirect.scatter.add.f32 [tilespmem:s5], [sflag:$0x1], $0x80, s28, s6, $0xb8;
	[tilespmem:$0x1D000] =	vst v63  }
0xab: {  	_ =	swait.ge [sflag:s8], $0x4000  }
0xac: {  	s28 =	sld [smem:$0x7FC]  }
0xad: {  	[sflag:s8] =	ssyncset.done $0x0  }
0xae: {  	[sflag:s8] =	ssyncadd.s32 $0xFFFFC000  }
0xaf: {  	[spmem:s2] =	stream.indirect.scatter.add.f32 [tilespmem:s5], [sflag:$0x2], $0x80, s28, s6, $0xb8;
	[tilespmem:$0x1D000] =	vst v63  }
0xb0: {  	_ =	swait.ge [sflag:s9], $0x4000  }
0xb1: {  	s28 =	sld [smem:$0x7FD]  }
0xb2: {  	[sflag:s9] =	ssyncset.done $0x0  }
0xb3: {  	[sflag:s9] =	ssyncadd.s32 $0xFFFFC000  }
0xb4: {  	[spmem:s2] =	stream.indirect.scatter.add.f32 [tilespmem:s5], [sflag:$0x3], $0x80, s28, s6, $0xb8;
	[tilespmem:$0x1D000] =	vst v63  }
0xb5: {  	_ =	swait.ge [sflag:s10], $0x4000  }
0xb6: {  	[sflag:s10] =	ssyncset.done $0x0  }
0xb7: {  	[sflag:s10] =	ssyncadd.s32 $0xFFFFC000  }
0xb8: {  	[spmem:s2] =	stream.indirect.scatter.add.f32 [tilespmem:s5], [sflag:$0x4], $0x80, s23, s6, $0xb8;
	[tilespmem:$0x1D000] =	vst v63  }
0xb9: {  	_ =	swait.ge [sflag:s7], $0x4000  }
0xba: {  	[sflag:s7] =	ssyncset.done $0x0  }
0xbb: {  	[sflag:s7] =	ssyncadd.s32 $0xFFFFC000  }
0xbc: {  	[spmem:s2] =	stream.indirect.scatter.add.f32 [tilespmem:s5], [sflag:$0x1], $0x80, s22, s6, $0xb8;
	[tilespmem:$0x1D000] =	vst v63  }
0xbd: {  	_ =	swait.ge [sflag:s8], $0x4000  }
0xbe: {  	[sflag:s8] =	ssyncset.done $0x0  }
0xbf: {  	[sflag:s8] =	ssyncadd.s32 $0xFFFFC000  }
0xc0: {  	[spmem:s2] =	stream.indirect.scatter.add.f32 [tilespmem:s5], [sflag:$0x2], $0x80, s21, s6, $0xb8;
	[tilespmem:$0x1D000] =	vst v63  }
0xc1: {  	_ =	swait.ge [sflag:s9], $0x4000  }
0xc2: {  	[sflag:s9] =	ssyncset.done $0x0  }
0xc3: {  	[sflag:s9] =	ssyncadd.s32 $0xFFFFC000  }
0xc4: {  	[spmem:s2] =	stream.indirect.scatter.add.f32 [tilespmem:s5], [sflag:$0x3], $0x80, s20, s6, $0xb8;
	[tilespmem:$0x1D000] =	vst v63  }
0xc5: {  	_ =	swait.ge [sflag:s10], $0x4000  }
0xc6: {  	[sflag:s10] =	ssyncset.done $0x0  }
0xc7: {  	[sflag:s10] =	ssyncadd.s32 $0xFFFFC000  }
0xc8: {  	[spmem:s2] =	stream.indirect.scatter.add.f32 [tilespmem:s5], [sflag:$0x4], $0x80, s19, s6, $0xb8;
	[tilespmem:$0x1D000] =	vst v63  }
0xc9: {  	_ =	swait.ge [sflag:s7], $0x4000  }
0xca: {  	[sflag:s7] =	ssyncset.done $0x0  }
0xcb: {  	[sflag:s7] =	ssyncadd.s32 $0xFFFFC000  }
0xcc: {  	[spmem:s2] =	stream.indirect.scatter.add.f32 [tilespmem:s5], [sflag:$0x1], $0x80, s18, s6, $0xb8;
	[tilespmem:$0x1D000] =	vst v63  }
0xcd: {  	_ =	swait.ge [sflag:s8], $0x4000  }
0xce: {  	[sflag:s8] =	ssyncset.done $0x0  }
0xcf: {  	[sflag:s8] =	ssyncadd.s32 $0xFFFFC000  }
0xd0: {  	[spmem:s2] =	stream.indirect.scatter.add.f32 [tilespmem:s5], [sflag:$0x2], $0x80, s17, s6, $0xb8;
	[tilespmem:$0x1D000] =	vst v63  }
0xd1: {  	_ =	swait.ge [sflag:s9], $0x4000  }
0xd2: {  	[sflag:s9] =	ssyncset.done $0x0  }
0xd3: {  	[sflag:s9] =	ssyncadd.s32 $0xFFFFC000  }
0xd4: {  	[spmem:s2] =	stream.indirect.scatter.add.f32 [tilespmem:s5], [sflag:$0x3], $0x80, s16, s6, $0xb8;
	[tilespmem:$0x1D000] =	vst v63  }
0xd5: {  	_ =	swait.ge [sflag:s10], $0x4000  }
0xd6: {  	[sflag:s10] =	ssyncset.done $0x0  }
0xd7: {  	[sflag:s10] =	ssyncadd.s32 $0xFFFFC000  }
0xd8: {  	[spmem:s2] =	stream.indirect.scatter.add.f32 [tilespmem:s5], [sflag:$0x4], $0x80, s15, s6, $0xb8;
	[tilespmem:$0x1D000] =	vst v63  }
0xd9: {  	_ =	swait.ge [sflag:s7], $0x4000  }
0xda: {  	[sflag:s7] =	ssyncset.done $0x0  }
0xdb: {  	[sflag:s7] =	ssyncadd.s32 $0xFFFFC000  }
0xdc: {  	[spmem:s2] =	stream.indirect.scatter.add.f32 [tilespmem:s5], [sflag:$0x1], $0x80, s14, s6, $0xb8;
	[tilespmem:$0x1D000] =	vst v63  }
0xdd: {  	_ =	swait.ge [sflag:s8], $0x4000  }
0xde: {  	[sflag:s8] =	ssyncset.done $0x0  }
0xdf: {  	[sflag:s8] =	ssyncadd.s32 $0xFFFFC000  }
0xe0: {  	[spmem:s2] =	stream.indirect.scatter.add.f32 [tilespmem:s5], [sflag:$0x2], $0x80, s12, s6, $0xb8;
	[tilespmem:$0x1D000] =	vst v63  }
0xe1: {  	_ =	swait.ge [sflag:s9], $0x4000  }
0xe2: {  	[sflag:s9] =	ssyncset.done $0x0  }
0xe3: {  	[sflag:s9] =	ssyncadd.s32 $0xFFFFC000  }
0xe4: {  	[spmem:s2] =	stream.indirect.scatter.add.f32 [tilespmem:s5], [sflag:$0x3], $0x80, s13, s6, $0xb8;
	[tilespmem:$0x1D000] =	vst v63  }
0xe5: {  	_ =	swait.ge [sflag:s10], $0x4000  }
0xe6: {  	[sflag:s10] =	ssyncset.done $0x0  }
0xe7: {  	[sflag:s10] =	ssyncadd.s32 $0xFFFFC000  }
0xe8: {  	[spmem:s2] =	stream.indirect.scatter.add.f32 [tilespmem:s5], [sflag:$0x4], $0x80, s11, s6, $0xb8;
	[tilespmem:$0x1D000] =	vst v63  }
0xe9: {  	_ =	swait.ge [sflag:s7], $0x4000  }
0xea: {  	[sflag:s7] =	ssyncset.done $0x0  }
0xeb: {  	[sflag:s7] =	ssyncadd.s32 $0xFFFFC000  }
0xec: {  	_ =	swait.ge [sflag:s8], $0x4000  }
0xed: {  	[sflag:s8] =	ssyncset.done $0x0  }
0xee: {  	[sflag:s8] =	ssyncadd.s32 $0xFFFFC000  }
0xef: {  	_ =	swait.ge [sflag:s9], $0x4000  }
0xf0: {  	[sflag:s9] =	ssyncset.done $0x0  }
0xf1: {  	[sflag:s9] =	ssyncadd.s32 $0xFFFFC000  }
0xf2: {  	_ =	swait.ge [sflag:s10], $0x4000  }
0xf3: {  	[sflag:s10] =	ssyncset.done $0x0  }
0xf4: {  	p1 =	sne.s32 s30, $0x1;
	[sflag:s10] =	ssyncadd.s32 $0xFFFFC000  }
.Ltmp1:
0xf5: {  	s28 =	sshll.u32 s1, $0x6;
	[bflag:$0x0] =	sbarrier.arrive $0xFFFF;
	(pc) =	sbr.rel @!p1 .LBB2_2-.Ltmp1, $4  }
0xf6: {  	s29 =	sshrl.u32 s3, $0x3;
	s28 =	sor.u32 $0x1C05, s28;
	s31 =	rddreg [dreg:$0xa]  }
0xf7: {  	[hbm:s31], [sflag:s28] =	dma.local [spmem:s29], $0x2780  }
0xf8: {  	s30 =	sadd.s32 $0xFFFFFFFF, s30;
	_ =	swait.ge [sflag:s4], $0x2780  }
0xf9: {  	p0 =	por $0x1, $0x1;
	s31 =	rddreg [dreg:$0x5];
	[sflag:s4] =	ssyncset.done $0x0  }
.LBB2_3:
0xfa: {  	[sflag:s4] =	ssyncadd.s32 $0xFFFFD880  }
0xfb: {  	[tilespmem:s25], [sflag:$0x5] =	stream.linear.gather [hbm4b:s31+s24], $0x1400, $0x38;
	[tilespmem:$0x1D000] =	vst v63  }
0xfc: {  	_ =	swait.ge [sflag:s4], $0x1400  }
0xfd: {  	[sflag:s4] =	ssyncset.done $0x0  }
0xfe: {  	s31 =	rddreg [dreg:$0x3];
	[sflag:s4] =	ssyncadd.s32 $0xFFFFEC00  }
0xff: {  	[tilespmem:s5], [sflag:$0x5] =	stream.linear.gather [hbm4b:s31+s24], $0x4000, $0x38;
	[tilespmem:$0x1D000] =	vst v63  }
0x100: {  	_ =	swait.ge [sflag:s4], $0x4000  }
0x101: {  	[sflag:s4] =	ssyncset.done $0x0  }
0x102: {  	s31 =	rddreg [dreg:$0x4];
	[sflag:s4] =	ssyncadd.s32 $0xFFFFC000  }
0x103: {  	[tilespmem:s26], [sflag:$0x5] =	stream.linear.gather [hbm4b:s31+s24], $0x4000, $0x38;
	[tilespmem:$0x1D000] =	vst v63  }
0x104: {  	_ =	swait.ge [sflag:s4], $0x4000  }
0x105: {  	[sflag:s4] =	ssyncset.done $0x0  }
0x106: {  	[sflag:s4] =	ssyncadd.s32 $0xFFFFC000  }
0x107: {  	[spmem:s3] =	stream.linear.scatter [tilespmem:s26], [sflag:$0x5], $0x4000, $0x38;
	[tilespmem:$0x1D000] =	vst v63  }
0x108: {  	_ =	swait.ge [sflag:s4], $0x4000  }
0x109: {  	[sflag:s4] =	ssyncset.done $0x0  }
0x10a: {  	s31 =	rddreg [dreg:$0x6];
	[sflag:s4] =	ssyncadd.s32 $0xFFFFC000  }
0x10b: {  	[spmem:s31] =	stream.linear.scatter [tilespmem:s26], [sflag:$0x5], $0x4000, $0x38;
	[tilespmem:$0x1D000] =	vst v63  }
0x10c: {  	_ =	swait.ge [sflag:s4], $0x4000  }
0x10d: {  	[sflag:s4] =	ssyncset.done $0x0  }
0x10e: {  	s31 =	rddreg [dreg:$0x7];
	[sflag:s4] =	ssyncadd.s32 $0xFFFFC000  }
0x10f: {  	[spmem:s31] =	stream.linear.scatter [tilespmem:s26], [sflag:$0x5], $0x4000, $0x38;
	[tilespmem:$0x1D000] =	vst v63  }
0x110: {  	_ =	swait.ge [sflag:s4], $0x4000  }
0x111: {  	[sflag:s4] =	ssyncset.done $0x0  }
0x112: {  	s31 =	rddreg [dreg:$0x8];
	[sflag:s4] =	ssyncadd.s32 $0xFFFFC000  }
0x113: {  	[spmem:s31] =	stream.linear.scatter [tilespmem:s26], [sflag:$0x5], $0x4000, $0x38;
	[tilespmem:$0x1D000] =	vst v63  }
0x114: {  	_ =	swait.ge [sflag:s4], $0x4000  }
0x115: {  	[sflag:s4] =	ssyncset.done $0x0  }
0x116: {  	s31 =	rddreg [dreg:$0x9];
	[sflag:s4] =	ssyncadd.s32 $0xFFFFC000  }
0x117: {  	[spmem:s31] =	stream.linear.scatter [tilespmem:s26], [sflag:$0x5], $0x3C00, $0x38;
	[tilespmem:$0x1D000] =	vst v63  }
0x118: {  	_ =	swait.ge [sflag:s4], $0x3C00  }
0x119: {  	[sflag:s4] =	ssyncset.done $0x0  }
0x11a: {  	[sflag:s4] =	ssyncadd.s32 $0xFFFFC400  }
0x11b: {  	[bflag:$0x0] =	sbarrier.arrive $0xFFFF  }
0x11c: {  	[spmem:s2] =	stream.indirect.scatter.add.f32 [tilespmem:s5], [sflag:$0x1], $0x80, s25, s6, $0xb8;
	[tilespmem:$0x1D000] =	vst v63  }
0x11d: {  	s31 =	rddreg [dreg:$0xb]  }
0x11e: {  	[spmem:s2] =	stream.indirect.scatter.add.f32 [tilespmem:s5], [sflag:$0x2], $0x80, s31, s6, $0xb8;
	[tilespmem:$0x1D000] =	vst v63  }
0x11f: {  	s0 =	rddreg [dreg:$0xc]  }
0x120: {  	[spmem:s2] =	stream.indirect.scatter.add.f32 [tilespmem:s5], [sflag:$0x3], $0x80, s0, s6, $0xb8;
	[tilespmem:$0x1D000] =	vst v63  }
0x121: {  	s31 =	rddreg [dreg:$0xd]  }
0x122: {  	[spmem:s2] =	stream.indirect.scatter.add.f32 [tilespmem:s5], [sflag:$0x4], $0x80, s31, s6, $0xb8;
	[tilespmem:$0x1D000] =	vst v63  }
0x123: {  	_ =	swait.ge [sflag:s7], $0x4000  }
0x124: {  	[sflag:s7] =	ssyncset.done $0x0  }
0x125: {  	s0 =	rddreg [dreg:$0xe];
	[sflag:s7] =	ssyncadd.s32 $0xFFFFC000  }
0x126: {  	[spmem:s2] =	stream.indirect.scatter.add.f32 [tilespmem:s5], [sflag:$0x1], $0x80, s0, s6, $0xb8;
	[tilespmem:$0x1D000] =	vst v63  }
0x127: {  	_ =	swait.ge [sflag:s8], $0x4000  }
0x128: {  	[sflag:s8] =	ssyncset.done $0x0  }
0x129: {  	s0 =	rddreg [dreg:$0xf];
	[sflag:s8] =	ssyncadd.s32 $0xFFFFC000  }
0x12a: {  	[spmem:s2] =	stream.indirect.scatter.add.f32 [tilespmem:s5], [sflag:$0x2], $0x80, s0, s6, $0xb8;
	[tilespmem:$0x1D000] =	vst v63  }
0x12b: {  	_ =	swait.ge [sflag:s9], $0x4000  }
0x12c: {  	[sflag:s9] =	ssyncset.done $0x0  }
0x12d: {  	s0 =	rddreg [dreg:$0x10];
	[sflag:s9] =	ssyncadd.s32 $0xFFFFC000  }
0x12e: {  	[spmem:s2] =	stream.indirect.scatter.add.f32 [tilespmem:s5], [sflag:$0x3], $0x80, s0, s6, $0xb8;
	[tilespmem:$0x1D000] =	vst v63  }
0x12f: {  	_ =	swait.ge [sflag:s10], $0x4000  }
0x130: {  	[sflag:s10] =	ssyncset.done $0x0  }
0x131: {  	s0 =	rddreg [dreg:$0x11];
	[sflag:s10] =	ssyncadd.s32 $0xFFFFC000  }
0x132: {  	[spmem:s2] =	stream.indirect.scatter.add.f32 [tilespmem:s5], [sflag:$0x4], $0x80, s0, s6, $0xb8;
	[tilespmem:$0x1D000] =	vst v63  }
0x133: {  	_ =	swait.ge [sflag:s7], $0x4000  }
0x134: {  	[sflag:s7] =	ssyncset.done $0x0  }
0x135: {  	s0 =	rddreg [dreg:$0x12];
	[sflag:s7] =	ssyncadd.s32 $0xFFFFC000  }
0x136: {  	[spmem:s2] =	stream.indirect.scatter.add.f32 [tilespmem:s5], [sflag:$0x1], $0x80, s0, s6, $0xb8;
	[tilespmem:$0x1D000] =	vst v63  }
0x137: {  	_ =	swait.ge [sflag:s8], $0x4000  }
0x138: {  	[sflag:s8] =	ssyncset.done $0x0  }
0x139: {  	s0 =	rddreg [dreg:$0x13];
	[sflag:s8] =	ssyncadd.s32 $0xFFFFC000  }
0x13a: {  	[spmem:s2] =	stream.indirect.scatter.add.f32 [tilespmem:s5], [sflag:$0x2], $0x80, s0, s6, $0xb8;
	[tilespmem:$0x1D000] =	vst v63  }
0x13b: {  	_ =	swait.ge [sflag:s9], $0x4000  }
0x13c: {  	[sflag:s9] =	ssyncset.done $0x0  }
0x13d: {  	s0 =	rddreg [dreg:$0x14];
	[sflag:s9] =	ssyncadd.s32 $0xFFFFC000  }
0x13e: {  	[spmem:s2] =	stream.indirect.scatter.add.f32 [tilespmem:s5], [sflag:$0x3], $0x80, s0, s6, $0xb8;
	[tilespmem:$0x1D000] =	vst v63  }
0x13f: {  	_ =	swait.ge [sflag:s10], $0x4000  }
0x140: {  	[sflag:s10] =	ssyncset.done $0x0  }
0x141: {  	s0 =	rddreg [dreg:$0x15];
	[sflag:s10] =	ssyncadd.s32 $0xFFFFC000  }
0x142: {  	[spmem:s2] =	stream.indirect.scatter.add.f32 [tilespmem:s5], [sflag:$0x4], $0x80, s0, s6, $0xb8;
	[tilespmem:$0x1D000] =	vst v63  }
0x143: {  	_ =	swait.ge [sflag:s7], $0x4000  }
0x144: {  	[sflag:s7] =	ssyncset.done $0x0  }
0x145: {  	s0 =	rddreg [dreg:$0x16];
	[sflag:s7] =	ssyncadd.s32 $0xFFFFC000  }
0x146: {  	[spmem:s2] =	stream.indirect.scatter.add.f32 [tilespmem:s5], [sflag:$0x1], $0x80, s0, s6, $0xb8;
	[tilespmem:$0x1D000] =	vst v63  }
0x147: {  	_ =	swait.ge [sflag:s8], $0x4000  }
0x148: {  	[sflag:s8] =	ssyncset.done $0x0  }
0x149: {  	s0 =	rddreg [dreg:$0x17];
	[sflag:s8] =	ssyncadd.s32 $0xFFFFC000  }
0x14a: {  	[spmem:s2] =	stream.indirect.scatter.add.f32 [tilespmem:s5], [sflag:$0x2], $0x80, s0, s6, $0xb8;
	[tilespmem:$0x1D000] =	vst v63  }
0x14b: {  	_ =	swait.ge [sflag:s9], $0x4000  }
0x14c: {  	[sflag:s9] =	ssyncset.done $0x0  }
0x14d: {  	s0 =	rddreg [dreg:$0x18];
	[sflag:s9] =	ssyncadd.s32 $0xFFFFC000  }
0x14e: {  	[spmem:s2] =	stream.indirect.scatter.add.f32 [tilespmem:s5], [sflag:$0x3], $0x80, s0, s6, $0xb8;
	[tilespmem:$0x1D000] =	vst v63  }
0x14f: {  	_ =	swait.ge [sflag:s10], $0x4000  }
0x150: {  	[sflag:s10] =	ssyncset.done $0x0  }
0x151: {  	s0 =	rddreg [dreg:$0x19];
	[sflag:s10] =	ssyncadd.s32 $0xFFFFC000  }
0x152: {  	[spmem:s2] =	stream.indirect.scatter.add.f32 [tilespmem:s5], [sflag:$0x4], $0x80, s0, s6, $0xb8;
	[tilespmem:$0x1D000] =	vst v63  }
0x153: {  	_ =	swait.ge [sflag:s7], $0x4000  }
0x154: {  	[sflag:s7] =	ssyncset.done $0x0  }
0x155: {  	s0 =	rddreg [dreg:$0x1a];
	[sflag:s7] =	ssyncadd.s32 $0xFFFFC000  }
0x156: {  	[spmem:s2] =	stream.indirect.scatter.add.f32 [tilespmem:s5], [sflag:$0x1], $0x80, s0, s6, $0xb8;
	[tilespmem:$0x1D000] =	vst v63  }
0x157: {  	_ =	swait.ge [sflag:s8], $0x4000  }
0x158: {  	[sflag:s8] =	ssyncset.done $0x0  }
0x159: {  	s0 =	rddreg [dreg:$0x1b];
	[sflag:s8] =	ssyncadd.s32 $0xFFFFC000  }
0x15a: {  	[spmem:s2] =	stream.indirect.scatter.add.f32 [tilespmem:s5], [sflag:$0x2], $0x80, s0, s6, $0xb8;
	[tilespmem:$0x1D000] =	vst v63  }
0x15b: {  	_ =	swait.ge [sflag:s9], $0x4000  }
0x15c: {  	[sflag:s9] =	ssyncset.done $0x0  }
0x15d: {  	s0 =	rddreg [dreg:$0x1c];
	[sflag:s9] =	ssyncadd.s32 $0xFFFFC000  }
0x15e: {  	[spmem:s2] =	stream.indirect.scatter.add.f32 [tilespmem:s5], [sflag:$0x3], $0x80, s0, s6, $0xb8;
	[tilespmem:$0x1D000] =	vst v63  }
0x15f: {  	_ =	swait.ge [sflag:s10], $0x4000  }
0x160: {  	[sflag:s10] =	ssyncset.done $0x0  }
0x161: {  	s0 =	rddreg [dreg:$0x1d];
	[sflag:s10] =	ssyncadd.s32 $0xFFFFC000  }
0x162: {  	[spmem:s2] =	stream.indirect.scatter.add.f32 [tilespmem:s5], [sflag:$0x4], $0x80, s0, s6, $0xb8;
	[tilespmem:$0x1D000] =	vst v63  }
0x163: {  	_ =	swait.ge [sflag:s7], $0x4000  }
0x164: {  	[sflag:s7] =	ssyncset.done $0x0  }
0x165: {  	s0 =	rddreg [dreg:$0x1e];
	[sflag:s7] =	ssyncadd.s32 $0xFFFFC000  }
0x166: {  	[spmem:s2] =	stream.indirect.scatter.add.f32 [tilespmem:s5], [sflag:$0x1], $0x80, s0, s6, $0xb8;
	[tilespmem:$0x1D000] =	vst v63  }
0x167: {  	_ =	swait.ge [sflag:s8], $0x4000  }
0x168: {  	[sflag:s8] =	ssyncset.done $0x0  }
0x169: {  	s0 =	rddreg [dreg:$0x1f];
	[sflag:s8] =	ssyncadd.s32 $0xFFFFC000  }
0x16a: {  	[spmem:s2] =	stream.indirect.scatter.add.f32 [tilespmem:s5], [sflag:$0x2], $0x80, s0, s6, $0xb8;
	[tilespmem:$0x1D000] =	vst v63  }
0x16b: {  	_ =	swait.ge [sflag:s9], $0x4000  }
0x16c: {  	s0 =	sld [smem:$0x7F9]  }
0x16d: {  	[sflag:s9] =	ssyncset.done $0x0  }
0x16e: {  	[sflag:s9] =	ssyncadd.s32 $0xFFFFC000  }
0x16f: {  	[spmem:s2] =	stream.indirect.scatter.add.f32 [tilespmem:s5], [sflag:$0x3], $0x80, s0, s6, $0xb8;
	[tilespmem:$0x1D000] =	vst v63  }
0x170: {  	_ =	swait.ge [sflag:s10], $0x4000  }
0x171: {  	s0 =	sld [smem:$0x7FA]  }
0x172: {  	[sflag:s10] =	ssyncset.done $0x0  }
0x173: {  	[sflag:s10] =	ssyncadd.s32 $0xFFFFC000  }
0x174: {  	[spmem:s2] =	stream.indirect.scatter.add.f32 [tilespmem:s5], [sflag:$0x4], $0x80, s0, s6, $0xb8;
	[tilespmem:$0x1D000] =	vst v63  }
0x175: {  	_ =	swait.ge [sflag:s7], $0x4000  }
0x176: {  	s0 =	sld [smem:$0x7FB]  }
0x177: {  	[sflag:s7] =	ssyncset.done $0x0  }
0x178: {  	[sflag:s7] =	ssyncadd.s32 $0xFFFFC000  }
0x179: {  	[spmem:s2] =	stream.indirect.scatter.add.f32 [tilespmem:s5], [sflag:$0x1], $0x80, s0, s6, $0xb8;
	[tilespmem:$0x1D000] =	vst v63  }
0x17a: {  	_ =	swait.ge [sflag:s8], $0x4000  }
0x17b: {  	s0 =	sld [smem:$0x7FC]  }
0x17c: {  	[sflag:s8] =	ssyncset.done $0x0  }
0x17d: {  	[sflag:s8] =	ssyncadd.s32 $0xFFFFC000  }
0x17e: {  	[spmem:s2] =	stream.indirect.scatter.add.f32 [tilespmem:s5], [sflag:$0x2], $0x80, s0, s6, $0xb8;
	[tilespmem:$0x1D000] =	vst v63  }
0x17f: {  	_ =	swait.ge [sflag:s9], $0x4000  }
0x180: {  	s0 =	sld [smem:$0x7FD]  }
0x181: {  	[sflag:s9] =	ssyncset.done $0x0  }
0x182: {  	[sflag:s9] =	ssyncadd.s32 $0xFFFFC000  }
0x183: {  	[spmem:s2] =	stream.indirect.scatter.add.f32 [tilespmem:s5], [sflag:$0x3], $0x80, s0, s6, $0xb8;
	[tilespmem:$0x1D000] =	vst v63  }
0x184: {  	_ =	swait.ge [sflag:s10], $0x4000  }
0x185: {  	[sflag:s10] =	ssyncset.done $0x0  }
0x186: {  	[sflag:s10] =	ssyncadd.s32 $0xFFFFC000  }
0x187: {  	[spmem:s2] =	stream.indirect.scatter.add.f32 [tilespmem:s5], [sflag:$0x4], $0x80, s23, s6, $0xb8;
	[tilespmem:$0x1D000] =	vst v63  }
0x188: {  	_ =	swait.ge [sflag:s7], $0x4000  }
0x189: {  	[sflag:s7] =	ssyncset.done $0x0  }
0x18a: {  	[sflag:s7] =	ssyncadd.s32 $0xFFFFC000  }
0x18b: {  	[spmem:s2] =	stream.indirect.scatter.add.f32 [tilespmem:s5], [sflag:$0x1], $0x80, s22, s6, $0xb8;
	[tilespmem:$0x1D000] =	vst v63  }
0x18c: {  	_ =	swait.ge [sflag:s8], $0x4000  }
0x18d: {  	[sflag:s8] =	ssyncset.done $0x0  }
0x18e: {  	[sflag:s8] =	ssyncadd.s32 $0xFFFFC000  }
0x18f: {  	[spmem:s2] =	stream.indirect.scatter.add.f32 [tilespmem:s5], [sflag:$0x2], $0x80, s21, s6, $0xb8;
	[tilespmem:$0x1D000] =	vst v63  }
0x190: {  	_ =	swait.ge [sflag:s9], $0x4000  }
0x191: {  	[sflag:s9] =	ssyncset.done $0x0  }
0x192: {  	[sflag:s9] =	ssyncadd.s32 $0xFFFFC000  }
0x193: {  	[spmem:s2] =	stream.indirect.scatter.add.f32 [tilespmem:s5], [sflag:$0x3], $0x80, s20, s6, $0xb8;
	[tilespmem:$0x1D000] =	vst v63  }
0x194: {  	_ =	swait.ge [sflag:s10], $0x4000  }
0x195: {  	[sflag:s10] =	ssyncset.done $0x0  }
0x196: {  	[sflag:s10] =	ssyncadd.s32 $0xFFFFC000  }
0x197: {  	[spmem:s2] =	stream.indirect.scatter.add.f32 [tilespmem:s5], [sflag:$0x4], $0x80, s19, s6, $0xb8;
	[tilespmem:$0x1D000] =	vst v63  }
0x198: {  	_ =	swait.ge [sflag:s7], $0x4000  }
0x199: {  	[sflag:s7] =	ssyncset.done $0x0  }
0x19a: {  	[sflag:s7] =	ssyncadd.s32 $0xFFFFC000  }
0x19b: {  	[spmem:s2] =	stream.indirect.scatter.add.f32 [tilespmem:s5], [sflag:$0x1], $0x80, s18, s6, $0xb8;
	[tilespmem:$0x1D000] =	vst v63  }
0x19c: {  	_ =	swait.ge [sflag:s8], $0x4000  }
0x19d: {  	[sflag:s8] =	ssyncset.done $0x0  }
0x19e: {  	[sflag:s8] =	ssyncadd.s32 $0xFFFFC000  }
0x19f: {  	[spmem:s2] =	stream.indirect.scatter.add.f32 [tilespmem:s5], [sflag:$0x2], $0x80, s17, s6, $0xb8;
	[tilespmem:$0x1D000] =	vst v63  }
0x1a0: {  	_ =	swait.ge [sflag:s9], $0x4000  }
0x1a1: {  	[sflag:s9] =	ssyncset.done $0x0  }
0x1a2: {  	[sflag:s9] =	ssyncadd.s32 $0xFFFFC000  }
0x1a3: {  	[spmem:s2] =	stream.indirect.scatter.add.f32 [tilespmem:s5], [sflag:$0x3], $0x80, s16, s6, $0xb8;
	[tilespmem:$0x1D000] =	vst v63  }
0x1a4: {  	_ =	swait.ge [sflag:s10], $0x4000  }
0x1a5: {  	[sflag:s10] =	ssyncset.done $0x0  }
0x1a6: {  	[sflag:s10] =	ssyncadd.s32 $0xFFFFC000  }
0x1a7: {  	[spmem:s2] =	stream.indirect.scatter.add.f32 [tilespmem:s5], [sflag:$0x4], $0x80, s15, s6, $0xb8;
	[tilespmem:$0x1D000] =	vst v63  }
0x1a8: {  	_ =	swait.ge [sflag:s7], $0x4000  }
0x1a9: {  	[sflag:s7] =	ssyncset.done $0x0  }
0x1aa: {  	[sflag:s7] =	ssyncadd.s32 $0xFFFFC000  }
0x1ab: {  	[spmem:s2] =	stream.indirect.scatter.add.f32 [tilespmem:s5], [sflag:$0x1], $0x80, s14, s6, $0xb8;
	[tilespmem:$0x1D000] =	vst v63  }
0x1ac: {  	_ =	swait.ge [sflag:s8], $0x4000  }
0x1ad: {  	[sflag:s8] =	ssyncset.done $0x0  }
0x1ae: {  	[sflag:s8] =	ssyncadd.s32 $0xFFFFC000  }
0x1af: {  	[spmem:s2] =	stream.indirect.scatter.add.f32 [tilespmem:s5], [sflag:$0x2], $0x80, s12, s6, $0xb8;
	[tilespmem:$0x1D000] =	vst v63  }
0x1b0: {  	_ =	swait.ge [sflag:s9], $0x4000  }
0x1b1: {  	[sflag:s9] =	ssyncset.done $0x0  }
0x1b2: {  	[sflag:s9] =	ssyncadd.s32 $0xFFFFC000  }
0x1b3: {  	[spmem:s2] =	stream.indirect.scatter.add.f32 [tilespmem:s5], [sflag:$0x3], $0x80, s13, s6, $0xb8;
	[tilespmem:$0x1D000] =	vst v63  }
0x1b4: {  	_ =	swait.ge [sflag:s10], $0x4000  }
0x1b5: {  	[sflag:s10] =	ssyncset.done $0x0  }
0x1b6: {  	[sflag:s10] =	ssyncadd.s32 $0xFFFFC000  }
0x1b7: {  	[spmem:s2] =	stream.indirect.scatter.add.f32 [tilespmem:s5], [sflag:$0x4], $0x80, s11, s6, $0xb8;
	[tilespmem:$0x1D000] =	vst v63  }
0x1b8: {  	_ =	swait.ge [sflag:s7], $0x4000  }
0x1b9: {  	[sflag:s7] =	ssyncset.done $0x0  }
0x1ba: {  	[sflag:s7] =	ssyncadd.s32 $0xFFFFC000  }
0x1bb: {  	_ =	swait.ge [sflag:s8], $0x4000  }
0x1bc: {  	[sflag:s8] =	ssyncset.done $0x0  }
0x1bd: {  	[sflag:s8] =	ssyncadd.s32 $0xFFFFC000  }
0x1be: {  	_ =	swait.ge [sflag:s9], $0x4000  }
0x1bf: {  	[sflag:s9] =	ssyncset.done $0x0  }
0x1c0: {  	[sflag:s9] =	ssyncadd.s32 $0xFFFFC000  }
0x1c1: {  	_ =	swait.ge [sflag:s10], $0x4000  }
0x1c2: {  	[sflag:s10] =	ssyncset.done $0x0  }
0x1c3: {  	p1 =	sne.s32 s30, $0x1;
	[sflag:s10] =	ssyncadd.s32 $0xFFFFC000  }
.Ltmp2:
0x1c4: {  	[bflag:$0x0] =	sbarrier.arrive $0xFFFF;
	(pc) =	sbr.rel @p1 .LBB2_3-.Ltmp2, $4  }
0x1c5: {  	s0 =	rddreg [dreg:$0xa]  }
0x1c6: {  	[hbm:s0], [sflag:s28] =	dma.local [spmem:s29], $0x2780  }
0x1c7: {  	_ =	swait.ge [sflag:s4], $0x2780  }
0x1c8: {  	s30 =	sadd.s32 $0xFFFFFFFF, s30;
	s31 =	rddreg [dreg:$0x5];
	[sflag:s4] =	ssyncset.done $0x0  }
0x1c9: {  	s28 =	rddreg [dreg:$0x2]  }
.LBB2_5:
0x1ca: {  	[sflag:s4] =	ssyncadd.s32 @p0 $0xFFFFD880  }
0x1cb: {  	[tilespmem:s25], [sflag:$0x5] =	stream.linear.gather [hbm4b:s31+s24], $0x1400, $0x38;
	[tilespmem:$0x1D000] =	vst v63  }
0x1cc: {  	_ =	swait.ge [sflag:s4], $0x1400  }
0x1cd: {  	[sflag:s4] =	ssyncset.done $0x0  }
0x1ce: {  	s0 =	rddreg [dreg:$0x3];
	[sflag:s4] =	ssyncadd.s32 $0xFFFFEC00  }
0x1cf: {  	[tilespmem:s5], [sflag:$0x5] =	stream.linear.gather [hbm4b:s0+s24], $0x4000, $0x38;
	[tilespmem:$0x1D000] =	vst v63  }
0x1d0: {  	_ =	swait.ge [sflag:s4], $0x4000  }
0x1d1: {  	[sflag:s4] =	ssyncset.done $0x0  }
0x1d2: {  	s31 =	rddreg [dreg:$0x4];
	[sflag:s4] =	ssyncadd.s32 $0xFFFFC000  }
0x1d3: {  	[tilespmem:s26], [sflag:$0x5] =	stream.linear.gather [hbm4b:s31+s24], $0x4000, $0x38;
	[tilespmem:$0x1D000] =	vst v63  }
0x1d4: {  	_ =	swait.ge [sflag:s4], $0x4000  }
0x1d5: {  	[sflag:s4] =	ssyncset.done $0x0  }
0x1d6: {  	[sflag:s4] =	ssyncadd.s32 $0xFFFFC000  }
0x1d7: {  	[spmem:s3] =	stream.linear.scatter [tilespmem:s26], [sflag:$0x5], $0x4000, $0x38;
	[tilespmem:$0x1D000] =	vst v63  }
0x1d8: {  	_ =	swait.ge [sflag:s4], $0x4000  }
0x1d9: {  	[sflag:s4] =	ssyncset.done $0x0  }
0x1da: {  	s24 =	rddreg [dreg:$0x6];
	[sflag:s4] =	ssyncadd.s32 $0xFFFFC000  }
0x1db: {  	[spmem:s24] =	stream.linear.scatter [tilespmem:s26], [sflag:$0x5], $0x4000, $0x38;
	[tilespmem:$0x1D000] =	vst v63  }
0x1dc: {  	_ =	swait.ge [sflag:s4], $0x4000  }
0x1dd: {  	[sflag:s4] =	ssyncset.done $0x0  }
0x1de: {  	s29 =	rddreg [dreg:$0x7];
	[sflag:s4] =	ssyncadd.s32 $0xFFFFC000  }
0x1df: {  	[spmem:s29] =	stream.linear.scatter [tilespmem:s26], [sflag:$0x5], $0x4000, $0x38;
	[tilespmem:$0x1D000] =	vst v63  }
0x1e0: {  	_ =	swait.ge [sflag:s4], $0x4000  }
0x1e1: {  	[sflag:s4] =	ssyncset.done $0x0  }
0x1e2: {  	s30 =	rddreg [dreg:$0x8];
	[sflag:s4] =	ssyncadd.s32 $0xFFFFC000  }
0x1e3: {  	[spmem:s30] =	stream.linear.scatter [tilespmem:s26], [sflag:$0x5], $0x4000, $0x38;
	[tilespmem:$0x1D000] =	vst v63  }
0x1e4: {  	_ =	swait.ge [sflag:s4], $0x4000  }
0x1e5: {  	[sflag:s4] =	ssyncset.done $0x0  }
0x1e6: {  	s31 =	rddreg [dreg:$0x9];
	[sflag:s4] =	ssyncadd.s32 $0xFFFFC000  }
0x1e7: {  	[spmem:s31] =	stream.linear.scatter [tilespmem:s26], [sflag:$0x5], $0x3C00, $0x38;
	[tilespmem:$0x1D000] =	vst v63  }
0x1e8: {  	_ =	swait.ge [sflag:s4], $0x3C00  }
0x1e9: {  	[sflag:s4] =	ssyncset.done $0x0  }
0x1ea: {  	[sflag:s4] =	ssyncadd.s32 $0xFFFFC400  }
0x1eb: {  	[bflag:$0x0] =	sbarrier.arrive $0xFFFF  }
0x1ec: {  	[spmem:s2] =	stream.indirect.scatter.add.f32 [tilespmem:s5], [sflag:$0x1], $0x80, s25, s6, $0xb8;
	[tilespmem:$0x1D000] =	vst v63  }
0x1ed: {  	s24 =	rddreg [dreg:$0xb]  }
0x1ee: {  	[spmem:s2] =	stream.indirect.scatter.add.f32 [tilespmem:s5], [sflag:$0x2], $0x80, s24, s6, $0xb8;
	[tilespmem:$0x1D000] =	vst v63  }
0x1ef: {  	s26 =	rddreg [dreg:$0xc]  }
0x1f0: {  	[spmem:s2] =	stream.indirect.scatter.add.f32 [tilespmem:s5], [sflag:$0x3], $0x80, s26, s6, $0xb8;
	[tilespmem:$0x1D000] =	vst v63  }
0x1f1: {  	s29 =	rddreg [dreg:$0xd]  }
0x1f2: {  	[spmem:s2] =	stream.indirect.scatter.add.f32 [tilespmem:s5], [sflag:$0x4], $0x80, s29, s6, $0xb8;
	[tilespmem:$0x1D000] =	vst v63  }
0x1f3: {  	_ =	swait.ge [sflag:s7], $0x4000  }
0x1f4: {  	[sflag:s7] =	ssyncset.done $0x0  }
0x1f5: {  	s30 =	rddreg [dreg:$0xe];
	[sflag:s7] =	ssyncadd.s32 $0xFFFFC000  }
0x1f6: {  	[spmem:s2] =	stream.indirect.scatter.add.f32 [tilespmem:s5], [sflag:$0x1], $0x80, s30, s6, $0xb8;
	[tilespmem:$0x1D000] =	vst v63  }
0x1f7: {  	_ =	swait.ge [sflag:s8], $0x4000  }
0x1f8: {  	[sflag:s8] =	ssyncset.done $0x0  }
0x1f9: {  	s31 =	rddreg [dreg:$0xf];
	[sflag:s8] =	ssyncadd.s32 $0xFFFFC000  }
0x1fa: {  	[spmem:s2] =	stream.indirect.scatter.add.f32 [tilespmem:s5], [sflag:$0x2], $0x80, s31, s6, $0xb8;
	[tilespmem:$0x1D000] =	vst v63  }
0x1fb: {  	_ =	swait.ge [sflag:s9], $0x4000  }
0x1fc: {  	[sflag:s9] =	ssyncset.done $0x0  }
0x1fd: {  	s24 =	rddreg [dreg:$0x10];
	[sflag:s9] =	ssyncadd.s32 $0xFFFFC000  }
0x1fe: {  	[spmem:s2] =	stream.indirect.scatter.add.f32 [tilespmem:s5], [sflag:$0x3], $0x80, s24, s6, $0xb8;
	[tilespmem:$0x1D000] =	vst v63  }
0x1ff: {  	_ =	swait.ge [sflag:s10], $0x4000  }
0x200: {  	[sflag:s10] =	ssyncset.done $0x0  }
0x201: {  	s25 =	rddreg [dreg:$0x11];
	[sflag:s10] =	ssyncadd.s32 $0xFFFFC000  }
0x202: {  	[spmem:s2] =	stream.indirect.scatter.add.f32 [tilespmem:s5], [sflag:$0x4], $0x80, s25, s6, $0xb8;
	[tilespmem:$0x1D000] =	vst v63  }
0x203: {  	_ =	swait.ge [sflag:s7], $0x4000  }
0x204: {  	[sflag:s7] =	ssyncset.done $0x0  }
0x205: {  	s26 =	rddreg [dreg:$0x12];
	[sflag:s7] =	ssyncadd.s32 $0xFFFFC000  }
0x206: {  	[spmem:s2] =	stream.indirect.scatter.add.f32 [tilespmem:s5], [sflag:$0x1], $0x80, s26, s6, $0xb8;
	[tilespmem:$0x1D000] =	vst v63  }
0x207: {  	_ =	swait.ge [sflag:s8], $0x4000  }
0x208: {  	[sflag:s8] =	ssyncset.done $0x0  }
0x209: {  	s29 =	rddreg [dreg:$0x13];
	[sflag:s8] =	ssyncadd.s32 $0xFFFFC000  }
0x20a: {  	[spmem:s2] =	stream.indirect.scatter.add.f32 [tilespmem:s5], [sflag:$0x2], $0x80, s29, s6, $0xb8;
	[tilespmem:$0x1D000] =	vst v63  }
0x20b: {  	_ =	swait.ge [sflag:s9], $0x4000  }
0x20c: {  	[sflag:s9] =	ssyncset.done $0x0  }
0x20d: {  	s30 =	rddreg [dreg:$0x14];
	[sflag:s9] =	ssyncadd.s32 $0xFFFFC000  }
0x20e: {  	[spmem:s2] =	stream.indirect.scatter.add.f32 [tilespmem:s5], [sflag:$0x3], $0x80, s30, s6, $0xb8;
	[tilespmem:$0x1D000] =	vst v63  }
0x20f: {  	_ =	swait.ge [sflag:s10], $0x4000  }
0x210: {  	[sflag:s10] =	ssyncset.done $0x0  }
0x211: {  	s31 =	rddreg [dreg:$0x15];
	[sflag:s10] =	ssyncadd.s32 $0xFFFFC000  }
0x212: {  	[spmem:s2] =	stream.indirect.scatter.add.f32 [tilespmem:s5], [sflag:$0x4], $0x80, s31, s6, $0xb8;
	[tilespmem:$0x1D000] =	vst v63  }
0x213: {  	_ =	swait.ge [sflag:s7], $0x4000  }
0x214: {  	[sflag:s7] =	ssyncset.done $0x0  }
0x215: {  	s24 =	rddreg [dreg:$0x16];
	[sflag:s7] =	ssyncadd.s32 $0xFFFFC000  }
0x216: {  	[spmem:s2] =	stream.indirect.scatter.add.f32 [tilespmem:s5], [sflag:$0x1], $0x80, s24, s6, $0xb8;
	[tilespmem:$0x1D000] =	vst v63  }
0x217: {  	_ =	swait.ge [sflag:s8], $0x4000  }
0x218: {  	[sflag:s8] =	ssyncset.done $0x0  }
0x219: {  	s25 =	rddreg [dreg:$0x17];
	[sflag:s8] =	ssyncadd.s32 $0xFFFFC000  }
0x21a: {  	[spmem:s2] =	stream.indirect.scatter.add.f32 [tilespmem:s5], [sflag:$0x2], $0x80, s25, s6, $0xb8;
	[tilespmem:$0x1D000] =	vst v63  }
0x21b: {  	_ =	swait.ge [sflag:s9], $0x4000  }
0x21c: {  	[sflag:s9] =	ssyncset.done $0x0  }
0x21d: {  	s26 =	rddreg [dreg:$0x18];
	[sflag:s9] =	ssyncadd.s32 $0xFFFFC000  }
0x21e: {  	[spmem:s2] =	stream.indirect.scatter.add.f32 [tilespmem:s5], [sflag:$0x3], $0x80, s26, s6, $0xb8;
	[tilespmem:$0x1D000] =	vst v63  }
0x21f: {  	_ =	swait.ge [sflag:s10], $0x4000  }
0x220: {  	[sflag:s10] =	ssyncset.done $0x0  }
0x221: {  	s29 =	rddreg [dreg:$0x19];
	[sflag:s10] =	ssyncadd.s32 $0xFFFFC000  }
0x222: {  	[spmem:s2] =	stream.indirect.scatter.add.f32 [tilespmem:s5], [sflag:$0x4], $0x80, s29, s6, $0xb8;
	[tilespmem:$0x1D000] =	vst v63  }
0x223: {  	_ =	swait.ge [sflag:s7], $0x4000  }
0x224: {  	[sflag:s7] =	ssyncset.done $0x0  }
0x225: {  	s30 =	rddreg [dreg:$0x1a];
	[sflag:s7] =	ssyncadd.s32 $0xFFFFC000  }
0x226: {  	[spmem:s2] =	stream.indirect.scatter.add.f32 [tilespmem:s5], [sflag:$0x1], $0x80, s30, s6, $0xb8;
	[tilespmem:$0x1D000] =	vst v63  }
0x227: {  	_ =	swait.ge [sflag:s8], $0x4000  }
0x228: {  	[sflag:s8] =	ssyncset.done $0x0  }
0x229: {  	s31 =	rddreg [dreg:$0x1b];
	[sflag:s8] =	ssyncadd.s32 $0xFFFFC000  }
0x22a: {  	[spmem:s2] =	stream.indirect.scatter.add.f32 [tilespmem:s5], [sflag:$0x2], $0x80, s31, s6, $0xb8;
	[tilespmem:$0x1D000] =	vst v63  }
0x22b: {  	_ =	swait.ge [sflag:s9], $0x4000  }
0x22c: {  	[sflag:s9] =	ssyncset.done $0x0  }
0x22d: {  	s24 =	rddreg [dreg:$0x1c];
	[sflag:s9] =	ssyncadd.s32 $0xFFFFC000  }
0x22e: {  	[spmem:s2] =	stream.indirect.scatter.add.f32 [tilespmem:s5], [sflag:$0x3], $0x80, s24, s6, $0xb8;
	[tilespmem:$0x1D000] =	vst v63  }
0x22f: {  	_ =	swait.ge [sflag:s10], $0x4000  }
0x230: {  	[sflag:s10] =	ssyncset.done $0x0  }
0x231: {  	s25 =	rddreg [dreg:$0x1d];
	[sflag:s10] =	ssyncadd.s32 $0xFFFFC000  }
0x232: {  	[spmem:s2] =	stream.indirect.scatter.add.f32 [tilespmem:s5], [sflag:$0x4], $0x80, s25, s6, $0xb8;
	[tilespmem:$0x1D000] =	vst v63  }
0x233: {  	_ =	swait.ge [sflag:s7], $0x4000  }
0x234: {  	[sflag:s7] =	ssyncset.done $0x0  }
0x235: {  	s26 =	rddreg [dreg:$0x1e];
	[sflag:s7] =	ssyncadd.s32 $0xFFFFC000  }
0x236: {  	[spmem:s2] =	stream.indirect.scatter.add.f32 [tilespmem:s5], [sflag:$0x1], $0x80, s26, s6, $0xb8;
	[tilespmem:$0x1D000] =	vst v63  }
0x237: {  	_ =	swait.ge [sflag:s8], $0x4000  }
0x238: {  	[sflag:s8] =	ssyncset.done $0x0  }
0x239: {  	s29 =	rddreg [dreg:$0x1f];
	[sflag:s8] =	ssyncadd.s32 $0xFFFFC000  }
0x23a: {  	[spmem:s2] =	stream.indirect.scatter.add.f32 [tilespmem:s5], [sflag:$0x2], $0x80, s29, s6, $0xb8;
	[tilespmem:$0x1D000] =	vst v63  }
0x23b: {  	_ =	swait.ge [sflag:s9], $0x4000  }
0x23c: {  	s30 =	sld [smem:$0x7F9]  }
0x23d: {  	[sflag:s9] =	ssyncset.done $0x0  }
0x23e: {  	[sflag:s9] =	ssyncadd.s32 $0xFFFFC000  }
0x23f: {  	[spmem:s2] =	stream.indirect.scatter.add.f32 [tilespmem:s5], [sflag:$0x3], $0x80, s30, s6, $0xb8;
	[tilespmem:$0x1D000] =	vst v63  }
0x240: {  	_ =	swait.ge [sflag:s10], $0x4000  }
0x241: {  	s31 =	sld [smem:$0x7FA]  }
0x242: {  	[sflag:s10] =	ssyncset.done $0x0  }
0x243: {  	[sflag:s10] =	ssyncadd.s32 $0xFFFFC000  }
0x244: {  	[spmem:s2] =	stream.indirect.scatter.add.f32 [tilespmem:s5], [sflag:$0x4], $0x80, s31, s6, $0xb8;
	[tilespmem:$0x1D000] =	vst v63  }
0x245: {  	_ =	swait.ge [sflag:s7], $0x4000  }
0x246: {  	s24 =	sld [smem:$0x7FB]  }
0x247: {  	[sflag:s7] =	ssyncset.done $0x0  }
0x248: {  	[sflag:s7] =	ssyncadd.s32 $0xFFFFC000  }
0x249: {  	[spmem:s2] =	stream.indirect.scatter.add.f32 [tilespmem:s5], [sflag:$0x1], $0x80, s24, s6, $0xb8;
	[tilespmem:$0x1D000] =	vst v63  }
0x24a: {  	_ =	swait.ge [sflag:s8], $0x4000  }
0x24b: {  	s25 =	sld [smem:$0x7FC]  }
0x24c: {  	[sflag:s8] =	ssyncset.done $0x0  }
0x24d: {  	[sflag:s8] =	ssyncadd.s32 $0xFFFFC000  }
0x24e: {  	[spmem:s2] =	stream.indirect.scatter.add.f32 [tilespmem:s5], [sflag:$0x2], $0x80, s25, s6, $0xb8;
	[tilespmem:$0x1D000] =	vst v63  }
0x24f: {  	_ =	swait.ge [sflag:s9], $0x4000  }
0x250: {  	s26 =	sld [smem:$0x7FD]  }
0x251: {  	[sflag:s9] =	ssyncset.done $0x0  }
0x252: {  	[sflag:s9] =	ssyncadd.s32 $0xFFFFC000  }
0x253: {  	[spmem:s2] =	stream.indirect.scatter.add.f32 [tilespmem:s5], [sflag:$0x3], $0x80, s26, s6, $0xb8;
	[tilespmem:$0x1D000] =	vst v63  }
0x254: {  	_ =	swait.ge [sflag:s10], $0x4000  }
0x255: {  	[sflag:s10] =	ssyncset.done $0x0  }
0x256: {  	[sflag:s10] =	ssyncadd.s32 $0xFFFFC000  }
0x257: {  	[spmem:s2] =	stream.indirect.scatter.add.f32 [tilespmem:s5], [sflag:$0x4], $0x80, s23, s6, $0xb8;
	[tilespmem:$0x1D000] =	vst v63  }
0x258: {  	_ =	swait.ge [sflag:s7], $0x4000  }
0x259: {  	[sflag:s7] =	ssyncset.done $0x0  }
0x25a: {  	[sflag:s7] =	ssyncadd.s32 $0xFFFFC000  }
0x25b: {  	[spmem:s2] =	stream.indirect.scatter.add.f32 [tilespmem:s5], [sflag:$0x1], $0x80, s22, s6, $0xb8;
	[tilespmem:$0x1D000] =	vst v63  }
0x25c: {  	_ =	swait.ge [sflag:s8], $0x4000  }
0x25d: {  	[sflag:s8] =	ssyncset.done $0x0  }
0x25e: {  	[sflag:s8] =	ssyncadd.s32 $0xFFFFC000  }
0x25f: {  	[spmem:s2] =	stream.indirect.scatter.add.f32 [tilespmem:s5], [sflag:$0x2], $0x80, s21, s6, $0xb8;
	[tilespmem:$0x1D000] =	vst v63  }
0x260: {  	_ =	swait.ge [sflag:s9], $0x4000  }
0x261: {  	[sflag:s9] =	ssyncset.done $0x0  }
0x262: {  	[sflag:s9] =	ssyncadd.s32 $0xFFFFC000  }
0x263: {  	[spmem:s2] =	stream.indirect.scatter.add.f32 [tilespmem:s5], [sflag:$0x3], $0x80, s20, s6, $0xb8;
	[tilespmem:$0x1D000] =	vst v63  }
0x264: {  	_ =	swait.ge [sflag:s10], $0x4000  }
0x265: {  	[sflag:s10] =	ssyncset.done $0x0  }
0x266: {  	[sflag:s10] =	ssyncadd.s32 $0xFFFFC000  }
0x267: {  	[spmem:s2] =	stream.indirect.scatter.add.f32 [tilespmem:s5], [sflag:$0x4], $0x80, s19, s6, $0xb8;
	[tilespmem:$0x1D000] =	vst v63  }
0x268: {  	_ =	swait.ge [sflag:s7], $0x4000  }
0x269: {  	[sflag:s7] =	ssyncset.done $0x0  }
0x26a: {  	[sflag:s7] =	ssyncadd.s32 $0xFFFFC000  }
0x26b: {  	[spmem:s2] =	stream.indirect.scatter.add.f32 [tilespmem:s5], [sflag:$0x1], $0x80, s18, s6, $0xb8;
	[tilespmem:$0x1D000] =	vst v63  }
0x26c: {  	_ =	swait.ge [sflag:s8], $0x4000  }
0x26d: {  	[sflag:s8] =	ssyncset.done $0x0  }
0x26e: {  	[sflag:s8] =	ssyncadd.s32 $0xFFFFC000  }
0x26f: {  	[spmem:s2] =	stream.indirect.scatter.add.f32 [tilespmem:s5], [sflag:$0x2], $0x80, s17, s6, $0xb8;
	[tilespmem:$0x1D000] =	vst v63  }
0x270: {  	_ =	swait.ge [sflag:s9], $0x4000  }
0x271: {  	[sflag:s9] =	ssyncset.done $0x0  }
0x272: {  	[sflag:s9] =	ssyncadd.s32 $0xFFFFC000  }
0x273: {  	[spmem:s2] =	stream.indirect.scatter.add.f32 [tilespmem:s5], [sflag:$0x3], $0x80, s16, s6, $0xb8;
	[tilespmem:$0x1D000] =	vst v63  }
0x274: {  	_ =	swait.ge [sflag:s10], $0x4000  }
0x275: {  	[sflag:s10] =	ssyncset.done $0x0  }
0x276: {  	[sflag:s10] =	ssyncadd.s32 $0xFFFFC000  }
0x277: {  	[spmem:s2] =	stream.indirect.scatter.add.f32 [tilespmem:s5], [sflag:$0x4], $0x80, s15, s6, $0xb8;
	[tilespmem:$0x1D000] =	vst v63  }
0x278: {  	_ =	swait.ge [sflag:s7], $0x4000  }
0x279: {  	[sflag:s7] =	ssyncset.done $0x0  }
0x27a: {  	[sflag:s7] =	ssyncadd.s32 $0xFFFFC000  }
0x27b: {  	[spmem:s2] =	stream.indirect.scatter.add.f32 [tilespmem:s5], [sflag:$0x1], $0x80, s14, s6, $0xb8;
	[tilespmem:$0x1D000] =	vst v63  }
0x27c: {  	_ =	swait.ge [sflag:s8], $0x4000  }
0x27d: {  	[sflag:s8] =	ssyncset.done $0x0  }
0x27e: {  	[sflag:s8] =	ssyncadd.s32 $0xFFFFC000  }
0x27f: {  	[spmem:s2] =	stream.indirect.scatter.add.f32 [tilespmem:s5], [sflag:$0x2], $0x80, s12, s6, $0xb8;
	[tilespmem:$0x1D000] =	vst v63  }
0x280: {  	_ =	swait.ge [sflag:s9], $0x4000  }
0x281: {  	[sflag:s9] =	ssyncset.done $0x0  }
0x282: {  	[sflag:s9] =	ssyncadd.s32 $0xFFFFC000  }
0x283: {  	[spmem:s2] =	stream.indirect.scatter.add.f32 [tilespmem:s5], [sflag:$0x3], $0x80, s13, s6, $0xb8;
	[tilespmem:$0x1D000] =	vst v63  }
0x284: {  	_ =	swait.ge [sflag:s10], $0x4000  }
0x285: {  	[sflag:s10] =	ssyncset.done $0x0  }
0x286: {  	[sflag:s10] =	ssyncadd.s32 $0xFFFFC000  }
0x287: {  	[spmem:s2] =	stream.indirect.scatter.add.f32 [tilespmem:s5], [sflag:$0x4], $0x80, s11, s6, $0xb8;
	[tilespmem:$0x1D000] =	vst v63  }
0x288: {  	_ =	swait.ge [sflag:s7], $0x4000  }
0x289: {  	[sflag:s7] =	ssyncset.done $0x0  }
0x28a: {  	[sflag:s7] =	ssyncadd.s32 $0xFFFFC000  }
0x28b: {  	_ =	swait.ge [sflag:s8], $0x4000  }
0x28c: {  	[sflag:s8] =	ssyncset.done $0x0  }
0x28d: {  	[sflag:s8] =	ssyncadd.s32 $0xFFFFC000  }
0x28e: {  	_ =	swait.ge [sflag:s9], $0x4000  }
0x28f: {  	[sflag:s9] =	ssyncset.done $0x0  }
0x290: {  	[sflag:s9] =	ssyncadd.s32 $0xFFFFC000  }
0x291: {  	_ =	swait.ge [sflag:s10], $0x4000  }
0x292: {  	[sflag:s10] =	ssyncset.done $0x0  }
0x293: {  	[sflag:s10] =	ssyncadd.s32 $0xFFFFC000  }
0x294: {  	s30 =	sshll.u32 s1, $0x6;
	[bflag:$0x0] =	sbarrier.arrive $0xFFFF  }
0x295: {  	s31 =	sshrl.u32 s3, $0x3;
	s2 =	sor.u32 $0x1C05, s30;
	s29 =	rddreg [dreg:$0xa]  }
0x296: {  	[hbm:s29], [sflag:s2] =	dma.local [spmem:s31], $0x2780  }
0x297: {  	_ =	swait.ge [sflag:s4], $0x2780  }
0x298: {  	[sflag:s4] =	ssyncset.done $0x0  }
0x299: {  	[sflag:s4] =	ssyncadd.s32 $0xFFFFD880  }
0x29a: {  	_ =	sfence.sel $0x180000  }
0x29b: {  	[bflag:$0x0] =	sbarrier.arrive $0xFFFF  }
0x29c: {  	p0 =	sne.s32 s1, $0x0;
	_ =	strace $0x90000047  }
0x29d: {  	s0 =	sadd.s32 @!p0 $0x100000, s28;
	[bflag:$0x2] =	sbarrier.arrive $0xFFFF  }
0x29e: {  	[sflag:s0] =	ssyncadd.tile.s32 @!p0 $0x1;
	_ =	shalt  }
.LBB2_2:
.Ltmp3:
0x29f: {  	(pc) =	sbr.rel .LBB2_5-.Ltmp3, $2  }
0x2a0: {  	_ =	sdelay $0x2  }
0x2a1: {  	s28 =	rddreg [dreg:$0x2]  }
.Lfunc_end2:
_tile_overlayer_lowered:
.L_overlay_start_2:
0x2a2: {  	(tag) =	ssettag $0x2  }
0x2a3: {  	s0 =	rddreg [dreg:$0x0];
	s2 =	stileid.u32  }
0x2a4: {  	s1 =	rddreg [dreg:$0x1];
	p0 =	sne.s32 s2, $0x0  }
0x2a5: {  	s3 =	rddreg [dreg:$0x2];
	[bflag:$0x3] =	sbarrier.arrive $0xFFFF;
	s2 =	simm.s32 @!p0 $0x1C05  }
0x2a6: {  	[timem:s3], [sflag:s2] =	dma.local @!p0 [hbm:s0], s1  }
0x2a7: {  	s0 =	simm.s32 @!p0 $0x5  }
0x2a8: {  	_ =	swait.ge @!p0 [sflag:s0], s1  }
0x2a9: {  	s1 =	ssub.s32 @!p0 $0x0, s1;
	[sflag:s0] =	ssyncset.done @!p0 $0x0  }
0x2aa: {  	[sflag:s0] =	ssyncadd.s32 @!p0 s1  }
0x2ab: {  	[bflag:$0x3] =	sbarrier.arrive $0xFFFF  }
0x2ac: {  	_ =	shalt  }

</sc_bundles>
